<compile_context>
chip_gen: v7x
topology: tpu7x:2x2x1
jax: 0.10.2.dev20260603
libtpu: 0.0.44.dev20260713+nightly
codegen_flags: <defaults>
</compile_context>

<pallas_src>
import functools
import jax
import jax.numpy as jnp
from jax import lax
from jax.experimental import pallas as pl
from jax.experimental.pallas import tpu as pltpu
from jax.experimental.pallas import tpu_sc as plsc

H = 128
NBASIS = 4


def _silu(v):
    return v * (1.0 / (1.0 + jnp.exp(-v)))



def _dense_e_body(x_ref, rbf_ref, jiW_ref, jib_ref, kjW_ref, kjb_ref,
                  rbfW_ref, xji_ref, xkj_ref):
    x = x_ref[...].astype(jnp.bfloat16)
    xji_ref[...] = _silu(
        jnp.dot(x, jiW_ref[...].astype(jnp.bfloat16),
                preferred_element_type=jnp.float32) + jib_ref[...])
    rbf_h = jnp.dot(rbf_ref[...], rbfW_ref[...],
                    preferred_element_type=jnp.float32)
    xkj_ref[...] = _silu(
        jnp.dot(x, kjW_ref[...].astype(jnp.bfloat16),
                preferred_element_type=jnp.float32) + kjb_ref[...]) * rbf_h


def _dense_e(x, rbf, jiW, jib, kjW, kjb, rbfW, bE):
    E = x.shape[0]
    NR = rbf.shape[1]
    grid = (E // bE,)
    full = lambda shape: pl.BlockSpec(shape, lambda i: (0, 0))
    return pl.pallas_call(
        _dense_e_body,
        grid=grid,
        in_specs=[
            pl.BlockSpec((bE, H), lambda i: (i, 0)),
            pl.BlockSpec((bE, NR), lambda i: (i, 0)),
            full((H, H)), full((1, H)), full((H, H)), full((1, H)),
            full((NR, H)),
        ],
        out_specs=[
            pl.BlockSpec((bE, H), lambda i: (i, 0)),
            pl.BlockSpec((bE, H), lambda i: (i, 0)),
        ],
        out_shape=[
            jax.ShapeDtypeStruct((E, H), jnp.float32),
            jax.ShapeDtypeStruct((E, H), jnp.float32),
        ],
    )(x, rbf, jiW, jib, kjW, kjb, rbfW)



def _trip_body(sbf_ref, g_ref, sbfW_ref, Wm_ref, y_ref):
    sbf_h = jnp.dot(sbf_ref[...], sbfW_ref[...],
                    preferred_element_type=jnp.float32)
    g = g_ref[...].astype(jnp.bfloat16)
    acc = jnp.zeros_like(y_ref)
    for j in range(NBASIS):
        t = jnp.dot(g, Wm_ref[j], preferred_element_type=jnp.float32)
        acc = acc + t * sbf_h[:, j:j + 1]
    y_ref[...] = acc


def _trip(sbf, g, sbfW, Wm, bT):
    T = g.shape[0]
    SR = sbf.shape[1]
    grid = (T // bT,)
    return pl.pallas_call(
        _trip_body,
        grid=grid,
        in_specs=[
            pl.BlockSpec((bT, SR), lambda i: (i, 0)),
            pl.BlockSpec((bT, H), lambda i: (i, 0)),
            pl.BlockSpec((SR, NBASIS), lambda i: (0, 0)),
            pl.BlockSpec((NBASIS, H, H), lambda i: (0, 0, 0)),
        ],
        out_specs=pl.BlockSpec((bT, H), lambda i: (i, 0)),
        out_shape=jax.ShapeDtypeStruct((T, H), jnp.float32),
    )(sbf, g, sbfW, Wm)



def _final_body(xji_ref, s_ref, W_ref, b_ref, out_ref):
    h = (xji_ref[...] + s_ref[...]).astype(jnp.bfloat16)
    out_ref[...] = _silu(
        jnp.dot(h, W_ref[...].astype(jnp.bfloat16),
                preferred_element_type=jnp.float32) + b_ref[...])


def _final(xji, s, W, b, bE):
    E = xji.shape[0]
    grid = (E // bE,)
    return pl.pallas_call(
        _final_body,
        grid=grid,
        in_specs=[
            pl.BlockSpec((bE, H), lambda i: (i, 0)),
            pl.BlockSpec((bE, H), lambda i: (i, 0)),
            pl.BlockSpec((H, H), lambda i: (0, 0)),
            pl.BlockSpec((1, H), lambda i: (0, 0)),
        ],
        out_specs=pl.BlockSpec((bE, H), lambda i: (i, 0)),
        out_shape=jax.ShapeDtypeStruct((E, H), jnp.float32),
    )(xji, s, W, b)



SC_NC = 2
SC_NT = 16
CH = 8192
SB = 128


def _scatter_make(T, E):
    nchg = (E + CH - 1) // CH
    ncs = nchg // SC_NC
    mesh = plsc.VectorSubcoreMesh(core_axis_name="c", subcore_axis_name="s")

    @functools.partial(
        pl.kernel, mesh=mesh,
        out_type=jax.ShapeDtypeStruct((E, H), jnp.float32),
        scratch_types=[
            pltpu.VMEM((64,), jnp.int32),
            pltpu.VMEM((SB,), jnp.int32),
            pltpu.VMEM((SB,), jnp.int32),
            pltpu.VMEM((SB,), jnp.int32),
            pltpu.VMEM((SB, H), jnp.float32),
            pltpu.VMEM((SB,), jnp.int32),
            pltpu.VMEM((SB,), jnp.int32),
            pltpu.VMEM((SB,), jnp.int32),
            pltpu.VMEM((SB, H), jnp.float32),
            pltpu.SemaphoreType.DMA,
            pltpu.SemaphoreType.DMA,
            pltpu.VMEM_SHARED((CH + 8, H), jnp.float32),
        ],
    )
    def scat(y_hbm, perm_hbm, idxs_hbm, bnd_hbm, out_hbm,
             bounds, wbuf, ibuf, dbuf, ybuf,
             wbuf2, ibuf2, dbuf2, ybuf2, semA, semB, acc):
        c = lax.axis_index("c")
        s = lax.axis_index("s")
        lane = lax.iota(jnp.int32, 16)
        pltpu.sync_copy(bnd_hbm, bounds)

        def chunk_body(j, _):
            ch = c * ncs + j
            lo = ch * CH
            rows = jnp.minimum(E - lo, CH)
            npiece = rows // SB

            def zfill(i, _):
                r = i // (H // 16)
                col = (i % (H // 16)) * 16
                ybuf[r, pl.ds(col, 16)] = jnp.zeros((16,), jnp.float32)
                return 0
            lax.fori_loop(0, SB * (H // 16), zfill, 0)
            for p in range(CH // SB // SC_NT):
                q = p * SC_NT + s

                @pl.when(q < npiece)
                def _():
                    pltpu.sync_copy(ybuf, acc.at[pl.ds(q * SB, SB)])
            plsc.subcore_barrier()

            bv = bounds[pl.ds(ch, 16)]
            n0 = bv[0]
            n1 = bv[1]
            share = n1 - n0
            t_s = n0 + (share * s) // SC_NT
            t_e = n0 + (share * (s + 1)) // SC_NT
            base0 = t_s - (t_s & 7)

            nb = (t_e - base0 + SB - 1) // SB

            def prep(k, wb, ib, db, yb, sem):
                base = pl.multiple_of(base0 + k * SB, 8)
                pltpu.sync_copy(perm_hbm.at[pl.ds(base, SB)], wb)
                pltpu.sync_copy(idxs_hbm.at[pl.ds(base, SB)], ib)
                for u in range(SB // 16):
                    pos = base + u * 16 + lane
                    idxv = ib[pl.ds(u * 16, 16)]
                    ok = (pos >= t_s) & (pos < t_e)
                    dv = jnp.where(ok, idxv - lo, CH + (lane & 7))
                    db[pl.ds(u * 16, 16)] = dv
                pltpu.make_async_copy(y_hbm.at[wb], yb, sem).start()

            @pl.when(nb > 0)
            def _():
                prep(0, wbuf, ibuf, dbuf, ybuf, semA)

            def pair(i, _):
                b0 = 2 * i
                b1 = b0 + 1

                @pl.when(b1 < nb)
                def _():
                    prep(b1, wbuf2, ibuf2, dbuf2, ybuf2, semB)
                pltpu.make_async_copy(y_hbm.at[wbuf], ybuf, semA).wait()
                pltpu.sync_copy(ybuf, acc.at[dbuf], add=True)

                @pl.when(b0 + 2 < nb)
                def _():
                    prep(b0 + 2, wbuf, ibuf, dbuf, ybuf, semA)

                @pl.when(b1 < nb)
                def _():
                    pltpu.make_async_copy(y_hbm.at[wbuf2], ybuf2, semB).wait()
                    pltpu.sync_copy(ybuf2, acc.at[dbuf2], add=True)
                return 0
            lax.fori_loop(0, (nb + 1) // 2, pair, 0)
            plsc.subcore_barrier()

            for p in range(CH // SB // SC_NT):
                q = p * SC_NT + s

                @pl.when(q < npiece)
                def _():
                    pltpu.sync_copy(acc.at[pl.ds(q * SB, SB)], ybuf)
                    pltpu.sync_copy(ybuf, out_hbm.at[pl.ds(lo + q * SB, SB)])
            return 0

        lax.fori_loop(0, ncs, chunk_body, 0)

    return scat


def _scatter(y, idx_ji, E):
    T = y.shape[0]
    nchg = (E + CH - 1) // CH
    bucket = idx_ji // CH
    perm = jnp.argsort(bucket).astype(jnp.int32)
    idx_sorted = jnp.take(idx_ji, perm)
    bsorted = jnp.take(bucket, perm)
    bnd = jnp.searchsorted(bsorted, jnp.arange(nchg, dtype=idx_ji.dtype)
                           ).astype(jnp.int32)
    bnd = jnp.concatenate([bnd, jnp.full((64 - nchg,), T, jnp.int32)])
    pad = jnp.zeros((2 * SB,), jnp.int32)
    perm_p = jnp.concatenate([perm, pad])
    idxs_p = jnp.concatenate([idx_sorted, pad])
    return _scatter_make(T, E)(y, perm_p, idxs_p, bnd)



GB = 128


def _gather_make(T, E):
    nt = SC_NC * SC_NT
    share = T // nt
    nfull = share // GB
    rem = share - nfull * GB
    mesh = plsc.VectorSubcoreMesh(core_axis_name="c", subcore_axis_name="s")

    @functools.partial(
        pl.kernel, mesh=mesh,
        out_type=jax.ShapeDtypeStruct((T, H), jnp.float32),
        scratch_types=[
            pltpu.VMEM((GB,), jnp.int32),
            pltpu.VMEM((GB, H), jnp.float32),
            pltpu.VMEM((GB,), jnp.int32),
            pltpu.VMEM((GB, H), jnp.float32),
            pltpu.SemaphoreType.DMA,
            pltpu.SemaphoreType.DMA,
        ],
    )
    def gat(tab_hbm, idx_hbm, out_hbm, wA, yA, wB, yB, sA, sB):
        c = lax.axis_index("c")
        s = lax.axis_index("s")
        tid = s * SC_NC + c
        base = tid * share

        def prep(k, wb, yb, sem):
            pltpu.sync_copy(idx_hbm.at[pl.ds(base + k * GB, GB)], wb)
            pltpu.make_async_copy(tab_hbm.at[wb], yb, sem).start()

        prep(0, wA, yA, sA)

        def pair(i, _):
            b0 = 2 * i
            b1 = b0 + 1

            @pl.when(b1 < nfull)
            def _():
                prep(b1, wB, yB, sB)
            pltpu.make_async_copy(tab_hbm.at[wA], yA, sA).wait()
            pltpu.sync_copy(yA, out_hbm.at[pl.ds(base + b0 * GB, GB)])

            @pl.when(b0 + 2 < nfull)
            def _():
                prep(b0 + 2, wA, yA, sA)

            @pl.when(b1 < nfull)
            def _():
                pltpu.make_async_copy(tab_hbm.at[wB], yB, sB).wait()
                pltpu.sync_copy(yB, out_hbm.at[pl.ds(base + b1 * GB, GB)])
            return 0
        lax.fori_loop(0, (nfull + 1) // 2, pair, 0)
        if rem:
            tb = base + nfull * GB
            pltpu.sync_copy(idx_hbm.at[pl.ds(tb, rem)], wA.at[pl.ds(0, rem)])
            pltpu.sync_copy(tab_hbm.at[wA.at[pl.ds(0, rem)]],
                            yA.at[pl.ds(0, rem)])
            pltpu.sync_copy(yA.at[pl.ds(0, rem)], out_hbm.at[pl.ds(tb, rem)])

    return gat


def kernel(x, rbf, sbf, idx_kj, idx_ji, lin_rbf_W, lin_sbf_W, lin_kj_W,
           lin_kj_b, lin_ji_W, lin_ji_b, W, lin_W, lin_b):
    E = x.shape[0]
    T = sbf.shape[0]
    bE = 3200 if E % 3200 == 0 else E
    bT = 5120 if T % 5120 == 0 else T

    x_ji, x_kj = _dense_e(x, rbf,
                          lin_ji_W, lin_ji_b.reshape(1, H),
                          lin_kj_W, lin_kj_b.reshape(1, H),
                          lin_rbf_W, bE)

    nt = SC_NC * SC_NT
    if T % nt == 0 and (T // nt) % 8 == 0:
        g = _gather_make(T, E)(x_kj, idx_kj)
    else:
        g = jnp.take(x_kj, idx_kj, axis=0)

    Wm = jnp.transpose(W, (1, 2, 0)).astype(jnp.bfloat16)
    y = _trip(sbf, g, lin_sbf_W, Wm, bT)

    if E % SB == 0 and ((E + CH - 1) // CH) % SC_NC == 0:
        s = _scatter(y, idx_ji, E)
    else:
        s = jax.ops.segment_sum(y, idx_ji, num_segments=E)

    return _final(x_ji, s, lin_W, lin_b.reshape(1, H), bE)

# --- scband reference (transcript-rebuilt; emitter-appended) ---
"""Pipeline reference for scband-interaction-31190052503575 (READ-ONLY COPY).

The authoritative reference and input builder live on the scoring server;
editing this copy changes nothing except your own understanding.
"""

import jax, jax.numpy as jnp
import numpy as np

E = 160000
T = 640000
H = 128
NB = 4
NR = 6
NS = 7


def setup_inputs(seed: int = 0) -> dict:
    key = jax.random.key(seed)
    ks = jax.random.split(key, 16)
    x = jax.random.normal(ks[0], (E, H), dtype=jnp.float32)
    rbf = jax.random.uniform(ks[1], (E, NR), dtype=jnp.float32)
    sbf = jax.random.uniform(ks[2], (T, NS * NR), dtype=jnp.float32)
    idx_kj = jax.random.randint(ks[3], (T,), 0, E, dtype=jnp.int64 if jax.config.jax_enable_x64 else jnp.int32)
    idx_ji = jax.random.randint(ks[4], (T,), 0, E, dtype=jnp.int64 if jax.config.jax_enable_x64 else jnp.int32)
    # parameters (stored as [in, out] for jnp matmul)
    lin_rbf_W = jax.random.normal(ks[5], (NR, H), dtype=jnp.float32) / np.sqrt(NR)
    lin_sbf_W = jax.random.normal(ks[6], (NS * NR, NB), dtype=jnp.float32) / np.sqrt(NS * NR)
    lin_kj_W = jax.random.normal(ks[7], (H, H), dtype=jnp.float32) / np.sqrt(H)
    lin_kj_b = jnp.zeros((H,), dtype=jnp.float32)
    lin_ji_W = jax.random.normal(ks[8], (H, H), dtype=jnp.float32) / np.sqrt(H)
    lin_ji_b = jnp.zeros((H,), dtype=jnp.float32)
    W = jax.random.normal(ks[9], (H, NB, H), dtype=jnp.float32) * (2.0 / H)
    lin_W = jax.random.normal(ks[10], (H, H), dtype=jnp.float32) / np.sqrt(H)
    lin_b = jnp.zeros((H,), dtype=jnp.float32)
    return {
        "x": x, "rbf": rbf, "sbf": sbf,
        "idx_kj": idx_kj, "idx_ji": idx_ji,
        "lin_rbf_W": lin_rbf_W, "lin_sbf_W": lin_sbf_W,
        "lin_kj_W": lin_kj_W, "lin_kj_b": lin_kj_b,
        "lin_ji_W": lin_ji_W, "lin_ji_b": lin_ji_b,
        "W": W, "lin_W": lin_W, "lin_b": lin_b,
    }


def reference(x, rbf, sbf, idx_kj, idx_ji,
              lin_rbf_W, lin_sbf_W, lin_kj_W, lin_kj_b,
              lin_ji_W, lin_ji_b, W, lin_W, lin_b):
    act = jax.nn.silu  # swish
    rbf_h = rbf @ lin_rbf_W                      # [E, H]
    sbf_h = sbf @ lin_sbf_W                      # [T, NB]
    x_ji = act(x @ lin_ji_W + lin_ji_b)          # [E, H]
    x_kj = act(x @ lin_kj_W + lin_kj_b)          # [E, H]
    x_kj = x_kj * rbf_h                          # [E, H]
    gathered = jnp.take(x_kj, idx_kj, axis=0)    # [T, H]
    x_kj_t = jnp.einsum('wj,wl,ijl->wi', sbf_h, gathered, W)  # [T, H]
    x_kj_s = jax.ops.segment_sum(x_kj_t, idx_ji, num_segments=x.shape[0])  # [E, H]
    h = x_ji + x_kj_s
    h = act(h @ lin_W + lin_b)
    return h

if __name__ == "__main__":
    import jax
    _d = setup_inputs()
    print(jax.jit(kernel)(*tuple(_d.values())))

</pallas_src>

<mosaic_0001>
#map = affine_map<(d0, d1) -> (0, 0)>
#map1 = affine_map<(d0, d1) -> (0)>
module attributes {stable_mosaic.version = 14 : i64} {
  func.func @gat(%arg0: i32, %arg1: i32, %arg2: memref<160000x128xf32, #tpu.memory_space<hbm>>, %arg3: memref<640000xi32, #tpu.memory_space<hbm>>, %arg4: memref<640000x128xf32, #tpu.memory_space<hbm>>, %arg5: memref<128xi32, #tpu.memory_space<vmem>>, %arg6: memref<128x128xf32, #tpu.memory_space<vmem>>, %arg7: memref<128xi32, #tpu.memory_space<vmem>>, %arg8: memref<128x128xf32, #tpu.memory_space<vmem>>, %arg9: memref<!tpu.dma_semaphore, #tpu.memory_space<semaphore_mem>>, %arg10: memref<!tpu.dma_semaphore, #tpu.memory_space<semaphore_mem>>) attributes {dimension_semantics = [#tpu.dimension_semantics<core_parallel>, #tpu.dimension_semantics<subcore_parallel>], iteration_bounds = array<i64: 2, 16>, scalar_prefetch = 0 : i64, scratch_operands = 6 : i64, tpu.core_type = #tpu.core_type<sc_vector_subcore>, window_params = [{transform_indices = #map}, {transform_indices = #map1}, {transform_indices = #map}]} {
    %mul3A = arith.constant 2 : i32
    %mul3A_0 = arith.muli %arg1, %mul3A : i32
    %add3A = arith.addi %mul3A_0, %arg0 : i32
    %mul3A_1 = arith.constant 20000 : i32
    %mul3A_2 = arith.muli %add3A, %mul3A_1 : i32
    %add3A_3 = arith.constant 0 : i32
    %add3A_4 = arith.addi %mul3A_2, %add3A_3 : i32
    "tpu.region"() ({
      %run_scoped3A = tpu.sem_alloc : memref<!tpu.dma_semaphore, #tpu.memory_space<semaphore_mem>>
      %dma_start3A_15 = tpu.memref_slice %arg3[%add3A_4] : memref<640000xi32, #tpu.memory_space<hbm>> -> memref<128xi32, #tpu.memory_space<hbm>>
      %dma_start3A_16 = tpu.memref_slice %arg3[%add3A_4] : memref<640000xi32, #tpu.memory_space<hbm>> -> memref<128xi32, #tpu.memory_space<hbm>>
      tpu.enqueue_dma source(%dma_start3A_16 : memref<128xi32, #tpu.memory_space<hbm>>) target(%arg5 : memref<128xi32, #tpu.memory_space<vmem>>) target_semaphore(%run_scoped3A : memref<!tpu.dma_semaphore, #tpu.memory_space<semaphore_mem>>)
      %dma_wait3A = tpu.memref_slice %arg3[%add3A_4] : memref<640000xi32, #tpu.memory_space<hbm>> -> memref<128xi32, #tpu.memory_space<hbm>>
      %dma_wait3A_17 = tpu.memref_slice %arg3[%add3A_4] : memref<640000xi32, #tpu.memory_space<hbm>> -> memref<128xi32, #tpu.memory_space<hbm>>
      tpu.wait_dma2 semaphore(%run_scoped3A : memref<!tpu.dma_semaphore, #tpu.memory_space<semaphore_mem>>) src(%dma_wait3A_17 : memref<128xi32, #tpu.memory_space<hbm>>) dst(%arg5 : memref<128xi32, #tpu.memory_space<vmem>>)
      tpu.yield
    }) : () -> ()
    %dma_start3A = arith.constant 0 : i32
    %dma_start3A_5 = arith.constant 0 : i32
    %dma_start3A_6 = tpu.memref_slice %arg2[%dma_start3A, %dma_start3A_5] : memref<160000x128xf32, #tpu.memory_space<hbm>> -> memref<160000x128xf32, #tpu.memory_space<hbm>>
    tpu.enqueue_indirect_dma source(%dma_start3A_6 : memref<160000x128xf32, #tpu.memory_space<hbm>>) target(%arg6 : memref<128x128xf32, #tpu.memory_space<vmem>>) offsets(%arg5 : memref<128xi32, #tpu.memory_space<vmem>>) semaphore(%arg9 : memref<!tpu.dma_semaphore, #tpu.memory_space<semaphore_mem>>)
    %scan3A = arith.constant 0 : i32
    %scan3A_7 = arith.constant 0 : i32
    %scan3A_8 = arith.constant 78 : i32
    %scan3A_9 = arith.addi %scan3A_7, %scan3A_8 : i32
    %scan3A_10 = arith.constant 1 : i32
    %scan3A_11 = scf.for %scan3A_15 = %scan3A_7 to %scan3A_9 step %scan3A_10 iter_args(%scan3A_16 = %scan3A) -> (i32)  : i32 {
      %mul3A_17 = arith.constant 2 : i32
      %mul3A_18 = arith.muli %mul3A_17, %scan3A_15 : i32
      %add3A_19 = arith.constant 1 : i32
      %add3A_20 = arith.addi %mul3A_18, %add3A_19 : i32
      %lt3A = arith.constant 156 : i32
      %lt3A_21 = arith.cmpi slt, %add3A_20, %lt3A : i32
      %convert_element_type3A = arith.extui %lt3A_21 : i1 to i32
      %cond3A = arith.constant 0 : i32
      %cond3A_22 = arith.cmpi ne, %convert_element_type3A, %cond3A : i32
      scf.if %cond3A_22 {
        %mul3A_41 = arith.constant 128 : i32
        %mul3A_42 = arith.muli %add3A_20, %mul3A_41 : i32
        %add3A_43 = arith.addi %mul3A_2, %mul3A_42 : i32
        "tpu.region"() ({
          %run_scoped3A = tpu.sem_alloc : memref<!tpu.dma_semaphore, #tpu.memory_space<semaphore_mem>>
          %dma_start3A_47 = tpu.memref_slice %arg3[%add3A_43] : memref<640000xi32, #tpu.memory_space<hbm>> -> memref<128xi32, #tpu.memory_space<hbm>>
          %dma_start3A_48 = tpu.memref_slice %arg3[%add3A_43] : memref<640000xi32, #tpu.memory_space<hbm>> -> memref<128xi32, #tpu.memory_space<hbm>>
          tpu.enqueue_dma source(%dma_start3A_48 : memref<128xi32, #tpu.memory_space<hbm>>) target(%arg7 : memref<128xi32, #tpu.memory_space<vmem>>) target_semaphore(%run_scoped3A : memref<!tpu.dma_semaphore, #tpu.memory_space<semaphore_mem>>)
          %dma_wait3A_49 = tpu.memref_slice %arg3[%add3A_43] : memref<640000xi32, #tpu.memory_space<hbm>> -> memref<128xi32, #tpu.memory_space<hbm>>
          %dma_wait3A_50 = tpu.memref_slice %arg3[%add3A_43] : memref<640000xi32, #tpu.memory_space<hbm>> -> memref<128xi32, #tpu.memory_space<hbm>>
          tpu.wait_dma2 semaphore(%run_scoped3A : memref<!tpu.dma_semaphore, #tpu.memory_space<semaphore_mem>>) src(%dma_wait3A_50 : memref<128xi32, #tpu.memory_space<hbm>>) dst(%arg7 : memref<128xi32, #tpu.memory_space<vmem>>)
          tpu.yield
        }) : () -> ()
        %dma_start3A_44 = arith.constant 0 : i32
        %dma_start3A_45 = arith.constant 0 : i32
        %dma_start3A_46 = tpu.memref_slice %arg2[%dma_start3A_44, %dma_start3A_45] : memref<160000x128xf32, #tpu.memory_space<hbm>> -> memref<160000x128xf32, #tpu.memory_space<hbm>>
        tpu.enqueue_indirect_dma source(%dma_start3A_46 : memref<160000x128xf32, #tpu.memory_space<hbm>>) target(%arg8 : memref<128x128xf32, #tpu.memory_space<vmem>>) offsets(%arg7 : memref<128xi32, #tpu.memory_space<vmem>>) semaphore(%arg10 : memref<!tpu.dma_semaphore, #tpu.memory_space<semaphore_mem>>)
      } else {
      }
      %dma_wait3A = arith.constant 0 : i32
      %dma_wait3A_23 = arith.constant 0 : i32
      %dma_wait3A_24 = tpu.memref_slice %arg2[%dma_wait3A, %dma_wait3A_23] : memref<160000x128xf32, #tpu.memory_space<hbm>> -> memref<160000x128xf32, #tpu.memory_space<hbm>>
      tpu.wait_indirect_dma semaphore(%arg9 : memref<!tpu.dma_semaphore, #tpu.memory_space<semaphore_mem>>) src(%dma_wait3A_24 : memref<160000x128xf32, #tpu.memory_space<hbm>>) dst(%arg6 : memref<128x128xf32, #tpu.memory_space<vmem>>)
      %mul3A_25 = arith.constant 128 : i32
      %mul3A_26 = arith.muli %mul3A_18, %mul3A_25 : i32
      %add3A_27 = arith.addi %mul3A_2, %mul3A_26 : i32
      "tpu.region"() ({
        %run_scoped3A = tpu.sem_alloc : memref<!tpu.dma_semaphore, #tpu.memory_space<semaphore_mem>>
        %dma_start3A_41 = arith.constant 0 : i32
        %dma_start3A_42 = tpu.memref_slice %arg4[%add3A_27, %dma_start3A_41] : memref<640000x128xf32, #tpu.memory_space<hbm>> -> memref<128x128xf32, #tpu.memory_space<hbm>>
        %dma_start3A_43 = arith.constant 0 : i32
        %dma_start3A_44 = tpu.memref_slice %arg4[%add3A_27, %dma_start3A_43] : memref<640000x128xf32, #tpu.memory_space<hbm>> -> memref<128x128xf32, #tpu.memory_space<hbm>>
        tpu.enqueue_dma source(%arg6 : memref<128x128xf32, #tpu.memory_space<vmem>>) target(%dma_start3A_44 : memref<128x128xf32, #tpu.memory_space<hbm>>) target_semaphore(%run_scoped3A : memref<!tpu.dma_semaphore, #tpu.memory_space<semaphore_mem>>)
        %dma_wait3A_45 = arith.constant 0 : i32
        %dma_wait3A_46 = tpu.memref_slice %arg4[%add3A_27, %dma_wait3A_45] : memref<640000x128xf32, #tpu.memory_space<hbm>> -> memref<128x128xf32, #tpu.memory_space<hbm>>
        %dma_wait3A_47 = arith.constant 0 : i32
        %dma_wait3A_48 = tpu.memref_slice %arg4[%add3A_27, %dma_wait3A_47] : memref<640000x128xf32, #tpu.memory_space<hbm>> -> memref<128x128xf32, #tpu.memory_space<hbm>>
        tpu.wait_dma2 semaphore(%run_scoped3A : memref<!tpu.dma_semaphore, #tpu.memory_space<semaphore_mem>>) src(%arg6 : memref<128x128xf32, #tpu.memory_space<vmem>>) dst(%dma_wait3A_48 : memref<128x128xf32, #tpu.memory_space<hbm>>)
        tpu.yield
      }) : () -> ()
      %add3A_28 = arith.constant 2 : i32
      %add3A_29 = arith.addi %mul3A_18, %add3A_28 : i32
      %lt3A_30 = arith.constant 156 : i32
      %lt3A_31 = arith.cmpi slt, %add3A_29, %lt3A_30 : i32
      %convert_element_type3A_32 = arith.extui %lt3A_31 : i1 to i32
      %cond3A_33 = arith.constant 0 : i32
      %cond3A_34 = arith.cmpi ne, %convert_element_type3A_32, %cond3A_33 : i32
      scf.if %cond3A_34 {
        %add3A_41 = arith.constant 2 : i32
        %add3A_42 = arith.addi %mul3A_18, %add3A_41 : i32
        %mul3A_43 = arith.constant 128 : i32
        %mul3A_44 = arith.muli %add3A_42, %mul3A_43 : i32
        %add3A_45 = arith.addi %mul3A_2, %mul3A_44 : i32
        "tpu.region"() ({
          %run_scoped3A = tpu.sem_alloc : memref<!tpu.dma_semaphore, #tpu.memory_space<semaphore_mem>>
          %dma_start3A_49 = tpu.memref_slice %arg3[%add3A_45] : memref<640000xi32, #tpu.memory_space<hbm>> -> memref<128xi32, #tpu.memory_space<hbm>>
          %dma_start3A_50 = tpu.memref_slice %arg3[%add3A_45] : memref<640000xi32, #tpu.memory_space<hbm>> -> memref<128xi32, #tpu.memory_space<hbm>>
          tpu.enqueue_dma source(%dma_start3A_50 : memref<128xi32, #tpu.memory_space<hbm>>) target(%arg5 : memref<128xi32, #tpu.memory_space<vmem>>) target_semaphore(%run_scoped3A : memref<!tpu.dma_semaphore, #tpu.memory_space<semaphore_mem>>)
          %dma_wait3A_51 = tpu.memref_slice %arg3[%add3A_45] : memref<640000xi32, #tpu.memory_space<hbm>> -> memref<128xi32, #tpu.memory_space<hbm>>
          %dma_wait3A_52 = tpu.memref_slice %arg3[%add3A_45] : memref<640000xi32, #tpu.memory_space<hbm>> -> memref<128xi32, #tpu.memory_space<hbm>>
          tpu.wait_dma2 semaphore(%run_scoped3A : memref<!tpu.dma_semaphore, #tpu.memory_space<semaphore_mem>>) src(%dma_wait3A_52 : memref<128xi32, #tpu.memory_space<hbm>>) dst(%arg5 : memref<128xi32, #tpu.memory_space<vmem>>)
          tpu.yield
        }) : () -> ()
        %dma_start3A_46 = arith.constant 0 : i32
        %dma_start3A_47 = arith.constant 0 : i32
        %dma_start3A_48 = tpu.memref_slice %arg2[%dma_start3A_46, %dma_start3A_47] : memref<160000x128xf32, #tpu.memory_space<hbm>> -> memref<160000x128xf32, #tpu.memory_space<hbm>>
        tpu.enqueue_indirect_dma source(%dma_start3A_48 : memref<160000x128xf32, #tpu.memory_space<hbm>>) target(%arg6 : memref<128x128xf32, #tpu.memory_space<vmem>>) offsets(%arg5 : memref<128xi32, #tpu.memory_space<vmem>>) semaphore(%arg9 : memref<!tpu.dma_semaphore, #tpu.memory_space<semaphore_mem>>)
      } else {
      }
      %lt3A_35 = arith.constant 156 : i32
      %lt3A_36 = arith.cmpi slt, %add3A_20, %lt3A_35 : i32
      %convert_element_type3A_37 = arith.extui %lt3A_36 : i1 to i32
      %cond3A_38 = arith.constant 0 : i32
      %cond3A_39 = arith.cmpi ne, %convert_element_type3A_37, %cond3A_38 : i32
      scf.if %cond3A_39 {
        %dma_wait3A_41 = arith.constant 0 : i32
        %dma_wait3A_42 = arith.constant 0 : i32
        %dma_wait3A_43 = tpu.memref_slice %arg2[%dma_wait3A_41, %dma_wait3A_42] : memref<160000x128xf32, #tpu.memory_space<hbm>> -> memref<160000x128xf32, #tpu.memory_space<hbm>>
        tpu.wait_indirect_dma semaphore(%arg10 : memref<!tpu.dma_semaphore, #tpu.memory_space<semaphore_mem>>) src(%dma_wait3A_43 : memref<160000x128xf32, #tpu.memory_space<hbm>>) dst(%arg8 : memref<128x128xf32, #tpu.memory_space<vmem>>)
        %mul3A_44 = arith.constant 128 : i32
        %mul3A_45 = arith.muli %add3A_20, %mul3A_44 : i32
        %add3A_46 = arith.addi %mul3A_2, %mul3A_45 : i32
        "tpu.region"() ({
          %run_scoped3A = tpu.sem_alloc : memref<!tpu.dma_semaphore, #tpu.memory_space<semaphore_mem>>
          %dma_start3A_47 = arith.constant 0 : i32
          %dma_start3A_48 = tpu.memref_slice %arg4[%add3A_46, %dma_start3A_47] : memref<640000x128xf32, #tpu.memory_space<hbm>> -> memref<128x128xf32, #tpu.memory_space<hbm>>
          %dma_start3A_49 = arith.constant 0 : i32
          %dma_start3A_50 = tpu.memref_slice %arg4[%add3A_46, %dma_start3A_49] : memref<640000x128xf32, #tpu.memory_space<hbm>> -> memref<128x128xf32, #tpu.memory_space<hbm>>
          tpu.enqueue_dma source(%arg8 : memref<128x128xf32, #tpu.memory_space<vmem>>) target(%dma_start3A_50 : memref<128x128xf32, #tpu.memory_space<hbm>>) target_semaphore(%run_scoped3A : memref<!tpu.dma_semaphore, #tpu.memory_space<semaphore_mem>>)
          %dma_wait3A_51 = arith.constant 0 : i32
          %dma_wait3A_52 = tpu.memref_slice %arg4[%add3A_46, %dma_wait3A_51] : memref<640000x128xf32, #tpu.memory_space<hbm>> -> memref<128x128xf32, #tpu.memory_space<hbm>>
          %dma_wait3A_53 = arith.constant 0 : i32
          %dma_wait3A_54 = tpu.memref_slice %arg4[%add3A_46, %dma_wait3A_53] : memref<640000x128xf32, #tpu.memory_space<hbm>> -> memref<128x128xf32, #tpu.memory_space<hbm>>
          tpu.wait_dma2 semaphore(%run_scoped3A : memref<!tpu.dma_semaphore, #tpu.memory_space<semaphore_mem>>) src(%arg8 : memref<128x128xf32, #tpu.memory_space<vmem>>) dst(%dma_wait3A_54 : memref<128x128xf32, #tpu.memory_space<hbm>>)
          tpu.yield
        }) : () -> ()
      } else {
      }
      %scan3A_40 = arith.constant 0 : i32
      scf.yield %scan3A_40 : i32
    }
    %scan3A_12 = arith.constant 78 : i32
    %add3A_13 = arith.constant 19968 : i32
    %add3A_14 = arith.addi %mul3A_2, %add3A_13 : i32
    "tpu.region"() ({
      %run_scoped3A = tpu.sem_alloc : memref<!tpu.dma_semaphore, #tpu.memory_space<semaphore_mem>>
      %dma_start3A_15 = arith.constant 0 : i32
      %dma_start3A_16 = tpu.memref_slice %arg5[%dma_start3A_15] : memref<128xi32, #tpu.memory_space<vmem>> -> memref<32xi32, #tpu.memory_space<vmem>>
      %dma_start3A_17 = tpu.memref_slice %arg3[%add3A_14] : memref<640000xi32, #tpu.memory_space<hbm>> -> memref<32xi32, #tpu.memory_space<hbm>>
      %dma_start3A_18 = arith.constant 0 : i32
      %dma_start3A_19 = tpu.memref_slice %arg5[%dma_start3A_18] : memref<128xi32, #tpu.memory_space<vmem>> -> memref<32xi32, #tpu.memory_space<vmem>>
      %dma_start3A_20 = tpu.memref_slice %arg3[%add3A_14] : memref<640000xi32, #tpu.memory_space<hbm>> -> memref<32xi32, #tpu.memory_space<hbm>>
      tpu.enqueue_dma source(%dma_start3A_20 : memref<32xi32, #tpu.memory_space<hbm>>) target(%dma_start3A_19 : memref<32xi32, #tpu.memory_space<vmem>>) target_semaphore(%run_scoped3A : memref<!tpu.dma_semaphore, #tpu.memory_space<semaphore_mem>>)
      %dma_wait3A = arith.constant 0 : i32
      %dma_wait3A_21 = tpu.memref_slice %arg5[%dma_wait3A] : memref<128xi32, #tpu.memory_space<vmem>> -> memref<32xi32, #tpu.memory_space<vmem>>
      %dma_wait3A_22 = tpu.memref_slice %arg3[%add3A_14] : memref<640000xi32, #tpu.memory_space<hbm>> -> memref<32xi32, #tpu.memory_space<hbm>>
      %dma_wait3A_23 = arith.constant 0 : i32
      %dma_wait3A_24 = tpu.memref_slice %arg5[%dma_wait3A_23] : memref<128xi32, #tpu.memory_space<vmem>> -> memref<32xi32, #tpu.memory_space<vmem>>
      %dma_wait3A_25 = tpu.memref_slice %arg3[%add3A_14] : memref<640000xi32, #tpu.memory_space<hbm>> -> memref<32xi32, #tpu.memory_space<hbm>>
      tpu.wait_dma2 semaphore(%run_scoped3A : memref<!tpu.dma_semaphore, #tpu.memory_space<semaphore_mem>>) src(%dma_wait3A_25 : memref<32xi32, #tpu.memory_space<hbm>>) dst(%dma_wait3A_24 : memref<32xi32, #tpu.memory_space<vmem>>)
      tpu.yield
    }) : () -> ()
    "tpu.region"() ({
      %run_scoped3A = tpu.sem_alloc : memref<!tpu.dma_semaphore, #tpu.memory_space<semaphore_mem>>
      %dma_start3A_15 = arith.constant 0 : i32
      %dma_start3A_16 = arith.constant 0 : i32
      %dma_start3A_17 = tpu.memref_slice %arg6[%dma_start3A_15, %dma_start3A_16] : memref<128x128xf32, #tpu.memory_space<vmem>> -> memref<32x128xf32, #tpu.memory_space<vmem>>
      %dma_start3A_18 = arith.constant 0 : i32
      %dma_start3A_19 = tpu.memref_slice %arg5[%dma_start3A_18] : memref<128xi32, #tpu.memory_space<vmem>> -> memref<32xi32, #tpu.memory_space<vmem>>
      %dma_start3A_20 = arith.constant 0 : i32
      %dma_start3A_21 = arith.constant 0 : i32
      %dma_start3A_22 = tpu.memref_slice %arg2[%dma_start3A_20, %dma_start3A_21] : memref<160000x128xf32, #tpu.memory_space<hbm>> -> memref<160000x128xf32, #tpu.memory_space<hbm>>
      tpu.enqueue_indirect_dma source(%dma_start3A_22 : memref<160000x128xf32, #tpu.memory_space<hbm>>) target(%dma_start3A_17 : memref<32x128xf32, #tpu.memory_space<vmem>>) offsets(%dma_start3A_19 : memref<32xi32, #tpu.memory_space<vmem>>) semaphore(%run_scoped3A : memref<!tpu.dma_semaphore, #tpu.memory_space<semaphore_mem>>)
      %dma_wait3A = arith.constant 0 : i32
      %dma_wait3A_23 = arith.constant 0 : i32
      %dma_wait3A_24 = tpu.memref_slice %arg6[%dma_wait3A, %dma_wait3A_23] : memref<128x128xf32, #tpu.memory_space<vmem>> -> memref<32x128xf32, #tpu.memory_space<vmem>>
      %dma_wait3A_25 = arith.constant 0 : i32
      %dma_wait3A_26 = tpu.memref_slice %arg5[%dma_wait3A_25] : memref<128xi32, #tpu.memory_space<vmem>> -> memref<32xi32, #tpu.memory_space<vmem>>
      %dma_wait3A_27 = arith.constant 0 : i32
      %dma_wait3A_28 = arith.constant 0 : i32
      %dma_wait3A_29 = tpu.memref_slice %arg2[%dma_wait3A_27, %dma_wait3A_28] : memref<160000x128xf32, #tpu.memory_space<hbm>> -> memref<160000x128xf32, #tpu.memory_space<hbm>>
      tpu.wait_indirect_dma semaphore(%run_scoped3A : memref<!tpu.dma_semaphore, #tpu.memory_space<semaphore_mem>>) src(%dma_wait3A_29 : memref<160000x128xf32, #tpu.memory_space<hbm>>) dst(%dma_wait3A_24 : memref<32x128xf32, #tpu.memory_space<vmem>>)
      tpu.yield
    }) : () -> ()
    "tpu.region"() ({
      %run_scoped3A = tpu.sem_alloc : memref<!tpu.dma_semaphore, #tpu.memory_space<semaphore_mem>>
      %dma_start3A_15 = arith.constant 0 : i32
      %dma_start3A_16 = arith.constant 0 : i32
      %dma_start3A_17 = tpu.memref_slice %arg6[%dma_start3A_15, %dma_start3A_16] : memref<128x128xf32, #tpu.memory_space<vmem>> -> memref<32x128xf32, #tpu.memory_space<vmem>>
      %dma_start3A_18 = arith.constant 0 : i32
      %dma_start3A_19 = tpu.memref_slice %arg4[%add3A_14, %dma_start3A_18] : memref<640000x128xf32, #tpu.memory_space<hbm>> -> memref<32x128xf32, #tpu.memory_space<hbm>>
      %dma_start3A_20 = arith.constant 0 : i32
      %dma_start3A_21 = tpu.memref_slice %arg4[%add3A_14, %dma_start3A_20] : memref<640000x128xf32, #tpu.memory_space<hbm>> -> memref<32x128xf32, #tpu.memory_space<hbm>>
      %dma_start3A_22 = arith.constant 0 : i32
      %dma_start3A_23 = arith.constant 0 : i32
      %dma_start3A_24 = tpu.memref_slice %arg6[%dma_start3A_22, %dma_start3A_23] : memref<128x128xf32, #tpu.memory_space<vmem>> -> memref<32x128xf32, #tpu.memory_space<vmem>>
      tpu.enqueue_dma source(%dma_start3A_24 : memref<32x128xf32, #tpu.memory_space<vmem>>) target(%dma_start3A_21 : memref<32x128xf32, #tpu.memory_space<hbm>>) target_semaphore(%run_scoped3A : memref<!tpu.dma_semaphore, #tpu.memory_space<semaphore_mem>>)
      %dma_wait3A = arith.constant 0 : i32
      %dma_wait3A_25 = arith.constant 0 : i32
      %dma_wait3A_26 = tpu.memref_slice %arg6[%dma_wait3A, %dma_wait3A_25] : memref<128x128xf32, #tpu.memory_space<vmem>> -> memref<32x128xf32, #tpu.memory_space<vmem>>
      %dma_wait3A_27 = arith.constant 0 : i32
      %dma_wait3A_28 = tpu.memref_slice %arg4[%add3A_14, %dma_wait3A_27] : memref<640000x128xf32, #tpu.memory_space<hbm>> -> memref<32x128xf32, #tpu.memory_space<hbm>>
      %dma_wait3A_29 = arith.constant 0 : i32
      %dma_wait3A_30 = tpu.memref_slice %arg4[%add3A_14, %dma_wait3A_29] : memref<640000x128xf32, #tpu.memory_space<hbm>> -> memref<32x128xf32, #tpu.memory_space<hbm>>
      %dma_wait3A_31 = arith.constant 0 : i32
      %dma_wait3A_32 = arith.constant 0 : i32
      %dma_wait3A_33 = tpu.memref_slice %arg6[%dma_wait3A_31, %dma_wait3A_32] : memref<128x128xf32, #tpu.memory_space<vmem>> -> memref<32x128xf32, #tpu.memory_space<vmem>>
      tpu.wait_dma2 semaphore(%run_scoped3A : memref<!tpu.dma_semaphore, #tpu.memory_space<semaphore_mem>>) src(%dma_wait3A_33 : memref<32x128xf32, #tpu.memory_space<vmem>>) dst(%dma_wait3A_30 : memref<32x128xf32, #tpu.memory_space<hbm>>)
      tpu.yield
    }) : () -> ()
    return
  }
}

#map = affine_map<(d0, d1) -> (0, 0)>
#map1 = affine_map<(d0, d1) -> (0)>
module attributes {stable_mosaic.version = 14 : i64} {
  func.func @scat(%arg0: i32, %arg1: i32, %arg2: memref<640000x128xf32, #tpu.memory_space<hbm>>, %arg3: memref<640256xi32, #tpu.memory_space<hbm>>, %arg4: memref<640256xi32, #tpu.memory_space<hbm>>, %arg5: memref<64xi32, #tpu.memory_space<hbm>>, %arg6: memref<160000x128xf32, #tpu.memory_space<hbm>>, %arg7: memref<64xi32, #tpu.memory_space<vmem>>, %arg8: memref<128xi32, #tpu.memory_space<vmem>>, %arg9: memref<128xi32, #tpu.memory_space<vmem>>, %arg10: memref<128xi32, #tpu.memory_space<vmem>>, %arg11: memref<128x128xf32, #tpu.memory_space<vmem>>, %arg12: memref<128xi32, #tpu.memory_space<vmem>>, %arg13: memref<128xi32, #tpu.memory_space<vmem>>, %arg14: memref<128xi32, #tpu.memory_space<vmem>>, %arg15: memref<128x128xf32, #tpu.memory_space<vmem>>, %arg16: memref<!tpu.dma_semaphore, #tpu.memory_space<semaphore_mem>>, %arg17: memref<!tpu.dma_semaphore, #tpu.memory_space<semaphore_mem>>, %arg18: memref<8200x128xf32, #tpu.memory_space<vmem_shared>>) attributes {dimension_semantics = [#tpu.dimension_semantics<core_parallel>, #tpu.dimension_semantics<subcore_parallel>], iteration_bounds = array<i64: 2, 16>, scalar_prefetch = 0 : i64, scratch_operands = 12 : i64, tpu.core_type = #tpu.core_type<sc_vector_subcore>, window_params = [{transform_indices = #map}, {transform_indices = #map1}, {transform_indices = #map1}, {transform_indices = #map1}, {transform_indices = #map}]} {
    %iota3A = tpu.iota {dimensions = array<i32: 0>} : vector<16xi32>
    "tpu.region"() ({
      %run_scoped3A = tpu.sem_alloc : memref<!tpu.dma_semaphore, #tpu.memory_space<semaphore_mem>>
      tpu.enqueue_dma source(%arg5 : memref<64xi32, #tpu.memory_space<hbm>>) target(%arg7 : memref<64xi32, #tpu.memory_space<vmem>>) target_semaphore(%run_scoped3A : memref<!tpu.dma_semaphore, #tpu.memory_space<semaphore_mem>>)
      tpu.wait_dma2 semaphore(%run_scoped3A : memref<!tpu.dma_semaphore, #tpu.memory_space<semaphore_mem>>) src(%arg5 : memref<64xi32, #tpu.memory_space<hbm>>) dst(%arg7 : memref<64xi32, #tpu.memory_space<vmem>>)
      tpu.yield
    }) : () -> ()
    %scan3A = arith.constant 0 : i32
    %scan3A_0 = arith.constant 0 : i32
    %scan3A_1 = arith.constant 10 : i32
    %scan3A_2 = arith.addi %scan3A_0, %scan3A_1 : i32
    %scan3A_3 = arith.constant 1 : i32
    %scan3A_4 = scf.for %scan3A_6 = %scan3A_0 to %scan3A_2 step %scan3A_3 iter_args(%scan3A_7 = %scan3A) -> (i32)  : i32 {
      %mul3A = arith.constant 10 : i32
      %mul3A_8 = arith.muli %arg0, %mul3A : i32
      %add3A = arith.addi %mul3A_8, %scan3A_6 : i32
      %mul3A_9 = arith.constant 8192 : i32
      %mul3A_10 = arith.muli %add3A, %mul3A_9 : i32
      %sub3A = arith.constant 160000 : i32
      %sub3A_11 = arith.subi %sub3A, %mul3A_10 : i32
      %min3A = arith.constant 8192 : i32
      %min3A_12 = arith.minsi %sub3A_11, %min3A : i32
      %jit3A = arith.constant 128 : i32
      %div3A = arith.divsi %min3A_12, %jit3A : i32
      %sign3A = arith.constant 0 : i32
      %sign3A_13 = arith.cmpi sgt, %min3A_12, %sign3A : i32
      %sign3A_14 = arith.extui %sign3A_13 : i1 to i32
      %sign3A_15 = arith.constant 0 : i32
      %sign3A_16 = arith.cmpi slt, %min3A_12, %sign3A_15 : i32
      %sign3A_17 = arith.extui %sign3A_16 : i1 to i32
      %sign3A_18 = arith.subi %sign3A_14, %sign3A_17 : i32
      %sign3A_19 = arith.constant 0 : i32
      %sign3A_20 = arith.cmpi sgt, %jit3A, %sign3A_19 : i32
      %sign3A_21 = arith.extui %sign3A_20 : i1 to i32
      %sign3A_22 = arith.constant 0 : i32
      %sign3A_23 = arith.cmpi slt, %jit3A, %sign3A_22 : i32
      %sign3A_24 = arith.extui %sign3A_23 : i1 to i32
      %sign3A_25 = arith.subi %sign3A_21, %sign3A_24 : i32
      %ne3A = arith.cmpi ne, %sign3A_18, %sign3A_25 : i32
      %rem3A = arith.remsi %min3A_12, %jit3A : i32
      %ne3A_26 = arith.constant 0 : i32
      %ne3A_27 = arith.cmpi ne, %rem3A, %ne3A_26 : i32
      %and3A = arith.andi %ne3A, %ne3A_27 : i1
      %sub3A_28 = arith.constant 1 : i32
      %sub3A_29 = arith.subi %div3A, %sub3A_28 : i32
      %select_n3A = arith.select %and3A, %sub3A_29, %div3A : i32
      %scan3A_30 = arith.constant 0 : i32
      %scan3A_31 = arith.constant 0 : i32
      %scan3A_32 = arith.constant 1024 : i32
      %scan3A_33 = arith.addi %scan3A_31, %scan3A_32 : i32
      %scan3A_34 = arith.constant 1 : i32
      %scan3A_35 = scf.for %scan3A_216 = %scan3A_31 to %scan3A_33 step %scan3A_34 iter_args(%scan3A_217 = %scan3A_30) -> (i32)  : i32 {
        %jit3A_218 = arith.constant 8 : i32
        %div3A_219 = arith.divsi %scan3A_216, %jit3A_218 : i32
        %sign3A_220 = arith.constant 0 : i32
        %sign3A_221 = arith.cmpi sgt, %scan3A_216, %sign3A_220 : i32
        %sign3A_222 = arith.extui %sign3A_221 : i1 to i32
        %sign3A_223 = arith.constant 0 : i32
        %sign3A_224 = arith.cmpi slt, %scan3A_216, %sign3A_223 : i32
        %sign3A_225 = arith.extui %sign3A_224 : i1 to i32
        %sign3A_226 = arith.subi %sign3A_222, %sign3A_225 : i32
        %sign3A_227 = arith.constant 0 : i32
        %sign3A_228 = arith.cmpi sgt, %jit3A_218, %sign3A_227 : i32
        %sign3A_229 = arith.extui %sign3A_228 : i1 to i32
        %sign3A_230 = arith.constant 0 : i32
        %sign3A_231 = arith.cmpi slt, %jit3A_218, %sign3A_230 : i32
        %sign3A_232 = arith.extui %sign3A_231 : i1 to i32
        %sign3A_233 = arith.subi %sign3A_229, %sign3A_232 : i32
        %ne3A_234 = arith.cmpi ne, %sign3A_226, %sign3A_233 : i32
        %rem3A_235 = arith.remsi %scan3A_216, %jit3A_218 : i32
        %ne3A_236 = arith.constant 0 : i32
        %ne3A_237 = arith.cmpi ne, %rem3A_235, %ne3A_236 : i32
        %and3A_238 = arith.andi %ne3A_234, %ne3A_237 : i1
        %sub3A_239 = arith.constant 1 : i32
        %sub3A_240 = arith.subi %div3A_219, %sub3A_239 : i32
        %select_n3A_241 = arith.select %and3A_238, %sub3A_240, %div3A_219 : i32
        %jit3A_242 = arith.constant 8 : i32
        %eq3A = arith.constant 0 : i32
        %eq3A_243 = arith.cmpi eq, %jit3A_242, %eq3A : i32
        %jit3A_244 = arith.constant 1 : i32
        %select_n3A_245 = arith.select %eq3A_243, %jit3A_244, %jit3A_242 : i32
        %rem3A_246 = arith.remsi %scan3A_216, %select_n3A_245 : i32
        %ne3A_247 = arith.constant 0 : i32
        %ne3A_248 = arith.cmpi ne, %rem3A_246, %ne3A_247 : i32
        %lt3A_249 = arith.constant 0 : i32
        %lt3A_250 = arith.cmpi slt, %rem3A_246, %lt3A_249 : i32
        %lt3A_251 = arith.constant 0 : i32
        %lt3A_252 = arith.cmpi slt, %select_n3A_245, %lt3A_251 : i32
        %ne3A_253 = arith.xori %lt3A_250, %lt3A_252 : i1
        %and3A_254 = arith.andi %ne3A_253, %ne3A_248 : i1
        %add3A_255 = arith.addi %rem3A_246, %select_n3A_245 : i32
        %select_n3A_256 = arith.select %and3A_254, %add3A_255, %rem3A_246 : i32
        %mul3A_257 = arith.constant 16 : i32
        %mul3A_258 = arith.muli %select_n3A_256, %mul3A_257 : i32
        %broadcast_in_dim3A = arith.constant 0.000000e+00 : f32
        %broadcast_in_dim3A_259 = vector.broadcast %broadcast_in_dim3A : f32 to vector<16xf32>
        %swap3A = arith.index_cast %select_n3A_241 : i32 to index
        %swap3A_260 = arith.index_cast %mul3A_258 : i32 to index
        %swap3A_261 = tpu.vector_load %arg11[%swap3A, %swap3A_260] {strides = array<i32>} : memref<128x128xf32, #tpu.memory_space<vmem>>, vector<1x16xf32>,
        %swap3A_262 = vector.shape_cast %swap3A_261 : vector<1x16xf32> to vector<16xf32>
        %swap3A_263 = vector.shape_cast %broadcast_in_dim3A_259 : vector<16xf32> to vector<1x16xf32>
        tpu.vector_store %arg11[%swap3A, %swap3A_260], %swap3A_263 {strides = array<i32>} : memref<128x128xf32, #tpu.memory_space<vmem>>, vector<1x16xf32>,
        %scan3A_264 = arith.constant 0 : i32
        scf.yield %scan3A_264 : i32
      }
      %scan3A_36 = arith.constant 1024 : i32
      %add3A_37 = arith.constant 0 : i32
      %add3A_38 = arith.addi %add3A_37, %arg1 : i32
      %lt3A = arith.cmpi slt, %add3A_38, %select_n3A : i32
      %convert_element_type3A = arith.extui %lt3A : i1 to i32
      %cond3A = arith.constant 0 : i32
      %cond3A_39 = arith.cmpi ne, %convert_element_type3A, %cond3A : i32
      scf.if %cond3A_39 {
        %mul3A_216 = arith.constant 128 : i32
        %mul3A_217 = arith.muli %add3A_38, %mul3A_216 : i32
        "tpu.region"() ({
          %run_scoped3A = tpu.sem_alloc : memref<!tpu.dma_semaphore, #tpu.memory_space<semaphore_mem>>
          %dma_start3A = arith.constant 0 : i32
          %dma_start3A_218 = tpu.memref_slice %arg18[%mul3A_217, %dma_start3A] : memref<8200x128xf32, #tpu.memory_space<vmem_shared>> -> memref<128x128xf32, #tpu.memory_space<vmem_shared>>
          %dma_start3A_219 = arith.constant 0 : i32
          %dma_start3A_220 = tpu.memref_slice %arg18[%mul3A_217, %dma_start3A_219] : memref<8200x128xf32, #tpu.memory_space<vmem_shared>> -> memref<128x128xf32, #tpu.memory_space<vmem_shared>>
          tpu.enqueue_dma source(%arg11 : memref<128x128xf32, #tpu.memory_space<vmem>>) target(%dma_start3A_220 : memref<128x128xf32, #tpu.memory_space<vmem_shared>>) target_semaphore(%run_scoped3A : memref<!tpu.dma_semaphore, #tpu.memory_space<semaphore_mem>>)
          %dma_wait3A = arith.constant 0 : i32
          %dma_wait3A_221 = tpu.memref_slice %arg18[%mul3A_217, %dma_wait3A] : memref<8200x128xf32, #tpu.memory_space<vmem_shared>> -> memref<128x128xf32, #tpu.memory_space<vmem_shared>>
          %dma_wait3A_222 = arith.constant 0 : i32
          %dma_wait3A_223 = tpu.memref_slice %arg18[%mul3A_217, %dma_wait3A_222] : memref<8200x128xf32, #tpu.memory_space<vmem_shared>> -> memref<128x128xf32, #tpu.memory_space<vmem_shared>>
          tpu.wait_dma2 semaphore(%run_scoped3A : memref<!tpu.dma_semaphore, #tpu.memory_space<semaphore_mem>>) src(%arg11 : memref<128x128xf32, #tpu.memory_space<vmem>>) dst(%dma_wait3A_223 : memref<128x128xf32, #tpu.memory_space<vmem_shared>>)
          tpu.yield
        }) : () -> ()
      } else {
      }
      %add3A_40 = arith.constant 16 : i32
      %add3A_41 = arith.addi %add3A_40, %arg1 : i32
      %lt3A_42 = arith.cmpi slt, %add3A_41, %select_n3A : i32
      %convert_element_type3A_43 = arith.extui %lt3A_42 : i1 to i32
      %cond3A_44 = arith.constant 0 : i32
      %cond3A_45 = arith.cmpi ne, %convert_element_type3A_43, %cond3A_44 : i32
      scf.if %cond3A_45 {
        %mul3A_216 = arith.constant 128 : i32
        %mul3A_217 = arith.muli %add3A_41, %mul3A_216 : i32
        "tpu.region"() ({
          %run_scoped3A = tpu.sem_alloc : memref<!tpu.dma_semaphore, #tpu.memory_space<semaphore_mem>>
          %dma_start3A = arith.constant 0 : i32
          %dma_start3A_218 = tpu.memref_slice %arg18[%mul3A_217, %dma_start3A] : memref<8200x128xf32, #tpu.memory_space<vmem_shared>> -> memref<128x128xf32, #tpu.memory_space<vmem_shared>>
          %dma_start3A_219 = arith.constant 0 : i32
          %dma_start3A_220 = tpu.memref_slice %arg18[%mul3A_217, %dma_start3A_219] : memref<8200x128xf32, #tpu.memory_space<vmem_shared>> -> memref<128x128xf32, #tpu.memory_space<vmem_shared>>
          tpu.enqueue_dma source(%arg11 : memref<128x128xf32, #tpu.memory_space<vmem>>) target(%dma_start3A_220 : memref<128x128xf32, #tpu.memory_space<vmem_shared>>) target_semaphore(%run_scoped3A : memref<!tpu.dma_semaphore, #tpu.memory_space<semaphore_mem>>)
          %dma_wait3A = arith.constant 0 : i32
          %dma_wait3A_221 = tpu.memref_slice %arg18[%mul3A_217, %dma_wait3A] : memref<8200x128xf32, #tpu.memory_space<vmem_shared>> -> memref<128x128xf32, #tpu.memory_space<vmem_shared>>
          %dma_wait3A_222 = arith.constant 0 : i32
          %dma_wait3A_223 = tpu.memref_slice %arg18[%mul3A_217, %dma_wait3A_222] : memref<8200x128xf32, #tpu.memory_space<vmem_shared>> -> memref<128x128xf32, #tpu.memory_space<vmem_shared>>
          tpu.wait_dma2 semaphore(%run_scoped3A : memref<!tpu.dma_semaphore, #tpu.memory_space<semaphore_mem>>) src(%arg11 : memref<128x128xf32, #tpu.memory_space<vmem>>) dst(%dma_wait3A_223 : memref<128x128xf32, #tpu.memory_space<vmem_shared>>)
          tpu.yield
        }) : () -> ()
      } else {
      }
      %add3A_46 = arith.constant 32 : i32
      %add3A_47 = arith.addi %add3A_46, %arg1 : i32
      %lt3A_48 = arith.cmpi slt, %add3A_47, %select_n3A : i32
      %convert_element_type3A_49 = arith.extui %lt3A_48 : i1 to i32
      %cond3A_50 = arith.constant 0 : i32
      %cond3A_51 = arith.cmpi ne, %convert_element_type3A_49, %cond3A_50 : i32
      scf.if %cond3A_51 {
        %mul3A_216 = arith.constant 128 : i32
        %mul3A_217 = arith.muli %add3A_47, %mul3A_216 : i32
        "tpu.region"() ({
          %run_scoped3A = tpu.sem_alloc : memref<!tpu.dma_semaphore, #tpu.memory_space<semaphore_mem>>
          %dma_start3A = arith.constant 0 : i32
          %dma_start3A_218 = tpu.memref_slice %arg18[%mul3A_217, %dma_start3A] : memref<8200x128xf32, #tpu.memory_space<vmem_shared>> -> memref<128x128xf32, #tpu.memory_space<vmem_shared>>
          %dma_start3A_219 = arith.constant 0 : i32
          %dma_start3A_220 = tpu.memref_slice %arg18[%mul3A_217, %dma_start3A_219] : memref<8200x128xf32, #tpu.memory_space<vmem_shared>> -> memref<128x128xf32, #tpu.memory_space<vmem_shared>>
          tpu.enqueue_dma source(%arg11 : memref<128x128xf32, #tpu.memory_space<vmem>>) target(%dma_start3A_220 : memref<128x128xf32, #tpu.memory_space<vmem_shared>>) target_semaphore(%run_scoped3A : memref<!tpu.dma_semaphore, #tpu.memory_space<semaphore_mem>>)
          %dma_wait3A = arith.constant 0 : i32
          %dma_wait3A_221 = tpu.memref_slice %arg18[%mul3A_217, %dma_wait3A] : memref<8200x128xf32, #tpu.memory_space<vmem_shared>> -> memref<128x128xf32, #tpu.memory_space<vmem_shared>>
          %dma_wait3A_222 = arith.constant 0 : i32
          %dma_wait3A_223 = tpu.memref_slice %arg18[%mul3A_217, %dma_wait3A_222] : memref<8200x128xf32, #tpu.memory_space<vmem_shared>> -> memref<128x128xf32, #tpu.memory_space<vmem_shared>>
          tpu.wait_dma2 semaphore(%run_scoped3A : memref<!tpu.dma_semaphore, #tpu.memory_space<semaphore_mem>>) src(%arg11 : memref<128x128xf32, #tpu.memory_space<vmem>>) dst(%dma_wait3A_223 : memref<128x128xf32, #tpu.memory_space<vmem_shared>>)
          tpu.yield
        }) : () -> ()
      } else {
      }
      %add3A_52 = arith.constant 48 : i32
      %add3A_53 = arith.addi %add3A_52, %arg1 : i32
      %lt3A_54 = arith.cmpi slt, %add3A_53, %select_n3A : i32
      %convert_element_type3A_55 = arith.extui %lt3A_54 : i1 to i32
      %cond3A_56 = arith.constant 0 : i32
      %cond3A_57 = arith.cmpi ne, %convert_element_type3A_55, %cond3A_56 : i32
      scf.if %cond3A_57 {
        %mul3A_216 = arith.constant 128 : i32
        %mul3A_217 = arith.muli %add3A_53, %mul3A_216 : i32
        "tpu.region"() ({
          %run_scoped3A = tpu.sem_alloc : memref<!tpu.dma_semaphore, #tpu.memory_space<semaphore_mem>>
          %dma_start3A = arith.constant 0 : i32
          %dma_start3A_218 = tpu.memref_slice %arg18[%mul3A_217, %dma_start3A] : memref<8200x128xf32, #tpu.memory_space<vmem_shared>> -> memref<128x128xf32, #tpu.memory_space<vmem_shared>>
          %dma_start3A_219 = arith.constant 0 : i32
          %dma_start3A_220 = tpu.memref_slice %arg18[%mul3A_217, %dma_start3A_219] : memref<8200x128xf32, #tpu.memory_space<vmem_shared>> -> memref<128x128xf32, #tpu.memory_space<vmem_shared>>
          tpu.enqueue_dma source(%arg11 : memref<128x128xf32, #tpu.memory_space<vmem>>) target(%dma_start3A_220 : memref<128x128xf32, #tpu.memory_space<vmem_shared>>) target_semaphore(%run_scoped3A : memref<!tpu.dma_semaphore, #tpu.memory_space<semaphore_mem>>)
          %dma_wait3A = arith.constant 0 : i32
          %dma_wait3A_221 = tpu.memref_slice %arg18[%mul3A_217, %dma_wait3A] : memref<8200x128xf32, #tpu.memory_space<vmem_shared>> -> memref<128x128xf32, #tpu.memory_space<vmem_shared>>
          %dma_wait3A_222 = arith.constant 0 : i32
          %dma_wait3A_223 = tpu.memref_slice %arg18[%mul3A_217, %dma_wait3A_222] : memref<8200x128xf32, #tpu.memory_space<vmem_shared>> -> memref<128x128xf32, #tpu.memory_space<vmem_shared>>
          tpu.wait_dma2 semaphore(%run_scoped3A : memref<!tpu.dma_semaphore, #tpu.memory_space<semaphore_mem>>) src(%arg11 : memref<128x128xf32, #tpu.memory_space<vmem>>) dst(%dma_wait3A_223 : memref<128x128xf32, #tpu.memory_space<vmem_shared>>)
          tpu.yield
        }) : () -> ()
      } else {
      }
      %barrier3A = arith.constant 0 : index
      tpu.barrier barrier_id(%barrier3A)
      %get3A = arith.index_cast %add3A : i32 to index
      %get3A_58 = tpu.vector_load %arg7[%get3A] {strides = array<i32>} : memref<64xi32, #tpu.memory_space<vmem>>, vector<16xi32>,
      %get3A_59 = vector.shape_cast %get3A_58 : vector<16xi32> to vector<16xi32>
      %slice3A = vector.extract_strided_slice %get3A_59 {offsets = [0], sizes = [1], strides = [1]} : vector<16xi32> to vector<1xi32>
      %squeeze3A = vector.extract %slice3A[0] : i32 from vector<1xi32>
      %slice3A_60 = vector.extract_strided_slice %get3A_59 {offsets = [1], sizes = [1], strides = [1]} : vector<16xi32> to vector<1xi32>
      %squeeze3A_61 = vector.extract %slice3A_60[0] : i32 from vector<1xi32>
      %sub3A_62 = arith.subi %squeeze3A_61, %squeeze3A : i32
      %mul3A_63 = arith.muli %sub3A_62, %arg1 : i32
      %jit3A_64 = arith.constant 16 : i32
      %div3A_65 = arith.divsi %mul3A_63, %jit3A_64 : i32
      %sign3A_66 = arith.constant 0 : i32
      %sign3A_67 = arith.cmpi sgt, %mul3A_63, %sign3A_66 : i32
      %sign3A_68 = arith.extui %sign3A_67 : i1 to i32
      %sign3A_69 = arith.constant 0 : i32
      %sign3A_70 = arith.cmpi slt, %mul3A_63, %sign3A_69 : i32
      %sign3A_71 = arith.extui %sign3A_70 : i1 to i32
      %sign3A_72 = arith.subi %sign3A_68, %sign3A_71 : i32
      %sign3A_73 = arith.constant 0 : i32
      %sign3A_74 = arith.cmpi sgt, %jit3A_64, %sign3A_73 : i32
      %sign3A_75 = arith.extui %sign3A_74 : i1 to i32
      %sign3A_76 = arith.constant 0 : i32
      %sign3A_77 = arith.cmpi slt, %jit3A_64, %sign3A_76 : i32
      %sign3A_78 = arith.extui %sign3A_77 : i1 to i32
      %sign3A_79 = arith.subi %sign3A_75, %sign3A_78 : i32
      %ne3A_80 = arith.cmpi ne, %sign3A_72, %sign3A_79 : i32
      %rem3A_81 = arith.remsi %mul3A_63, %jit3A_64 : i32
      %ne3A_82 = arith.constant 0 : i32
      %ne3A_83 = arith.cmpi ne, %rem3A_81, %ne3A_82 : i32
      %and3A_84 = arith.andi %ne3A_80, %ne3A_83 : i1
      %sub3A_85 = arith.constant 1 : i32
      %sub3A_86 = arith.subi %div3A_65, %sub3A_85 : i32
      %select_n3A_87 = arith.select %and3A_84, %sub3A_86, %div3A_65 : i32
      %add3A_88 = arith.addi %squeeze3A, %select_n3A_87 : i32
      %add3A_89 = arith.constant 1 : i32
      %add3A_90 = arith.addi %arg1, %add3A_89 : i32
      %mul3A_91 = arith.muli %sub3A_62, %add3A_90 : i32
      %jit3A_92 = arith.constant 16 : i32
      %div3A_93 = arith.divsi %mul3A_91, %jit3A_92 : i32
      %sign3A_94 = arith.constant 0 : i32
      %sign3A_95 = arith.cmpi sgt, %mul3A_91, %sign3A_94 : i32
      %sign3A_96 = arith.extui %sign3A_95 : i1 to i32
      %sign3A_97 = arith.constant 0 : i32
      %sign3A_98 = arith.cmpi slt, %mul3A_91, %sign3A_97 : i32
      %sign3A_99 = arith.extui %sign3A_98 : i1 to i32
      %sign3A_100 = arith.subi %sign3A_96, %sign3A_99 : i32
      %sign3A_101 = arith.constant 0 : i32
      %sign3A_102 = arith.cmpi sgt, %jit3A_92, %sign3A_101 : i32
      %sign3A_103 = arith.extui %sign3A_102 : i1 to i32
      %sign3A_104 = arith.constant 0 : i32
      %sign3A_105 = arith.cmpi slt, %jit3A_92, %sign3A_104 : i32
      %sign3A_106 = arith.extui %sign3A_105 : i1 to i32
      %sign3A_107 = arith.subi %sign3A_103, %sign3A_106 : i32
      %ne3A_108 = arith.cmpi ne, %sign3A_100, %sign3A_107 : i32
      %rem3A_109 = arith.remsi %mul3A_91, %jit3A_92 : i32
      %ne3A_110 = arith.constant 0 : i32
      %ne3A_111 = arith.cmpi ne, %rem3A_109, %ne3A_110 : i32
      %and3A_112 = arith.andi %ne3A_108, %ne3A_111 : i1
      %sub3A_113 = arith.constant 1 : i32
      %sub3A_114 = arith.subi %div3A_93, %sub3A_113 : i32
      %select_n3A_115 = arith.select %and3A_112, %sub3A_114, %div3A_93 : i32
      %add3A_116 = arith.addi %squeeze3A, %select_n3A_115 : i32
      %and3A_117 = arith.constant 7 : i32
      %and3A_118 = arith.andi %add3A_88, %and3A_117 : i32
      %sub3A_119 = arith.subi %add3A_88, %and3A_118 : i32
      %sub3A_120 = arith.subi %add3A_116, %sub3A_119 : i32
      %add3A_121 = arith.constant 128 : i32
      %add3A_122 = arith.addi %sub3A_120, %add3A_121 : i32
      %sub3A_123 = arith.constant 1 : i32
      %sub3A_124 = arith.subi %add3A_122, %sub3A_123 : i32
      %jit3A_125 = arith.constant 128 : i32
      %div3A_126 = arith.divsi %sub3A_124, %jit3A_125 : i32
      %sign3A_127 = arith.constant 0 : i32
      %sign3A_128 = arith.cmpi sgt, %sub3A_124, %sign3A_127 : i32
      %sign3A_129 = arith.extui %sign3A_128 : i1 to i32
      %sign3A_130 = arith.constant 0 : i32
      %sign3A_131 = arith.cmpi slt, %sub3A_124, %sign3A_130 : i32
      %sign3A_132 = arith.extui %sign3A_131 : i1 to i32
      %sign3A_133 = arith.subi %sign3A_129, %sign3A_132 : i32
      %sign3A_134 = arith.constant 0 : i32
      %sign3A_135 = arith.cmpi sgt, %jit3A_125, %sign3A_134 : i32
      %sign3A_136 = arith.extui %sign3A_135 : i1 to i32
      %sign3A_137 = arith.constant 0 : i32
      %sign3A_138 = arith.cmpi slt, %jit3A_125, %sign3A_137 : i32
      %sign3A_139 = arith.extui %sign3A_138 : i1 to i32
      %sign3A_140 = arith.subi %sign3A_136, %sign3A_139 : i32
      %ne3A_141 = arith.cmpi ne, %sign3A_133, %sign3A_140 : i32
      %rem3A_142 = arith.remsi %sub3A_124, %jit3A_125 : i32
      %ne3A_143 = arith.constant 0 : i32
      %ne3A_144 = arith.cmpi ne, %rem3A_142, %ne3A_143 : i32
      %and3A_145 = arith.andi %ne3A_141, %ne3A_144 : i1
      %sub3A_146 = arith.constant 1 : i32
      %sub3A_147 = arith.subi %div3A_126, %sub3A_146 : i32
      %select_n3A_148 = arith.select %and3A_145, %sub3A_147, %div3A_126 : i32
      %gt3A = arith.constant 0 : i32
      %gt3A_149 = arith.cmpi sgt, %select_n3A_148, %gt3A : i32
      %convert_element_type3A_150 = arith.extui %gt3A_149 : i1 to i32
      %cond3A_151 = arith.constant 0 : i32
      %cond3A_152 = arith.cmpi ne, %convert_element_type3A_150, %cond3A_151 : i32
      scf.if %cond3A_152 {
        %add3A_216 = arith.constant 0 : i32
        %add3A_217 = arith.addi %sub3A_119, %add3A_216 : i32
        %multiple_of3A = tpu.assume_multiple %add3A_217, 8 : i32
        "tpu.region"() ({
          %run_scoped3A = tpu.sem_alloc : memref<!tpu.dma_semaphore, #tpu.memory_space<semaphore_mem>>
          %dma_start3A_418 = tpu.memref_slice %arg3[%multiple_of3A] : memref<640256xi32, #tpu.memory_space<hbm>> -> memref<128xi32, #tpu.memory_space<hbm>>
          %dma_start3A_419 = tpu.memref_slice %arg3[%multiple_of3A] : memref<640256xi32, #tpu.memory_space<hbm>> -> memref<128xi32, #tpu.memory_space<hbm>>
          tpu.enqueue_dma source(%dma_start3A_419 : memref<128xi32, #tpu.memory_space<hbm>>) target(%arg8 : memref<128xi32, #tpu.memory_space<vmem>>) target_semaphore(%run_scoped3A : memref<!tpu.dma_semaphore, #tpu.memory_space<semaphore_mem>>)
          %dma_wait3A = tpu.memref_slice %arg3[%multiple_of3A] : memref<640256xi32, #tpu.memory_space<hbm>> -> memref<128xi32, #tpu.memory_space<hbm>>
          %dma_wait3A_420 = tpu.memref_slice %arg3[%multiple_of3A] : memref<640256xi32, #tpu.memory_space<hbm>> -> memref<128xi32, #tpu.memory_space<hbm>>
          tpu.wait_dma2 semaphore(%run_scoped3A : memref<!tpu.dma_semaphore, #tpu.memory_space<semaphore_mem>>) src(%dma_wait3A_420 : memref<128xi32, #tpu.memory_space<hbm>>) dst(%arg8 : memref<128xi32, #tpu.memory_space<vmem>>)
          tpu.yield
        }) : () -> ()
        "tpu.region"() ({
          %run_scoped3A = tpu.sem_alloc : memref<!tpu.dma_semaphore, #tpu.memory_space<semaphore_mem>>
          %dma_start3A_418 = tpu.memref_slice %arg4[%multiple_of3A] : memref<640256xi32, #tpu.memory_space<hbm>> -> memref<128xi32, #tpu.memory_space<hbm>>
          %dma_start3A_419 = tpu.memref_slice %arg4[%multiple_of3A] : memref<640256xi32, #tpu.memory_space<hbm>> -> memref<128xi32, #tpu.memory_space<hbm>>
          tpu.enqueue_dma source(%dma_start3A_419 : memref<128xi32, #tpu.memory_space<hbm>>) target(%arg9 : memref<128xi32, #tpu.memory_space<vmem>>) target_semaphore(%run_scoped3A : memref<!tpu.dma_semaphore, #tpu.memory_space<semaphore_mem>>)
          %dma_wait3A = tpu.memref_slice %arg4[%multiple_of3A] : memref<640256xi32, #tpu.memory_space<hbm>> -> memref<128xi32, #tpu.memory_space<hbm>>
          %dma_wait3A_420 = tpu.memref_slice %arg4[%multiple_of3A] : memref<640256xi32, #tpu.memory_space<hbm>> -> memref<128xi32, #tpu.memory_space<hbm>>
          tpu.wait_dma2 semaphore(%run_scoped3A : memref<!tpu.dma_semaphore, #tpu.memory_space<semaphore_mem>>) src(%dma_wait3A_420 : memref<128xi32, #tpu.memory_space<hbm>>) dst(%arg9 : memref<128xi32, #tpu.memory_space<vmem>>)
          tpu.yield
        }) : () -> ()
        %add3A_218 = arith.constant 0 : i32
        %add3A_219 = arith.addi %multiple_of3A, %add3A_218 : i32
        %add3A_220 = vector.broadcast %add3A_219 : i32 to vector<16xi32>
        %add3A_221 = arith.addi %add3A_220, %iota3A : vector<16xi32>
        %get3A_222 = arith.constant 0 : index
        %get3A_223 = tpu.vector_load %arg9[%get3A_222] {strides = array<i32>} : memref<128xi32, #tpu.memory_space<vmem>>, vector<16xi32>,
        %get3A_224 = vector.shape_cast %get3A_223 : vector<16xi32> to vector<16xi32>
        %ge3A = vector.broadcast %add3A_88 : i32 to vector<16xi32>
        %ge3A_225 = arith.cmpi sge, %add3A_221, %ge3A : vector<16xi32>
        %lt3A_226 = vector.broadcast %add3A_116 : i32 to vector<16xi32>
        %lt3A_227 = arith.cmpi slt, %add3A_221, %lt3A_226 : vector<16xi32>
        %and3A_228 = arith.andi %ge3A_225, %lt3A_227 : vector<16xi1>
        %sub3A_229 = vector.broadcast %mul3A_10 : i32 to vector<16xi32>
        %sub3A_230 = arith.subi %get3A_224, %sub3A_229 : vector<16xi32>
        %and3A_231 = arith.constant 7 : i32
        %and3A_232 = vector.broadcast %and3A_231 : i32 to vector<16xi32>
        %and3A_233 = arith.andi %iota3A, %and3A_232 : vector<16xi32>
        %add3A_234 = arith.constant 8192 : i32
        %add3A_235 = vector.broadcast %add3A_234 : i32 to vector<16xi32>
        %add3A_236 = arith.addi %add3A_235, %and3A_233 : vector<16xi32>
        %select_n3A_237 = arith.select %and3A_228, %sub3A_230, %add3A_236 : vector<16xi1>, vector<16xi32>
        %swap3A = arith.constant 0 : index
        %swap3A_238 = tpu.vector_load %arg10[%swap3A] {strides = array<i32>} : memref<128xi32, #tpu.memory_space<vmem>>, vector<16xi32>,
        %swap3A_239 = vector.shape_cast %swap3A_238 : vector<16xi32> to vector<16xi32>
        %swap3A_240 = vector.shape_cast %select_n3A_237 : vector<16xi32> to vector<16xi32>
        tpu.vector_store %arg10[%swap3A], %swap3A_240 {strides = array<i32>} : memref<128xi32, #tpu.memory_space<vmem>>, vector<16xi32>,
        %add3A_241 = arith.constant 16 : i32
        %add3A_242 = arith.addi %multiple_of3A, %add3A_241 : i32
        %add3A_243 = vector.broadcast %add3A_242 : i32 to vector<16xi32>
        %add3A_244 = arith.addi %add3A_243, %iota3A : vector<16xi32>
        %get3A_245 = arith.constant 16 : index
        %get3A_246 = tpu.vector_load %arg9[%get3A_245] {strides = array<i32>} : memref<128xi32, #tpu.memory_space<vmem>>, vector<16xi32>,
        %get3A_247 = vector.shape_cast %get3A_246 : vector<16xi32> to vector<16xi32>
        %ge3A_248 = vector.broadcast %add3A_88 : i32 to vector<16xi32>
        %ge3A_249 = arith.cmpi sge, %add3A_244, %ge3A_248 : vector<16xi32>
        %lt3A_250 = vector.broadcast %add3A_116 : i32 to vector<16xi32>
        %lt3A_251 = arith.cmpi slt, %add3A_244, %lt3A_250 : vector<16xi32>
        %and3A_252 = arith.andi %ge3A_249, %lt3A_251 : vector<16xi1>
        %sub3A_253 = vector.broadcast %mul3A_10 : i32 to vector<16xi32>
        %sub3A_254 = arith.subi %get3A_247, %sub3A_253 : vector<16xi32>
        %and3A_255 = arith.constant 7 : i32
        %and3A_256 = vector.broadcast %and3A_255 : i32 to vector<16xi32>
        %and3A_257 = arith.andi %iota3A, %and3A_256 : vector<16xi32>
        %add3A_258 = arith.constant 8192 : i32
        %add3A_259 = vector.broadcast %add3A_258 : i32 to vector<16xi32>
        %add3A_260 = arith.addi %add3A_259, %and3A_257 : vector<16xi32>
        %select_n3A_261 = arith.select %and3A_252, %sub3A_254, %add3A_260 : vector<16xi1>, vector<16xi32>
        %swap3A_262 = arith.constant 16 : index
        %swap3A_263 = tpu.vector_load %arg10[%swap3A_262] {strides = array<i32>} : memref<128xi32, #tpu.memory_space<vmem>>, vector<16xi32>,
        %swap3A_264 = vector.shape_cast %swap3A_263 : vector<16xi32> to vector<16xi32>
        %swap3A_265 = vector.shape_cast %select_n3A_261 : vector<16xi32> to vector<16xi32>
        tpu.vector_store %arg10[%swap3A_262], %swap3A_265 {strides = array<i32>} : memref<128xi32, #tpu.memory_space<vmem>>, vector<16xi32>,
        %add3A_266 = arith.constant 32 : i32
        %add3A_267 = arith.addi %multiple_of3A, %add3A_266 : i32
        %add3A_268 = vector.broadcast %add3A_267 : i32 to vector<16xi32>
        %add3A_269 = arith.addi %add3A_268, %iota3A : vector<16xi32>
        %get3A_270 = arith.constant 32 : index
        %get3A_271 = tpu.vector_load %arg9[%get3A_270] {strides = array<i32>} : memref<128xi32, #tpu.memory_space<vmem>>, vector<16xi32>,
        %get3A_272 = vector.shape_cast %get3A_271 : vector<16xi32> to vector<16xi32>
        %ge3A_273 = vector.broadcast %add3A_88 : i32 to vector<16xi32>
        %ge3A_274 = arith.cmpi sge, %add3A_269, %ge3A_273 : vector<16xi32>
        %lt3A_275 = vector.broadcast %add3A_116 : i32 to vector<16xi32>
        %lt3A_276 = arith.cmpi slt, %add3A_269, %lt3A_275 : vector<16xi32>
        %and3A_277 = arith.andi %ge3A_274, %lt3A_276 : vector<16xi1>
        %sub3A_278 = vector.broadcast %mul3A_10 : i32 to vector<16xi32>
        %sub3A_279 = arith.subi %get3A_272, %sub3A_278 : vector<16xi32>
        %and3A_280 = arith.constant 7 : i32
        %and3A_281 = vector.broadcast %and3A_280 : i32 to vector<16xi32>
        %and3A_282 = arith.andi %iota3A, %and3A_281 : vector<16xi32>
        %add3A_283 = arith.constant 8192 : i32
        %add3A_284 = vector.broadcast %add3A_283 : i32 to vector<16xi32>
        %add3A_285 = arith.addi %add3A_284, %and3A_282 : vector<16xi32>
        %select_n3A_286 = arith.select %and3A_277, %sub3A_279, %add3A_285 : vector<16xi1>, vector<16xi32>
        %swap3A_287 = arith.constant 32 : index
        %swap3A_288 = tpu.vector_load %arg10[%swap3A_287] {strides = array<i32>} : memref<128xi32, #tpu.memory_space<vmem>>, vector<16xi32>,
        %swap3A_289 = vector.shape_cast %swap3A_288 : vector<16xi32> to vector<16xi32>
        %swap3A_290 = vector.shape_cast %select_n3A_286 : vector<16xi32> to vector<16xi32>
        tpu.vector_store %arg10[%swap3A_287], %swap3A_290 {strides = array<i32>} : memref<128xi32, #tpu.memory_space<vmem>>, vector<16xi32>,
        %add3A_291 = arith.constant 48 : i32
        %add3A_292 = arith.addi %multiple_of3A, %add3A_291 : i32
        %add3A_293 = vector.broadcast %add3A_292 : i32 to vector<16xi32>
        %add3A_294 = arith.addi %add3A_293, %iota3A : vector<16xi32>
        %get3A_295 = arith.constant 48 : index
        %get3A_296 = tpu.vector_load %arg9[%get3A_295] {strides = array<i32>} : memref<128xi32, #tpu.memory_space<vmem>>, vector<16xi32>,
        %get3A_297 = vector.shape_cast %get3A_296 : vector<16xi32> to vector<16xi32>
        %ge3A_298 = vector.broadcast %add3A_88 : i32 to vector<16xi32>
        %ge3A_299 = arith.cmpi sge, %add3A_294, %ge3A_298 : vector<16xi32>
        %lt3A_300 = vector.broadcast %add3A_116 : i32 to vector<16xi32>
        %lt3A_301 = arith.cmpi slt, %add3A_294, %lt3A_300 : vector<16xi32>
        %and3A_302 = arith.andi %ge3A_299, %lt3A_301 : vector<16xi1>
        %sub3A_303 = vector.broadcast %mul3A_10 : i32 to vector<16xi32>
        %sub3A_304 = arith.subi %get3A_297, %sub3A_303 : vector<16xi32>
        %and3A_305 = arith.constant 7 : i32
        %and3A_306 = vector.broadcast %and3A_305 : i32 to vector<16xi32>
        %and3A_307 = arith.andi %iota3A, %and3A_306 : vector<16xi32>
        %add3A_308 = arith.constant 8192 : i32
        %add3A_309 = vector.broadcast %add3A_308 : i32 to vector<16xi32>
        %add3A_310 = arith.addi %add3A_309, %and3A_307 : vector<16xi32>
        %select_n3A_311 = arith.select %and3A_302, %sub3A_304, %add3A_310 : vector<16xi1>, vector<16xi32>
        %swap3A_312 = arith.constant 48 : index
        %swap3A_313 = tpu.vector_load %arg10[%swap3A_312] {strides = array<i32>} : memref<128xi32, #tpu.memory_space<vmem>>, vector<16xi32>,
        %swap3A_314 = vector.shape_cast %swap3A_313 : vector<16xi32> to vector<16xi32>
        %swap3A_315 = vector.shape_cast %select_n3A_311 : vector<16xi32> to vector<16xi32>
        tpu.vector_store %arg10[%swap3A_312], %swap3A_315 {strides = array<i32>} : memref<128xi32, #tpu.memory_space<vmem>>, vector<16xi32>,
        %add3A_316 = arith.constant 64 : i32
        %add3A_317 = arith.addi %multiple_of3A, %add3A_316 : i32
        %add3A_318 = vector.broadcast %add3A_317 : i32 to vector<16xi32>
        %add3A_319 = arith.addi %add3A_318, %iota3A : vector<16xi32>
        %get3A_320 = arith.constant 64 : index
        %get3A_321 = tpu.vector_load %arg9[%get3A_320] {strides = array<i32>} : memref<128xi32, #tpu.memory_space<vmem>>, vector<16xi32>,
        %get3A_322 = vector.shape_cast %get3A_321 : vector<16xi32> to vector<16xi32>
        %ge3A_323 = vector.broadcast %add3A_88 : i32 to vector<16xi32>
        %ge3A_324 = arith.cmpi sge, %add3A_319, %ge3A_323 : vector<16xi32>
        %lt3A_325 = vector.broadcast %add3A_116 : i32 to vector<16xi32>
        %lt3A_326 = arith.cmpi slt, %add3A_319, %lt3A_325 : vector<16xi32>
        %and3A_327 = arith.andi %ge3A_324, %lt3A_326 : vector<16xi1>
        %sub3A_328 = vector.broadcast %mul3A_10 : i32 to vector<16xi32>
        %sub3A_329 = arith.subi %get3A_322, %sub3A_328 : vector<16xi32>
        %and3A_330 = arith.constant 7 : i32
        %and3A_331 = vector.broadcast %and3A_330 : i32 to vector<16xi32>
        %and3A_332 = arith.andi %iota3A, %and3A_331 : vector<16xi32>
        %add3A_333 = arith.constant 8192 : i32
        %add3A_334 = vector.broadcast %add3A_333 : i32 to vector<16xi32>
        %add3A_335 = arith.addi %add3A_334, %and3A_332 : vector<16xi32>
        %select_n3A_336 = arith.select %and3A_327, %sub3A_329, %add3A_335 : vector<16xi1>, vector<16xi32>
        %swap3A_337 = arith.constant 64 : index
        %swap3A_338 = tpu.vector_load %arg10[%swap3A_337] {strides = array<i32>} : memref<128xi32, #tpu.memory_space<vmem>>, vector<16xi32>,
        %swap3A_339 = vector.shape_cast %swap3A_338 : vector<16xi32> to vector<16xi32>
        %swap3A_340 = vector.shape_cast %select_n3A_336 : vector<16xi32> to vector<16xi32>
        tpu.vector_store %arg10[%swap3A_337], %swap3A_340 {strides = array<i32>} : memref<128xi32, #tpu.memory_space<vmem>>, vector<16xi32>,
        %add3A_341 = arith.constant 80 : i32
        %add3A_342 = arith.addi %multiple_of3A, %add3A_341 : i32
        %add3A_343 = vector.broadcast %add3A_342 : i32 to vector<16xi32>
        %add3A_344 = arith.addi %add3A_343, %iota3A : vector<16xi32>
        %get3A_345 = arith.constant 80 : index
        %get3A_346 = tpu.vector_load %arg9[%get3A_345] {strides = array<i32>} : memref<128xi32, #tpu.memory_space<vmem>>, vector<16xi32>,
        %get3A_347 = vector.shape_cast %get3A_346 : vector<16xi32> to vector<16xi32>
        %ge3A_348 = vector.broadcast %add3A_88 : i32 to vector<16xi32>
        %ge3A_349 = arith.cmpi sge, %add3A_344, %ge3A_348 : vector<16xi32>
        %lt3A_350 = vector.broadcast %add3A_116 : i32 to vector<16xi32>
        %lt3A_351 = arith.cmpi slt, %add3A_344, %lt3A_350 : vector<16xi32>
        %and3A_352 = arith.andi %ge3A_349, %lt3A_351 : vector<16xi1>
        %sub3A_353 = vector.broadcast %mul3A_10 : i32 to vector<16xi32>
        %sub3A_354 = arith.subi %get3A_347, %sub3A_353 : vector<16xi32>
        %and3A_355 = arith.constant 7 : i32
        %and3A_356 = vector.broadcast %and3A_355 : i32 to vector<16xi32>
        %and3A_357 = arith.andi %iota3A, %and3A_356 : vector<16xi32>
        %add3A_358 = arith.constant 8192 : i32
        %add3A_359 = vector.broadcast %add3A_358 : i32 to vector<16xi32>
        %add3A_360 = arith.addi %add3A_359, %and3A_357 : vector<16xi32>
        %select_n3A_361 = arith.select %and3A_352, %sub3A_354, %add3A_360 : vector<16xi1>, vector<16xi32>
        %swap3A_362 = arith.constant 80 : index
        %swap3A_363 = tpu.vector_load %arg10[%swap3A_362] {strides = array<i32>} : memref<128xi32, #tpu.memory_space<vmem>>, vector<16xi32>,
        %swap3A_364 = vector.shape_cast %swap3A_363 : vector<16xi32> to vector<16xi32>
        %swap3A_365 = vector.shape_cast %select_n3A_361 : vector<16xi32> to vector<16xi32>
        tpu.vector_store %arg10[%swap3A_362], %swap3A_365 {strides = array<i32>} : memref<128xi32, #tpu.memory_space<vmem>>, vector<16xi32>,
        %add3A_366 = arith.constant 96 : i32
        %add3A_367 = arith.addi %multiple_of3A, %add3A_366 : i32
        %add3A_368 = vector.broadcast %add3A_367 : i32 to vector<16xi32>
        %add3A_369 = arith.addi %add3A_368, %iota3A : vector<16xi32>
        %get3A_370 = arith.constant 96 : index
        %get3A_371 = tpu.vector_load %arg9[%get3A_370] {strides = array<i32>} : memref<128xi32, #tpu.memory_space<vmem>>, vector<16xi32>,
        %get3A_372 = vector.shape_cast %get3A_371 : vector<16xi32> to vector<16xi32>
        %ge3A_373 = vector.broadcast %add3A_88 : i32 to vector<16xi32>
        %ge3A_374 = arith.cmpi sge, %add3A_369, %ge3A_373 : vector<16xi32>
        %lt3A_375 = vector.broadcast %add3A_116 : i32 to vector<16xi32>
        %lt3A_376 = arith.cmpi slt, %add3A_369, %lt3A_375 : vector<16xi32>
        %and3A_377 = arith.andi %ge3A_374, %lt3A_376 : vector<16xi1>
        %sub3A_378 = vector.broadcast %mul3A_10 : i32 to vector<16xi32>
        %sub3A_379 = arith.subi %get3A_372, %sub3A_378 : vector<16xi32>
        %and3A_380 = arith.constant 7 : i32
        %and3A_381 = vector.broadcast %and3A_380 : i32 to vector<16xi32>
        %and3A_382 = arith.andi %iota3A, %and3A_381 : vector<16xi32>
        %add3A_383 = arith.constant 8192 : i32
        %add3A_384 = vector.broadcast %add3A_383 : i32 to vector<16xi32>
        %add3A_385 = arith.addi %add3A_384, %and3A_382 : vector<16xi32>
        %select_n3A_386 = arith.select %and3A_377, %sub3A_379, %add3A_385 : vector<16xi1>, vector<16xi32>
        %swap3A_387 = arith.constant 96 : index
        %swap3A_388 = tpu.vector_load %arg10[%swap3A_387] {strides = array<i32>} : memref<128xi32, #tpu.memory_space<vmem>>, vector<16xi32>,
        %swap3A_389 = vector.shape_cast %swap3A_388 : vector<16xi32> to vector<16xi32>
        %swap3A_390 = vector.shape_cast %select_n3A_386 : vector<16xi32> to vector<16xi32>
        tpu.vector_store %arg10[%swap3A_387], %swap3A_390 {strides = array<i32>} : memref<128xi32, #tpu.memory_space<vmem>>, vector<16xi32>,
        %add3A_391 = arith.constant 112 : i32
        %add3A_392 = arith.addi %multiple_of3A, %add3A_391 : i32
        %add3A_393 = vector.broadcast %add3A_392 : i32 to vector<16xi32>
        %add3A_394 = arith.addi %add3A_393, %iota3A : vector<16xi32>
        %get3A_395 = arith.constant 112 : index
        %get3A_396 = tpu.vector_load %arg9[%get3A_395] {strides = array<i32>} : memref<128xi32, #tpu.memory_space<vmem>>, vector<16xi32>,
        %get3A_397 = vector.shape_cast %get3A_396 : vector<16xi32> to vector<16xi32>
        %ge3A_398 = vector.broadcast %add3A_88 : i32 to vector<16xi32>
        %ge3A_399 = arith.cmpi sge, %add3A_394, %ge3A_398 : vector<16xi32>
        %lt3A_400 = vector.broadcast %add3A_116 : i32 to vector<16xi32>
        %lt3A_401 = arith.cmpi slt, %add3A_394, %lt3A_400 : vector<16xi32>
        %and3A_402 = arith.andi %ge3A_399, %lt3A_401 : vector<16xi1>
        %sub3A_403 = vector.broadcast %mul3A_10 : i32 to vector<16xi32>
        %sub3A_404 = arith.subi %get3A_397, %sub3A_403 : vector<16xi32>
        %and3A_405 = arith.constant 7 : i32
        %and3A_406 = vector.broadcast %and3A_405 : i32 to vector<16xi32>
        %and3A_407 = arith.andi %iota3A, %and3A_406 : vector<16xi32>
        %add3A_408 = arith.constant 8192 : i32
        %add3A_409 = vector.broadcast %add3A_408 : i32 to vector<16xi32>
        %add3A_410 = arith.addi %add3A_409, %and3A_407 : vector<16xi32>
        %select_n3A_411 = arith.select %and3A_402, %sub3A_404, %add3A_410 : vector<16xi1>, vector<16xi32>
        %swap3A_412 = arith.constant 112 : index
        %swap3A_413 = tpu.vector_load %arg10[%swap3A_412] {strides = array<i32>} : memref<128xi32, #tpu.memory_space<vmem>>, vector<16xi32>,
        %swap3A_414 = vector.shape_cast %swap3A_413 : vector<16xi32> to vector<16xi32>
        %swap3A_415 = vector.shape_cast %select_n3A_411 : vector<16xi32> to vector<16xi32>
        tpu.vector_store %arg10[%swap3A_412], %swap3A_415 {strides = array<i32>} : memref<128xi32, #tpu.memory_space<vmem>>, vector<16xi32>,
        %dma_start3A = arith.constant 0 : i32
        %dma_start3A_416 = arith.constant 0 : i32
        %dma_start3A_417 = tpu.memref_slice %arg2[%dma_start3A, %dma_start3A_416] : memref<640000x128xf32, #tpu.memory_space<hbm>> -> memref<640000x128xf32, #tpu.memory_space<hbm>>
        tpu.enqueue_indirect_dma source(%dma_start3A_417 : memref<640000x128xf32, #tpu.memory_space<hbm>>) target(%arg11 : memref<128x128xf32, #tpu.memory_space<vmem>>) offsets(%arg8 : memref<128xi32, #tpu.memory_space<vmem>>) semaphore(%arg16 : memref<!tpu.dma_semaphore, #tpu.memory_space<semaphore_mem>>)
      } else {
      }
      %add3A_153 = arith.constant 1 : i32
      %add3A_154 = arith.addi %select_n3A_148, %add3A_153 : i32
      %jit3A_155 = arith.constant 2 : i32
      %div3A_156 = arith.divsi %add3A_154, %jit3A_155 : i32
      %sign3A_157 = arith.constant 0 : i32
      %sign3A_158 = arith.cmpi sgt, %add3A_154, %sign3A_157 : i32
      %sign3A_159 = arith.extui %sign3A_158 : i1 to i32
      %sign3A_160 = arith.constant 0 : i32
      %sign3A_161 = arith.cmpi slt, %add3A_154, %sign3A_160 : i32
      %sign3A_162 = arith.extui %sign3A_161 : i1 to i32
      %sign3A_163 = arith.subi %sign3A_159, %sign3A_162 : i32
      %sign3A_164 = arith.constant 0 : i32
      %sign3A_165 = arith.cmpi sgt, %jit3A_155, %sign3A_164 : i32
      %sign3A_166 = arith.extui %sign3A_165 : i1 to i32
      %sign3A_167 = arith.constant 0 : i32
      %sign3A_168 = arith.cmpi slt, %jit3A_155, %sign3A_167 : i32
      %sign3A_169 = arith.extui %sign3A_168 : i1 to i32
      %sign3A_170 = arith.subi %sign3A_166, %sign3A_169 : i32
      %ne3A_171 = arith.cmpi ne, %sign3A_163, %sign3A_170 : i32
      %rem3A_172 = arith.remsi %add3A_154, %jit3A_155 : i32
      %ne3A_173 = arith.constant 0 : i32
      %ne3A_174 = arith.cmpi ne, %rem3A_172, %ne3A_173 : i32
      %and3A_175 = arith.andi %ne3A_171, %ne3A_174 : i1
      %sub3A_176 = arith.constant 1 : i32
      %sub3A_177 = arith.subi %div3A_156, %sub3A_176 : i32
      %select_n3A_178 = arith.select %and3A_175, %sub3A_177, %div3A_156 : i32
      %while3A = arith.constant 0 : i32
      %while3A_179 = arith.constant 0 : i32
      %while3A_180 = arith.subi %select_n3A_178, %while3A : i32
      %while3A_181 = arith.addi %while3A, %while3A_180 : i32
      %while3A_182 = arith.constant 1 : i32
      %while3A_183 = arith.divsi %while3A_180, %while3A_182 : i32
      %while3A_184 = arith.muli %while3A_183, %while3A_182 : i32
      %while3A_185 = arith.addi %while3A, %while3A_184 : i32
      %while3A_186 = arith.constant 1 : i32
      %while3A_187 = scf.for %while3A_216 = %while3A to %while3A_185 step %while3A_186 iter_args(%while3A_217 = %while3A_179) -> (i32)  : i32 {
        %mul3A_218 = arith.constant 2 : i32
        %mul3A_219 = arith.muli %mul3A_218, %while3A_216 : i32
        %add3A_220 = arith.constant 1 : i32
        %add3A_221 = arith.addi %mul3A_219, %add3A_220 : i32
        %lt3A_222 = arith.cmpi slt, %add3A_221, %select_n3A_148 : i32
        %convert_element_type3A_223 = arith.extui %lt3A_222 : i1 to i32
        %cond3A_224 = arith.constant 0 : i32
        %cond3A_225 = arith.cmpi ne, %convert_element_type3A_223, %cond3A_224 : i32
        scf.if %cond3A_225 {
          %mul3A_239 = arith.constant 128 : i32
          %mul3A_240 = arith.muli %add3A_221, %mul3A_239 : i32
          %add3A_241 = arith.addi %sub3A_119, %mul3A_240 : i32
          %multiple_of3A = tpu.assume_multiple %add3A_241, 8 : i32
          "tpu.region"() ({
            %run_scoped3A = tpu.sem_alloc : memref<!tpu.dma_semaphore, #tpu.memory_space<semaphore_mem>>
            %dma_start3A_442 = tpu.memref_slice %arg3[%multiple_of3A] : memref<640256xi32, #tpu.memory_space<hbm>> -> memref<128xi32, #tpu.memory_space<hbm>>
            %dma_start3A_443 = tpu.memref_slice %arg3[%multiple_of3A] : memref<640256xi32, #tpu.memory_space<hbm>> -> memref<128xi32, #tpu.memory_space<hbm>>
            tpu.enqueue_dma source(%dma_start3A_443 : memref<128xi32, #tpu.memory_space<hbm>>) target(%arg12 : memref<128xi32, #tpu.memory_space<vmem>>) target_semaphore(%run_scoped3A : memref<!tpu.dma_semaphore, #tpu.memory_space<semaphore_mem>>)
            %dma_wait3A_444 = tpu.memref_slice %arg3[%multiple_of3A] : memref<640256xi32, #tpu.memory_space<hbm>> -> memref<128xi32, #tpu.memory_space<hbm>>
            %dma_wait3A_445 = tpu.memref_slice %arg3[%multiple_of3A] : memref<640256xi32, #tpu.memory_space<hbm>> -> memref<128xi32, #tpu.memory_space<hbm>>
            tpu.wait_dma2 semaphore(%run_scoped3A : memref<!tpu.dma_semaphore, #tpu.memory_space<semaphore_mem>>) src(%dma_wait3A_445 : memref<128xi32, #tpu.memory_space<hbm>>) dst(%arg12 : memref<128xi32, #tpu.memory_space<vmem>>)
            tpu.yield
          }) : () -> ()
          "tpu.region"() ({
            %run_scoped3A = tpu.sem_alloc : memref<!tpu.dma_semaphore, #tpu.memory_space<semaphore_mem>>
            %dma_start3A_442 = tpu.memref_slice %arg4[%multiple_of3A] : memref<640256xi32, #tpu.memory_space<hbm>> -> memref<128xi32, #tpu.memory_space<hbm>>
            %dma_start3A_443 = tpu.memref_slice %arg4[%multiple_of3A] : memref<640256xi32, #tpu.memory_space<hbm>> -> memref<128xi32, #tpu.memory_space<hbm>>
            tpu.enqueue_dma source(%dma_start3A_443 : memref<128xi32, #tpu.memory_space<hbm>>) target(%arg13 : memref<128xi32, #tpu.memory_space<vmem>>) target_semaphore(%run_scoped3A : memref<!tpu.dma_semaphore, #tpu.memory_space<semaphore_mem>>)
            %dma_wait3A_444 = tpu.memref_slice %arg4[%multiple_of3A] : memref<640256xi32, #tpu.memory_space<hbm>> -> memref<128xi32, #tpu.memory_space<hbm>>
            %dma_wait3A_445 = tpu.memref_slice %arg4[%multiple_of3A] : memref<640256xi32, #tpu.memory_space<hbm>> -> memref<128xi32, #tpu.memory_space<hbm>>
            tpu.wait_dma2 semaphore(%run_scoped3A : memref<!tpu.dma_semaphore, #tpu.memory_space<semaphore_mem>>) src(%dma_wait3A_445 : memref<128xi32, #tpu.memory_space<hbm>>) dst(%arg13 : memref<128xi32, #tpu.memory_space<vmem>>)
            tpu.yield
          }) : () -> ()
          %add3A_242 = arith.constant 0 : i32
          %add3A_243 = arith.addi %multiple_of3A, %add3A_242 : i32
          %add3A_244 = vector.broadcast %add3A_243 : i32 to vector<16xi32>
          %add3A_245 = arith.addi %add3A_244, %iota3A : vector<16xi32>
          %get3A_246 = arith.constant 0 : index
          %get3A_247 = tpu.vector_load %arg13[%get3A_246] {strides = array<i32>} : memref<128xi32, #tpu.memory_space<vmem>>, vector<16xi32>,
          %get3A_248 = vector.shape_cast %get3A_247 : vector<16xi32> to vector<16xi32>
          %ge3A = vector.broadcast %add3A_88 : i32 to vector<16xi32>
          %ge3A_249 = arith.cmpi sge, %add3A_245, %ge3A : vector<16xi32>
          %lt3A_250 = vector.broadcast %add3A_116 : i32 to vector<16xi32>
          %lt3A_251 = arith.cmpi slt, %add3A_245, %lt3A_250 : vector<16xi32>
          %and3A_252 = arith.andi %ge3A_249, %lt3A_251 : vector<16xi1>
          %sub3A_253 = vector.broadcast %mul3A_10 : i32 to vector<16xi32>
          %sub3A_254 = arith.subi %get3A_248, %sub3A_253 : vector<16xi32>
          %and3A_255 = arith.constant 7 : i32
          %and3A_256 = vector.broadcast %and3A_255 : i32 to vector<16xi32>
          %and3A_257 = arith.andi %iota3A, %and3A_256 : vector<16xi32>
          %add3A_258 = arith.constant 8192 : i32
          %add3A_259 = vector.broadcast %add3A_258 : i32 to vector<16xi32>
          %add3A_260 = arith.addi %add3A_259, %and3A_257 : vector<16xi32>
          %select_n3A_261 = arith.select %and3A_252, %sub3A_254, %add3A_260 : vector<16xi1>, vector<16xi32>
          %swap3A = arith.constant 0 : index
          %swap3A_262 = tpu.vector_load %arg14[%swap3A] {strides = array<i32>} : memref<128xi32, #tpu.memory_space<vmem>>, vector<16xi32>,
          %swap3A_263 = vector.shape_cast %swap3A_262 : vector<16xi32> to vector<16xi32>
          %swap3A_264 = vector.shape_cast %select_n3A_261 : vector<16xi32> to vector<16xi32>
          tpu.vector_store %arg14[%swap3A], %swap3A_264 {strides = array<i32>} : memref<128xi32, #tpu.memory_space<vmem>>, vector<16xi32>,
          %add3A_265 = arith.constant 16 : i32
          %add3A_266 = arith.addi %multiple_of3A, %add3A_265 : i32
          %add3A_267 = vector.broadcast %add3A_266 : i32 to vector<16xi32>
          %add3A_268 = arith.addi %add3A_267, %iota3A : vector<16xi32>
          %get3A_269 = arith.constant 16 : index
          %get3A_270 = tpu.vector_load %arg13[%get3A_269] {strides = array<i32>} : memref<128xi32, #tpu.memory_space<vmem>>, vector<16xi32>,
          %get3A_271 = vector.shape_cast %get3A_270 : vector<16xi32> to vector<16xi32>
          %ge3A_272 = vector.broadcast %add3A_88 : i32 to vector<16xi32>
          %ge3A_273 = arith.cmpi sge, %add3A_268, %ge3A_272 : vector<16xi32>
          %lt3A_274 = vector.broadcast %add3A_116 : i32 to vector<16xi32>
          %lt3A_275 = arith.cmpi slt, %add3A_268, %lt3A_274 : vector<16xi32>
          %and3A_276 = arith.andi %ge3A_273, %lt3A_275 : vector<16xi1>
          %sub3A_277 = vector.broadcast %mul3A_10 : i32 to vector<16xi32>
          %sub3A_278 = arith.subi %get3A_271, %sub3A_277 : vector<16xi32>
          %and3A_279 = arith.constant 7 : i32
          %and3A_280 = vector.broadcast %and3A_279 : i32 to vector<16xi32>
          %and3A_281 = arith.andi %iota3A, %and3A_280 : vector<16xi32>
          %add3A_282 = arith.constant 8192 : i32
          %add3A_283 = vector.broadcast %add3A_282 : i32 to vector<16xi32>
          %add3A_284 = arith.addi %add3A_283, %and3A_281 : vector<16xi32>
          %select_n3A_285 = arith.select %and3A_276, %sub3A_278, %add3A_284 : vector<16xi1>, vector<16xi32>
          %swap3A_286 = arith.constant 16 : index
          %swap3A_287 = tpu.vector_load %arg14[%swap3A_286] {strides = array<i32>} : memref<128xi32, #tpu.memory_space<vmem>>, vector<16xi32>,
          %swap3A_288 = vector.shape_cast %swap3A_287 : vector<16xi32> to vector<16xi32>
          %swap3A_289 = vector.shape_cast %select_n3A_285 : vector<16xi32> to vector<16xi32>
          tpu.vector_store %arg14[%swap3A_286], %swap3A_289 {strides = array<i32>} : memref<128xi32, #tpu.memory_space<vmem>>, vector<16xi32>,
          %add3A_290 = arith.constant 32 : i32
          %add3A_291 = arith.addi %multiple_of3A, %add3A_290 : i32
          %add3A_292 = vector.broadcast %add3A_291 : i32 to vector<16xi32>
          %add3A_293 = arith.addi %add3A_292, %iota3A : vector<16xi32>
          %get3A_294 = arith.constant 32 : index
          %get3A_295 = tpu.vector_load %arg13[%get3A_294] {strides = array<i32>} : memref<128xi32, #tpu.memory_space<vmem>>, vector<16xi32>,
          %get3A_296 = vector.shape_cast %get3A_295 : vector<16xi32> to vector<16xi32>
          %ge3A_297 = vector.broadcast %add3A_88 : i32 to vector<16xi32>
          %ge3A_298 = arith.cmpi sge, %add3A_293, %ge3A_297 : vector<16xi32>
          %lt3A_299 = vector.broadcast %add3A_116 : i32 to vector<16xi32>
          %lt3A_300 = arith.cmpi slt, %add3A_293, %lt3A_299 : vector<16xi32>
          %and3A_301 = arith.andi %ge3A_298, %lt3A_300 : vector<16xi1>
          %sub3A_302 = vector.broadcast %mul3A_10 : i32 to vector<16xi32>
          %sub3A_303 = arith.subi %get3A_296, %sub3A_302 : vector<16xi32>
          %and3A_304 = arith.constant 7 : i32
          %and3A_305 = vector.broadcast %and3A_304 : i32 to vector<16xi32>
          %and3A_306 = arith.andi %iota3A, %and3A_305 : vector<16xi32>
          %add3A_307 = arith.constant 8192 : i32
          %add3A_308 = vector.broadcast %add3A_307 : i32 to vector<16xi32>
          %add3A_309 = arith.addi %add3A_308, %and3A_306 : vector<16xi32>
          %select_n3A_310 = arith.select %and3A_301, %sub3A_303, %add3A_309 : vector<16xi1>, vector<16xi32>
          %swap3A_311 = arith.constant 32 : index
          %swap3A_312 = tpu.vector_load %arg14[%swap3A_311] {strides = array<i32>} : memref<128xi32, #tpu.memory_space<vmem>>, vector<16xi32>,
          %swap3A_313 = vector.shape_cast %swap3A_312 : vector<16xi32> to vector<16xi32>
          %swap3A_314 = vector.shape_cast %select_n3A_310 : vector<16xi32> to vector<16xi32>
          tpu.vector_store %arg14[%swap3A_311], %swap3A_314 {strides = array<i32>} : memref<128xi32, #tpu.memory_space<vmem>>, vector<16xi32>,
          %add3A_315 = arith.constant 48 : i32
          %add3A_316 = arith.addi %multiple_of3A, %add3A_315 : i32
          %add3A_317 = vector.broadcast %add3A_316 : i32 to vector<16xi32>
          %add3A_318 = arith.addi %add3A_317, %iota3A : vector<16xi32>
          %get3A_319 = arith.constant 48 : index
          %get3A_320 = tpu.vector_load %arg13[%get3A_319] {strides = array<i32>} : memref<128xi32, #tpu.memory_space<vmem>>, vector<16xi32>,
          %get3A_321 = vector.shape_cast %get3A_320 : vector<16xi32> to vector<16xi32>
          %ge3A_322 = vector.broadcast %add3A_88 : i32 to vector<16xi32>
          %ge3A_323 = arith.cmpi sge, %add3A_318, %ge3A_322 : vector<16xi32>
          %lt3A_324 = vector.broadcast %add3A_116 : i32 to vector<16xi32>
          %lt3A_325 = arith.cmpi slt, %add3A_318, %lt3A_324 : vector<16xi32>
          %and3A_326 = arith.andi %ge3A_323, %lt3A_325 : vector<16xi1>
          %sub3A_327 = vector.broadcast %mul3A_10 : i32 to vector<16xi32>
          %sub3A_328 = arith.subi %get3A_321, %sub3A_327 : vector<16xi32>
          %and3A_329 = arith.constant 7 : i32
          %and3A_330 = vector.broadcast %and3A_329 : i32 to vector<16xi32>
          %and3A_331 = arith.andi %iota3A, %and3A_330 : vector<16xi32>
          %add3A_332 = arith.constant 8192 : i32
          %add3A_333 = vector.broadcast %add3A_332 : i32 to vector<16xi32>
          %add3A_334 = arith.addi %add3A_333, %and3A_331 : vector<16xi32>
          %select_n3A_335 = arith.select %and3A_326, %sub3A_328, %add3A_334 : vector<16xi1>, vector<16xi32>
          %swap3A_336 = arith.constant 48 : index
          %swap3A_337 = tpu.vector_load %arg14[%swap3A_336] {strides = array<i32>} : memref<128xi32, #tpu.memory_space<vmem>>, vector<16xi32>,
          %swap3A_338 = vector.shape_cast %swap3A_337 : vector<16xi32> to vector<16xi32>
          %swap3A_339 = vector.shape_cast %select_n3A_335 : vector<16xi32> to vector<16xi32>
          tpu.vector_store %arg14[%swap3A_336], %swap3A_339 {strides = array<i32>} : memref<128xi32, #tpu.memory_space<vmem>>, vector<16xi32>,
          %add3A_340 = arith.constant 64 : i32
          %add3A_341 = arith.addi %multiple_of3A, %add3A_340 : i32
          %add3A_342 = vector.broadcast %add3A_341 : i32 to vector<16xi32>
          %add3A_343 = arith.addi %add3A_342, %iota3A : vector<16xi32>
          %get3A_344 = arith.constant 64 : index
          %get3A_345 = tpu.vector_load %arg13[%get3A_344] {strides = array<i32>} : memref<128xi32, #tpu.memory_space<vmem>>, vector<16xi32>,
          %get3A_346 = vector.shape_cast %get3A_345 : vector<16xi32> to vector<16xi32>
          %ge3A_347 = vector.broadcast %add3A_88 : i32 to vector<16xi32>
          %ge3A_348 = arith.cmpi sge, %add3A_343, %ge3A_347 : vector<16xi32>
          %lt3A_349 = vector.broadcast %add3A_116 : i32 to vector<16xi32>
          %lt3A_350 = arith.cmpi slt, %add3A_343, %lt3A_349 : vector<16xi32>
          %and3A_351 = arith.andi %ge3A_348, %lt3A_350 : vector<16xi1>
          %sub3A_352 = vector.broadcast %mul3A_10 : i32 to vector<16xi32>
          %sub3A_353 = arith.subi %get3A_346, %sub3A_352 : vector<16xi32>
          %and3A_354 = arith.constant 7 : i32
          %and3A_355 = vector.broadcast %and3A_354 : i32 to vector<16xi32>
          %and3A_356 = arith.andi %iota3A, %and3A_355 : vector<16xi32>
          %add3A_357 = arith.constant 8192 : i32
          %add3A_358 = vector.broadcast %add3A_357 : i32 to vector<16xi32>
          %add3A_359 = arith.addi %add3A_358, %and3A_356 : vector<16xi32>
          %select_n3A_360 = arith.select %and3A_351, %sub3A_353, %add3A_359 : vector<16xi1>, vector<16xi32>
          %swap3A_361 = arith.constant 64 : index
          %swap3A_362 = tpu.vector_load %arg14[%swap3A_361] {strides = array<i32>} : memref<128xi32, #tpu.memory_space<vmem>>, vector<16xi32>,
          %swap3A_363 = vector.shape_cast %swap3A_362 : vector<16xi32> to vector<16xi32>
          %swap3A_364 = vector.shape_cast %select_n3A_360 : vector<16xi32> to vector<16xi32>
          tpu.vector_store %arg14[%swap3A_361], %swap3A_364 {strides = array<i32>} : memref<128xi32, #tpu.memory_space<vmem>>, vector<16xi32>,
          %add3A_365 = arith.constant 80 : i32
          %add3A_366 = arith.addi %multiple_of3A, %add3A_365 : i32
          %add3A_367 = vector.broadcast %add3A_366 : i32 to vector<16xi32>
          %add3A_368 = arith.addi %add3A_367, %iota3A : vector<16xi32>
          %get3A_369 = arith.constant 80 : index
          %get3A_370 = tpu.vector_load %arg13[%get3A_369] {strides = array<i32>} : memref<128xi32, #tpu.memory_space<vmem>>, vector<16xi32>,
          %get3A_371 = vector.shape_cast %get3A_370 : vector<16xi32> to vector<16xi32>
          %ge3A_372 = vector.broadcast %add3A_88 : i32 to vector<16xi32>
          %ge3A_373 = arith.cmpi sge, %add3A_368, %ge3A_372 : vector<16xi32>
          %lt3A_374 = vector.broadcast %add3A_116 : i32 to vector<16xi32>
          %lt3A_375 = arith.cmpi slt, %add3A_368, %lt3A_374 : vector<16xi32>
          %and3A_376 = arith.andi %ge3A_373, %lt3A_375 : vector<16xi1>
          %sub3A_377 = vector.broadcast %mul3A_10 : i32 to vector<16xi32>
          %sub3A_378 = arith.subi %get3A_371, %sub3A_377 : vector<16xi32>
          %and3A_379 = arith.constant 7 : i32
          %and3A_380 = vector.broadcast %and3A_379 : i32 to vector<16xi32>
          %and3A_381 = arith.andi %iota3A, %and3A_380 : vector<16xi32>
          %add3A_382 = arith.constant 8192 : i32
          %add3A_383 = vector.broadcast %add3A_382 : i32 to vector<16xi32>
          %add3A_384 = arith.addi %add3A_383, %and3A_381 : vector<16xi32>
          %select_n3A_385 = arith.select %and3A_376, %sub3A_378, %add3A_384 : vector<16xi1>, vector<16xi32>
          %swap3A_386 = arith.constant 80 : index
          %swap3A_387 = tpu.vector_load %arg14[%swap3A_386] {strides = array<i32>} : memref<128xi32, #tpu.memory_space<vmem>>, vector<16xi32>,
          %swap3A_388 = vector.shape_cast %swap3A_387 : vector<16xi32> to vector<16xi32>
          %swap3A_389 = vector.shape_cast %select_n3A_385 : vector<16xi32> to vector<16xi32>
          tpu.vector_store %arg14[%swap3A_386], %swap3A_389 {strides = array<i32>} : memref<128xi32, #tpu.memory_space<vmem>>, vector<16xi32>,
          %add3A_390 = arith.constant 96 : i32
          %add3A_391 = arith.addi %multiple_of3A, %add3A_390 : i32
          %add3A_392 = vector.broadcast %add3A_391 : i32 to vector<16xi32>
          %add3A_393 = arith.addi %add3A_392, %iota3A : vector<16xi32>
          %get3A_394 = arith.constant 96 : index
          %get3A_395 = tpu.vector_load %arg13[%get3A_394] {strides = array<i32>} : memref<128xi32, #tpu.memory_space<vmem>>, vector<16xi32>,
          %get3A_396 = vector.shape_cast %get3A_395 : vector<16xi32> to vector<16xi32>
          %ge3A_397 = vector.broadcast %add3A_88 : i32 to vector<16xi32>
          %ge3A_398 = arith.cmpi sge, %add3A_393, %ge3A_397 : vector<16xi32>
          %lt3A_399 = vector.broadcast %add3A_116 : i32 to vector<16xi32>
          %lt3A_400 = arith.cmpi slt, %add3A_393, %lt3A_399 : vector<16xi32>
          %and3A_401 = arith.andi %ge3A_398, %lt3A_400 : vector<16xi1>
          %sub3A_402 = vector.broadcast %mul3A_10 : i32 to vector<16xi32>
          %sub3A_403 = arith.subi %get3A_396, %sub3A_402 : vector<16xi32>
          %and3A_404 = arith.constant 7 : i32
          %and3A_405 = vector.broadcast %and3A_404 : i32 to vector<16xi32>
          %and3A_406 = arith.andi %iota3A, %and3A_405 : vector<16xi32>
          %add3A_407 = arith.constant 8192 : i32
          %add3A_408 = vector.broadcast %add3A_407 : i32 to vector<16xi32>
          %add3A_409 = arith.addi %add3A_408, %and3A_406 : vector<16xi32>
          %select_n3A_410 = arith.select %and3A_401, %sub3A_403, %add3A_409 : vector<16xi1>, vector<16xi32>
          %swap3A_411 = arith.constant 96 : index
          %swap3A_412 = tpu.vector_load %arg14[%swap3A_411] {strides = array<i32>} : memref<128xi32, #tpu.memory_space<vmem>>, vector<16xi32>,
          %swap3A_413 = vector.shape_cast %swap3A_412 : vector<16xi32> to vector<16xi32>
          %swap3A_414 = vector.shape_cast %select_n3A_410 : vector<16xi32> to vector<16xi32>
          tpu.vector_store %arg14[%swap3A_411], %swap3A_414 {strides = array<i32>} : memref<128xi32, #tpu.memory_space<vmem>>, vector<16xi32>,
          %add3A_415 = arith.constant 112 : i32
          %add3A_416 = arith.addi %multiple_of3A, %add3A_415 : i32
          %add3A_417 = vector.broadcast %add3A_416 : i32 to vector<16xi32>
          %add3A_418 = arith.addi %add3A_417, %iota3A : vector<16xi32>
          %get3A_419 = arith.constant 112 : index
          %get3A_420 = tpu.vector_load %arg13[%get3A_419] {strides = array<i32>} : memref<128xi32, #tpu.memory_space<vmem>>, vector<16xi32>,
          %get3A_421 = vector.shape_cast %get3A_420 : vector<16xi32> to vector<16xi32>
          %ge3A_422 = vector.broadcast %add3A_88 : i32 to vector<16xi32>
          %ge3A_423 = arith.cmpi sge, %add3A_418, %ge3A_422 : vector<16xi32>
          %lt3A_424 = vector.broadcast %add3A_116 : i32 to vector<16xi32>
          %lt3A_425 = arith.cmpi slt, %add3A_418, %lt3A_424 : vector<16xi32>
          %and3A_426 = arith.andi %ge3A_423, %lt3A_425 : vector<16xi1>
          %sub3A_427 = vector.broadcast %mul3A_10 : i32 to vector<16xi32>
          %sub3A_428 = arith.subi %get3A_421, %sub3A_427 : vector<16xi32>
          %and3A_429 = arith.constant 7 : i32
          %and3A_430 = vector.broadcast %and3A_429 : i32 to vector<16xi32>
          %and3A_431 = arith.andi %iota3A, %and3A_430 : vector<16xi32>
          %add3A_432 = arith.constant 8192 : i32
          %add3A_433 = vector.broadcast %add3A_432 : i32 to vector<16xi32>
          %add3A_434 = arith.addi %add3A_433, %and3A_431 : vector<16xi32>
          %select_n3A_435 = arith.select %and3A_426, %sub3A_428, %add3A_434 : vector<16xi1>, vector<16xi32>
          %swap3A_436 = arith.constant 112 : index
          %swap3A_437 = tpu.vector_load %arg14[%swap3A_436] {strides = array<i32>} : memref<128xi32, #tpu.memory_space<vmem>>, vector<16xi32>,
          %swap3A_438 = vector.shape_cast %swap3A_437 : vector<16xi32> to vector<16xi32>
          %swap3A_439 = vector.shape_cast %select_n3A_435 : vector<16xi32> to vector<16xi32>
          tpu.vector_store %arg14[%swap3A_436], %swap3A_439 {strides = array<i32>} : memref<128xi32, #tpu.memory_space<vmem>>, vector<16xi32>,
          %dma_start3A = arith.constant 0 : i32
          %dma_start3A_440 = arith.constant 0 : i32
          %dma_start3A_441 = tpu.memref_slice %arg2[%dma_start3A, %dma_start3A_440] : memref<640000x128xf32, #tpu.memory_space<hbm>> -> memref<640000x128xf32, #tpu.memory_space<hbm>>
          tpu.enqueue_indirect_dma source(%dma_start3A_441 : memref<640000x128xf32, #tpu.memory_space<hbm>>) target(%arg15 : memref<128x128xf32, #tpu.memory_space<vmem>>) offsets(%arg12 : memref<128xi32, #tpu.memory_space<vmem>>) semaphore(%arg17 : memref<!tpu.dma_semaphore, #tpu.memory_space<semaphore_mem>>)
        } else {
        }
        %dma_wait3A = arith.constant 0 : i32
        %dma_wait3A_226 = arith.constant 0 : i32
        %dma_wait3A_227 = tpu.memref_slice %arg2[%dma_wait3A, %dma_wait3A_226] : memref<640000x128xf32, #tpu.memory_space<hbm>> -> memref<640000x128xf32, #tpu.memory_space<hbm>>
        tpu.wait_indirect_dma semaphore(%arg16 : memref<!tpu.dma_semaphore, #tpu.memory_space<semaphore_mem>>) src(%dma_wait3A_227 : memref<640000x128xf32, #tpu.memory_space<hbm>>) dst(%arg11 : memref<128x128xf32, #tpu.memory_space<vmem>>)
        "tpu.region"() ({
          %run_scoped3A = tpu.sem_alloc : memref<!tpu.dma_semaphore, #tpu.memory_space<semaphore_mem>>
          %dma_start3A = arith.constant 0 : i32
          %dma_start3A_239 = arith.constant 0 : i32
          %dma_start3A_240 = tpu.memref_slice %arg18[%dma_start3A, %dma_start3A_239] : memref<8200x128xf32, #tpu.memory_space<vmem_shared>> -> memref<8200x128xf32, #tpu.memory_space<vmem_shared>>
          tpu.enqueue_indirect_dma source(%arg11 : memref<128x128xf32, #tpu.memory_space<vmem>>) target(%dma_start3A_240 : memref<8200x128xf32, #tpu.memory_space<vmem_shared>>) offsets(%arg10 : memref<128xi32, #tpu.memory_space<vmem>>) semaphore(%run_scoped3A : memref<!tpu.dma_semaphore, #tpu.memory_space<semaphore_mem>>) {add = true}
          %dma_wait3A_241 = arith.constant 0 : i32
          %dma_wait3A_242 = arith.constant 0 : i32
          %dma_wait3A_243 = tpu.memref_slice %arg18[%dma_wait3A_241, %dma_wait3A_242] : memref<8200x128xf32, #tpu.memory_space<vmem_shared>> -> memref<8200x128xf32, #tpu.memory_space<vmem_shared>>
          tpu.wait_indirect_dma semaphore(%run_scoped3A : memref<!tpu.dma_semaphore, #tpu.memory_space<semaphore_mem>>) src(%arg11 : memref<128x128xf32, #tpu.memory_space<vmem>>) dst(%dma_wait3A_243 : memref<8200x128xf32, #tpu.memory_space<vmem_shared>>)
          tpu.yield
        }) : () -> ()
        %add3A_228 = arith.constant 2 : i32
        %add3A_229 = arith.addi %mul3A_219, %add3A_228 : i32
        %lt3A_230 = arith.cmpi slt, %add3A_229, %select_n3A_148 : i32
        %convert_element_type3A_231 = arith.extui %lt3A_230 : i1 to i32
        %cond3A_232 = arith.constant 0 : i32
        %cond3A_233 = arith.cmpi ne, %convert_element_type3A_231, %cond3A_232 : i32
        scf.if %cond3A_233 {
          %add3A_239 = arith.constant 2 : i32
          %add3A_240 = arith.addi %mul3A_219, %add3A_239 : i32
          %mul3A_241 = arith.constant 128 : i32
          %mul3A_242 = arith.muli %add3A_240, %mul3A_241 : i32
          %add3A_243 = arith.addi %sub3A_119, %mul3A_242 : i32
          %multiple_of3A = tpu.assume_multiple %add3A_243, 8 : i32
          "tpu.region"() ({
            %run_scoped3A = tpu.sem_alloc : memref<!tpu.dma_semaphore, #tpu.memory_space<semaphore_mem>>
            %dma_start3A_444 = tpu.memref_slice %arg3[%multiple_of3A] : memref<640256xi32, #tpu.memory_space<hbm>> -> memref<128xi32, #tpu.memory_space<hbm>>
            %dma_start3A_445 = tpu.memref_slice %arg3[%multiple_of3A] : memref<640256xi32, #tpu.memory_space<hbm>> -> memref<128xi32, #tpu.memory_space<hbm>>
            tpu.enqueue_dma source(%dma_start3A_445 : memref<128xi32, #tpu.memory_space<hbm>>) target(%arg8 : memref<128xi32, #tpu.memory_space<vmem>>) target_semaphore(%run_scoped3A : memref<!tpu.dma_semaphore, #tpu.memory_space<semaphore_mem>>)
            %dma_wait3A_446 = tpu.memref_slice %arg3[%multiple_of3A] : memref<640256xi32, #tpu.memory_space<hbm>> -> memref<128xi32, #tpu.memory_space<hbm>>
            %dma_wait3A_447 = tpu.memref_slice %arg3[%multiple_of3A] : memref<640256xi32, #tpu.memory_space<hbm>> -> memref<128xi32, #tpu.memory_space<hbm>>
            tpu.wait_dma2 semaphore(%run_scoped3A : memref<!tpu.dma_semaphore, #tpu.memory_space<semaphore_mem>>) src(%dma_wait3A_447 : memref<128xi32, #tpu.memory_space<hbm>>) dst(%arg8 : memref<128xi32, #tpu.memory_space<vmem>>)
            tpu.yield
          }) : () -> ()
          "tpu.region"() ({
            %run_scoped3A = tpu.sem_alloc : memref<!tpu.dma_semaphore, #tpu.memory_space<semaphore_mem>>
            %dma_start3A_444 = tpu.memref_slice %arg4[%multiple_of3A] : memref<640256xi32, #tpu.memory_space<hbm>> -> memref<128xi32, #tpu.memory_space<hbm>>
            %dma_start3A_445 = tpu.memref_slice %arg4[%multiple_of3A] : memref<640256xi32, #tpu.memory_space<hbm>> -> memref<128xi32, #tpu.memory_space<hbm>>
            tpu.enqueue_dma source(%dma_start3A_445 : memref<128xi32, #tpu.memory_space<hbm>>) target(%arg9 : memref<128xi32, #tpu.memory_space<vmem>>) target_semaphore(%run_scoped3A : memref<!tpu.dma_semaphore, #tpu.memory_space<semaphore_mem>>)
            %dma_wait3A_446 = tpu.memref_slice %arg4[%multiple_of3A] : memref<640256xi32, #tpu.memory_space<hbm>> -> memref<128xi32, #tpu.memory_space<hbm>>
            %dma_wait3A_447 = tpu.memref_slice %arg4[%multiple_of3A] : memref<640256xi32, #tpu.memory_space<hbm>> -> memref<128xi32, #tpu.memory_space<hbm>>
            tpu.wait_dma2 semaphore(%run_scoped3A : memref<!tpu.dma_semaphore, #tpu.memory_space<semaphore_mem>>) src(%dma_wait3A_447 : memref<128xi32, #tpu.memory_space<hbm>>) dst(%arg9 : memref<128xi32, #tpu.memory_space<vmem>>)
            tpu.yield
          }) : () -> ()
          %add3A_244 = arith.constant 0 : i32
          %add3A_245 = arith.addi %multiple_of3A, %add3A_244 : i32
          %add3A_246 = vector.broadcast %add3A_245 : i32 to vector<16xi32>
          %add3A_247 = arith.addi %add3A_246, %iota3A : vector<16xi32>
          %get3A_248 = arith.constant 0 : index
          %get3A_249 = tpu.vector_load %arg9[%get3A_248] {strides = array<i32>} : memref<128xi32, #tpu.memory_space<vmem>>, vector<16xi32>,
          %get3A_250 = vector.shape_cast %get3A_249 : vector<16xi32> to vector<16xi32>
          %ge3A = vector.broadcast %add3A_88 : i32 to vector<16xi32>
          %ge3A_251 = arith.cmpi sge, %add3A_247, %ge3A : vector<16xi32>
          %lt3A_252 = vector.broadcast %add3A_116 : i32 to vector<16xi32>
          %lt3A_253 = arith.cmpi slt, %add3A_247, %lt3A_252 : vector<16xi32>
          %and3A_254 = arith.andi %ge3A_251, %lt3A_253 : vector<16xi1>
          %sub3A_255 = vector.broadcast %mul3A_10 : i32 to vector<16xi32>
          %sub3A_256 = arith.subi %get3A_250, %sub3A_255 : vector<16xi32>
          %and3A_257 = arith.constant 7 : i32
          %and3A_258 = vector.broadcast %and3A_257 : i32 to vector<16xi32>
          %and3A_259 = arith.andi %iota3A, %and3A_258 : vector<16xi32>
          %add3A_260 = arith.constant 8192 : i32
          %add3A_261 = vector.broadcast %add3A_260 : i32 to vector<16xi32>
          %add3A_262 = arith.addi %add3A_261, %and3A_259 : vector<16xi32>
          %select_n3A_263 = arith.select %and3A_254, %sub3A_256, %add3A_262 : vector<16xi1>, vector<16xi32>
          %swap3A = arith.constant 0 : index
          %swap3A_264 = tpu.vector_load %arg10[%swap3A] {strides = array<i32>} : memref<128xi32, #tpu.memory_space<vmem>>, vector<16xi32>,
          %swap3A_265 = vector.shape_cast %swap3A_264 : vector<16xi32> to vector<16xi32>
          %swap3A_266 = vector.shape_cast %select_n3A_263 : vector<16xi32> to vector<16xi32>
          tpu.vector_store %arg10[%swap3A], %swap3A_266 {strides = array<i32>} : memref<128xi32, #tpu.memory_space<vmem>>, vector<16xi32>,
          %add3A_267 = arith.constant 16 : i32
          %add3A_268 = arith.addi %multiple_of3A, %add3A_267 : i32
          %add3A_269 = vector.broadcast %add3A_268 : i32 to vector<16xi32>
          %add3A_270 = arith.addi %add3A_269, %iota3A : vector<16xi32>
          %get3A_271 = arith.constant 16 : index
          %get3A_272 = tpu.vector_load %arg9[%get3A_271] {strides = array<i32>} : memref<128xi32, #tpu.memory_space<vmem>>, vector<16xi32>,
          %get3A_273 = vector.shape_cast %get3A_272 : vector<16xi32> to vector<16xi32>
          %ge3A_274 = vector.broadcast %add3A_88 : i32 to vector<16xi32>
          %ge3A_275 = arith.cmpi sge, %add3A_270, %ge3A_274 : vector<16xi32>
          %lt3A_276 = vector.broadcast %add3A_116 : i32 to vector<16xi32>
          %lt3A_277 = arith.cmpi slt, %add3A_270, %lt3A_276 : vector<16xi32>
          %and3A_278 = arith.andi %ge3A_275, %lt3A_277 : vector<16xi1>
          %sub3A_279 = vector.broadcast %mul3A_10 : i32 to vector<16xi32>
          %sub3A_280 = arith.subi %get3A_273, %sub3A_279 : vector<16xi32>
          %and3A_281 = arith.constant 7 : i32
          %and3A_282 = vector.broadcast %and3A_281 : i32 to vector<16xi32>
          %and3A_283 = arith.andi %iota3A, %and3A_282 : vector<16xi32>
          %add3A_284 = arith.constant 8192 : i32
          %add3A_285 = vector.broadcast %add3A_284 : i32 to vector<16xi32>
          %add3A_286 = arith.addi %add3A_285, %and3A_283 : vector<16xi32>
          %select_n3A_287 = arith.select %and3A_278, %sub3A_280, %add3A_286 : vector<16xi1>, vector<16xi32>
          %swap3A_288 = arith.constant 16 : index
          %swap3A_289 = tpu.vector_load %arg10[%swap3A_288] {strides = array<i32>} : memref<128xi32, #tpu.memory_space<vmem>>, vector<16xi32>,
          %swap3A_290 = vector.shape_cast %swap3A_289 : vector<16xi32> to vector<16xi32>
          %swap3A_291 = vector.shape_cast %select_n3A_287 : vector<16xi32> to vector<16xi32>
          tpu.vector_store %arg10[%swap3A_288], %swap3A_291 {strides = array<i32>} : memref<128xi32, #tpu.memory_space<vmem>>, vector<16xi32>,
          %add3A_292 = arith.constant 32 : i32
          %add3A_293 = arith.addi %multiple_of3A, %add3A_292 : i32
          %add3A_294 = vector.broadcast %add3A_293 : i32 to vector<16xi32>
          %add3A_295 = arith.addi %add3A_294, %iota3A : vector<16xi32>
          %get3A_296 = arith.constant 32 : index
          %get3A_297 = tpu.vector_load %arg9[%get3A_296] {strides = array<i32>} : memref<128xi32, #tpu.memory_space<vmem>>, vector<16xi32>,
          %get3A_298 = vector.shape_cast %get3A_297 : vector<16xi32> to vector<16xi32>
          %ge3A_299 = vector.broadcast %add3A_88 : i32 to vector<16xi32>
          %ge3A_300 = arith.cmpi sge, %add3A_295, %ge3A_299 : vector<16xi32>
          %lt3A_301 = vector.broadcast %add3A_116 : i32 to vector<16xi32>
          %lt3A_302 = arith.cmpi slt, %add3A_295, %lt3A_301 : vector<16xi32>
          %and3A_303 = arith.andi %ge3A_300, %lt3A_302 : vector<16xi1>
          %sub3A_304 = vector.broadcast %mul3A_10 : i32 to vector<16xi32>
          %sub3A_305 = arith.subi %get3A_298, %sub3A_304 : vector<16xi32>
          %and3A_306 = arith.constant 7 : i32
          %and3A_307 = vector.broadcast %and3A_306 : i32 to vector<16xi32>
          %and3A_308 = arith.andi %iota3A, %and3A_307 : vector<16xi32>
          %add3A_309 = arith.constant 8192 : i32
          %add3A_310 = vector.broadcast %add3A_309 : i32 to vector<16xi32>
          %add3A_311 = arith.addi %add3A_310, %and3A_308 : vector<16xi32>
          %select_n3A_312 = arith.select %and3A_303, %sub3A_305, %add3A_311 : vector<16xi1>, vector<16xi32>
          %swap3A_313 = arith.constant 32 : index
          %swap3A_314 = tpu.vector_load %arg10[%swap3A_313] {strides = array<i32>} : memref<128xi32, #tpu.memory_space<vmem>>, vector<16xi32>,
          %swap3A_315 = vector.shape_cast %swap3A_314 : vector<16xi32> to vector<16xi32>
          %swap3A_316 = vector.shape_cast %select_n3A_312 : vector<16xi32> to vector<16xi32>
          tpu.vector_store %arg10[%swap3A_313], %swap3A_316 {strides = array<i32>} : memref<128xi32, #tpu.memory_space<vmem>>, vector<16xi32>,
          %add3A_317 = arith.constant 48 : i32
          %add3A_318 = arith.addi %multiple_of3A, %add3A_317 : i32
          %add3A_319 = vector.broadcast %add3A_318 : i32 to vector<16xi32>
          %add3A_320 = arith.addi %add3A_319, %iota3A : vector<16xi32>
          %get3A_321 = arith.constant 48 : index
          %get3A_322 = tpu.vector_load %arg9[%get3A_321] {strides = array<i32>} : memref<128xi32, #tpu.memory_space<vmem>>, vector<16xi32>,
          %get3A_323 = vector.shape_cast %get3A_322 : vector<16xi32> to vector<16xi32>
          %ge3A_324 = vector.broadcast %add3A_88 : i32 to vector<16xi32>
          %ge3A_325 = arith.cmpi sge, %add3A_320, %ge3A_324 : vector<16xi32>
          %lt3A_326 = vector.broadcast %add3A_116 : i32 to vector<16xi32>
          %lt3A_327 = arith.cmpi slt, %add3A_320, %lt3A_326 : vector<16xi32>
          %and3A_328 = arith.andi %ge3A_325, %lt3A_327 : vector<16xi1>
          %sub3A_329 = vector.broadcast %mul3A_10 : i32 to vector<16xi32>
          %sub3A_330 = arith.subi %get3A_323, %sub3A_329 : vector<16xi32>
          %and3A_331 = arith.constant 7 : i32
          %and3A_332 = vector.broadcast %and3A_331 : i32 to vector<16xi32>
          %and3A_333 = arith.andi %iota3A, %and3A_332 : vector<16xi32>
          %add3A_334 = arith.constant 8192 : i32
          %add3A_335 = vector.broadcast %add3A_334 : i32 to vector<16xi32>
          %add3A_336 = arith.addi %add3A_335, %and3A_333 : vector<16xi32>
          %select_n3A_337 = arith.select %and3A_328, %sub3A_330, %add3A_336 : vector<16xi1>, vector<16xi32>
          %swap3A_338 = arith.constant 48 : index
          %swap3A_339 = tpu.vector_load %arg10[%swap3A_338] {strides = array<i32>} : memref<128xi32, #tpu.memory_space<vmem>>, vector<16xi32>,
          %swap3A_340 = vector.shape_cast %swap3A_339 : vector<16xi32> to vector<16xi32>
          %swap3A_341 = vector.shape_cast %select_n3A_337 : vector<16xi32> to vector<16xi32>
          tpu.vector_store %arg10[%swap3A_338], %swap3A_341 {strides = array<i32>} : memref<128xi32, #tpu.memory_space<vmem>>, vector<16xi32>,
          %add3A_342 = arith.constant 64 : i32
          %add3A_343 = arith.addi %multiple_of3A, %add3A_342 : i32
          %add3A_344 = vector.broadcast %add3A_343 : i32 to vector<16xi32>
          %add3A_345 = arith.addi %add3A_344, %iota3A : vector<16xi32>
          %get3A_346 = arith.constant 64 : index
          %get3A_347 = tpu.vector_load %arg9[%get3A_346] {strides = array<i32>} : memref<128xi32, #tpu.memory_space<vmem>>, vector<16xi32>,
          %get3A_348 = vector.shape_cast %get3A_347 : vector<16xi32> to vector<16xi32>
          %ge3A_349 = vector.broadcast %add3A_88 : i32 to vector<16xi32>
          %ge3A_350 = arith.cmpi sge, %add3A_345, %ge3A_349 : vector<16xi32>
          %lt3A_351 = vector.broadcast %add3A_116 : i32 to vector<16xi32>
          %lt3A_352 = arith.cmpi slt, %add3A_345, %lt3A_351 : vector<16xi32>
          %and3A_353 = arith.andi %ge3A_350, %lt3A_352 : vector<16xi1>
          %sub3A_354 = vector.broadcast %mul3A_10 : i32 to vector<16xi32>
          %sub3A_355 = arith.subi %get3A_348, %sub3A_354 : vector<16xi32>
          %and3A_356 = arith.constant 7 : i32
          %and3A_357 = vector.broadcast %and3A_356 : i32 to vector<16xi32>
          %and3A_358 = arith.andi %iota3A, %and3A_357 : vector<16xi32>
          %add3A_359 = arith.constant 8192 : i32
          %add3A_360 = vector.broadcast %add3A_359 : i32 to vector<16xi32>
          %add3A_361 = arith.addi %add3A_360, %and3A_358 : vector<16xi32>
          %select_n3A_362 = arith.select %and3A_353, %sub3A_355, %add3A_361 : vector<16xi1>, vector<16xi32>
          %swap3A_363 = arith.constant 64 : index
          %swap3A_364 = tpu.vector_load %arg10[%swap3A_363] {strides = array<i32>} : memref<128xi32, #tpu.memory_space<vmem>>, vector<16xi32>,
          %swap3A_365 = vector.shape_cast %swap3A_364 : vector<16xi32> to vector<16xi32>
          %swap3A_366 = vector.shape_cast %select_n3A_362 : vector<16xi32> to vector<16xi32>
          tpu.vector_store %arg10[%swap3A_363], %swap3A_366 {strides = array<i32>} : memref<128xi32, #tpu.memory_space<vmem>>, vector<16xi32>,
          %add3A_367 = arith.constant 80 : i32
          %add3A_368 = arith.addi %multiple_of3A, %add3A_367 : i32
          %add3A_369 = vector.broadcast %add3A_368 : i32 to vector<16xi32>
          %add3A_370 = arith.addi %add3A_369, %iota3A : vector<16xi32>
          %get3A_371 = arith.constant 80 : index
          %get3A_372 = tpu.vector_load %arg9[%get3A_371] {strides = array<i32>} : memref<128xi32, #tpu.memory_space<vmem>>, vector<16xi32>,
          %get3A_373 = vector.shape_cast %get3A_372 : vector<16xi32> to vector<16xi32>
          %ge3A_374 = vector.broadcast %add3A_88 : i32 to vector<16xi32>
          %ge3A_375 = arith.cmpi sge, %add3A_370, %ge3A_374 : vector<16xi32>
          %lt3A_376 = vector.broadcast %add3A_116 : i32 to vector<16xi32>
          %lt3A_377 = arith.cmpi slt, %add3A_370, %lt3A_376 : vector<16xi32>
          %and3A_378 = arith.andi %ge3A_375, %lt3A_377 : vector<16xi1>
          %sub3A_379 = vector.broadcast %mul3A_10 : i32 to vector<16xi32>
          %sub3A_380 = arith.subi %get3A_373, %sub3A_379 : vector<16xi32>
          %and3A_381 = arith.constant 7 : i32
          %and3A_382 = vector.broadcast %and3A_381 : i32 to vector<16xi32>
          %and3A_383 = arith.andi %iota3A, %and3A_382 : vector<16xi32>
          %add3A_384 = arith.constant 8192 : i32
          %add3A_385 = vector.broadcast %add3A_384 : i32 to vector<16xi32>
          %add3A_386 = arith.addi %add3A_385, %and3A_383 : vector<16xi32>
          %select_n3A_387 = arith.select %and3A_378, %sub3A_380, %add3A_386 : vector<16xi1>, vector<16xi32>
          %swap3A_388 = arith.constant 80 : index
          %swap3A_389 = tpu.vector_load %arg10[%swap3A_388] {strides = array<i32>} : memref<128xi32, #tpu.memory_space<vmem>>, vector<16xi32>,
          %swap3A_390 = vector.shape_cast %swap3A_389 : vector<16xi32> to vector<16xi32>
          %swap3A_391 = vector.shape_cast %select_n3A_387 : vector<16xi32> to vector<16xi32>
          tpu.vector_store %arg10[%swap3A_388], %swap3A_391 {strides = array<i32>} : memref<128xi32, #tpu.memory_space<vmem>>, vector<16xi32>,
          %add3A_392 = arith.constant 96 : i32
          %add3A_393 = arith.addi %multiple_of3A, %add3A_392 : i32
          %add3A_394 = vector.broadcast %add3A_393 : i32 to vector<16xi32>
          %add3A_395 = arith.addi %add3A_394, %iota3A : vector<16xi32>
          %get3A_396 = arith.constant 96 : index
          %get3A_397 = tpu.vector_load %arg9[%get3A_396] {strides = array<i32>} : memref<128xi32, #tpu.memory_space<vmem>>, vector<16xi32>,
          %get3A_398 = vector.shape_cast %get3A_397 : vector<16xi32> to vector<16xi32>
          %ge3A_399 = vector.broadcast %add3A_88 : i32 to vector<16xi32>
          %ge3A_400 = arith.cmpi sge, %add3A_395, %ge3A_399 : vector<16xi32>
          %lt3A_401 = vector.broadcast %add3A_116 : i32 to vector<16xi32>
          %lt3A_402 = arith.cmpi slt, %add3A_395, %lt3A_401 : vector<16xi32>
          %and3A_403 = arith.andi %ge3A_400, %lt3A_402 : vector<16xi1>
          %sub3A_404 = vector.broadcast %mul3A_10 : i32 to vector<16xi32>
          %sub3A_405 = arith.subi %get3A_398, %sub3A_404 : vector<16xi32>
          %and3A_406 = arith.constant 7 : i32
          %and3A_407 = vector.broadcast %and3A_406 : i32 to vector<16xi32>
          %and3A_408 = arith.andi %iota3A, %and3A_407 : vector<16xi32>
          %add3A_409 = arith.constant 8192 : i32
          %add3A_410 = vector.broadcast %add3A_409 : i32 to vector<16xi32>
          %add3A_411 = arith.addi %add3A_410, %and3A_408 : vector<16xi32>
          %select_n3A_412 = arith.select %and3A_403, %sub3A_405, %add3A_411 : vector<16xi1>, vector<16xi32>
          %swap3A_413 = arith.constant 96 : index
          %swap3A_414 = tpu.vector_load %arg10[%swap3A_413] {strides = array<i32>} : memref<128xi32, #tpu.memory_space<vmem>>, vector<16xi32>,
          %swap3A_415 = vector.shape_cast %swap3A_414 : vector<16xi32> to vector<16xi32>
          %swap3A_416 = vector.shape_cast %select_n3A_412 : vector<16xi32> to vector<16xi32>
          tpu.vector_store %arg10[%swap3A_413], %swap3A_416 {strides = array<i32>} : memref<128xi32, #tpu.memory_space<vmem>>, vector<16xi32>,
          %add3A_417 = arith.constant 112 : i32
          %add3A_418 = arith.addi %multiple_of3A, %add3A_417 : i32
          %add3A_419 = vector.broadcast %add3A_418 : i32 to vector<16xi32>
          %add3A_420 = arith.addi %add3A_419, %iota3A : vector<16xi32>
          %get3A_421 = arith.constant 112 : index
          %get3A_422 = tpu.vector_load %arg9[%get3A_421] {strides = array<i32>} : memref<128xi32, #tpu.memory_space<vmem>>, vector<16xi32>,
          %get3A_423 = vector.shape_cast %get3A_422 : vector<16xi32> to vector<16xi32>
          %ge3A_424 = vector.broadcast %add3A_88 : i32 to vector<16xi32>
          %ge3A_425 = arith.cmpi sge, %add3A_420, %ge3A_424 : vector<16xi32>
          %lt3A_426 = vector.broadcast %add3A_116 : i32 to vector<16xi32>
          %lt3A_427 = arith.cmpi slt, %add3A_420, %lt3A_426 : vector<16xi32>
          %and3A_428 = arith.andi %ge3A_425, %lt3A_427 : vector<16xi1>
          %sub3A_429 = vector.broadcast %mul3A_10 : i32 to vector<16xi32>
          %sub3A_430 = arith.subi %get3A_423, %sub3A_429 : vector<16xi32>
          %and3A_431 = arith.constant 7 : i32
          %and3A_432 = vector.broadcast %and3A_431 : i32 to vector<16xi32>
          %and3A_433 = arith.andi %iota3A, %and3A_432 : vector<16xi32>
          %add3A_434 = arith.constant 8192 : i32
          %add3A_435 = vector.broadcast %add3A_434 : i32 to vector<16xi32>
          %add3A_436 = arith.addi %add3A_435, %and3A_433 : vector<16xi32>
          %select_n3A_437 = arith.select %and3A_428, %sub3A_430, %add3A_436 : vector<16xi1>, vector<16xi32>
          %swap3A_438 = arith.constant 112 : index
          %swap3A_439 = tpu.vector_load %arg10[%swap3A_438] {strides = array<i32>} : memref<128xi32, #tpu.memory_space<vmem>>, vector<16xi32>,
          %swap3A_440 = vector.shape_cast %swap3A_439 : vector<16xi32> to vector<16xi32>
          %swap3A_441 = vector.shape_cast %select_n3A_437 : vector<16xi32> to vector<16xi32>
          tpu.vector_store %arg10[%swap3A_438], %swap3A_441 {strides = array<i32>} : memref<128xi32, #tpu.memory_space<vmem>>, vector<16xi32>,
          %dma_start3A = arith.constant 0 : i32
          %dma_start3A_442 = arith.constant 0 : i32
          %dma_start3A_443 = tpu.memref_slice %arg2[%dma_start3A, %dma_start3A_442] : memref<640000x128xf32, #tpu.memory_space<hbm>> -> memref<640000x128xf32, #tpu.memory_space<hbm>>
          tpu.enqueue_indirect_dma source(%dma_start3A_443 : memref<640000x128xf32, #tpu.memory_space<hbm>>) target(%arg11 : memref<128x128xf32, #tpu.memory_space<vmem>>) offsets(%arg8 : memref<128xi32, #tpu.memory_space<vmem>>) semaphore(%arg16 : memref<!tpu.dma_semaphore, #tpu.memory_space<semaphore_mem>>)
        } else {
        }
        %lt3A_234 = arith.cmpi slt, %add3A_221, %select_n3A_148 : i32
        %convert_element_type3A_235 = arith.extui %lt3A_234 : i1 to i32
        %cond3A_236 = arith.constant 0 : i32
        %cond3A_237 = arith.cmpi ne, %convert_element_type3A_235, %cond3A_236 : i32
        scf.if %cond3A_237 {
          %dma_wait3A_239 = arith.constant 0 : i32
          %dma_wait3A_240 = arith.constant 0 : i32
          %dma_wait3A_241 = tpu.memref_slice %arg2[%dma_wait3A_239, %dma_wait3A_240] : memref<640000x128xf32, #tpu.memory_space<hbm>> -> memref<640000x128xf32, #tpu.memory_space<hbm>>
          tpu.wait_indirect_dma semaphore(%arg17 : memref<!tpu.dma_semaphore, #tpu.memory_space<semaphore_mem>>) src(%dma_wait3A_241 : memref<640000x128xf32, #tpu.memory_space<hbm>>) dst(%arg15 : memref<128x128xf32, #tpu.memory_space<vmem>>)
          "tpu.region"() ({
            %run_scoped3A = tpu.sem_alloc : memref<!tpu.dma_semaphore, #tpu.memory_space<semaphore_mem>>
            %dma_start3A = arith.constant 0 : i32
            %dma_start3A_242 = arith.constant 0 : i32
            %dma_start3A_243 = tpu.memref_slice %arg18[%dma_start3A, %dma_start3A_242] : memref<8200x128xf32, #tpu.memory_space<vmem_shared>> -> memref<8200x128xf32, #tpu.memory_space<vmem_shared>>
            tpu.enqueue_indirect_dma source(%arg15 : memref<128x128xf32, #tpu.memory_space<vmem>>) target(%dma_start3A_243 : memref<8200x128xf32, #tpu.memory_space<vmem_shared>>) offsets(%arg14 : memref<128xi32, #tpu.memory_space<vmem>>) semaphore(%run_scoped3A : memref<!tpu.dma_semaphore, #tpu.memory_space<semaphore_mem>>) {add = true}
            %dma_wait3A_244 = arith.constant 0 : i32
            %dma_wait3A_245 = arith.constant 0 : i32
            %dma_wait3A_246 = tpu.memref_slice %arg18[%dma_wait3A_244, %dma_wait3A_245] : memref<8200x128xf32, #tpu.memory_space<vmem_shared>> -> memref<8200x128xf32, #tpu.memory_space<vmem_shared>>
            tpu.wait_indirect_dma semaphore(%run_scoped3A : memref<!tpu.dma_semaphore, #tpu.memory_space<semaphore_mem>>) src(%arg15 : memref<128x128xf32, #tpu.memory_space<vmem>>) dst(%dma_wait3A_246 : memref<8200x128xf32, #tpu.memory_space<vmem_shared>>)
            tpu.yield
          }) : () -> ()
        } else {
        }
        %while3A_238 = arith.constant 0 : i32
        scf.yield %while3A_238 : i32
      }
      %while3A_188 = arith.constant 1 : i32
      %while3A_189 = scf.for %while3A_216 = %while3A_185 to %while3A_181 step %while3A_188 iter_args(%while3A_217 = %while3A_187) -> (i32)  : i32 {
        %mul3A_218 = arith.constant 2 : i32
        %mul3A_219 = arith.muli %mul3A_218, %while3A_216 : i32
        %add3A_220 = arith.constant 1 : i32
        %add3A_221 = arith.addi %mul3A_219, %add3A_220 : i32
        %lt3A_222 = arith.cmpi slt, %add3A_221, %select_n3A_148 : i32
        %convert_element_type3A_223 = arith.extui %lt3A_222 : i1 to i32
        %cond3A_224 = arith.constant 0 : i32
        %cond3A_225 = arith.cmpi ne, %convert_element_type3A_223, %cond3A_224 : i32
        scf.if %cond3A_225 {
          %mul3A_239 = arith.constant 128 : i32
          %mul3A_240 = arith.muli %add3A_221, %mul3A_239 : i32
          %add3A_241 = arith.addi %sub3A_119, %mul3A_240 : i32
          %multiple_of3A = tpu.assume_multiple %add3A_241, 8 : i32
          "tpu.region"() ({
            %run_scoped3A = tpu.sem_alloc : memref<!tpu.dma_semaphore, #tpu.memory_space<semaphore_mem>>
            %dma_start3A_442 = tpu.memref_slice %arg3[%multiple_of3A] : memref<640256xi32, #tpu.memory_space<hbm>> -> memref<128xi32, #tpu.memory_space<hbm>>
            %dma_start3A_443 = tpu.memref_slice %arg3[%multiple_of3A] : memref<640256xi32, #tpu.memory_space<hbm>> -> memref<128xi32, #tpu.memory_space<hbm>>
            tpu.enqueue_dma source(%dma_start3A_443 : memref<128xi32, #tpu.memory_space<hbm>>) target(%arg12 : memref<128xi32, #tpu.memory_space<vmem>>) target_semaphore(%run_scoped3A : memref<!tpu.dma_semaphore, #tpu.memory_space<semaphore_mem>>)
            %dma_wait3A_444 = tpu.memref_slice %arg3[%multiple_of3A] : memref<640256xi32, #tpu.memory_space<hbm>> -> memref<128xi32, #tpu.memory_space<hbm>>
            %dma_wait3A_445 = tpu.memref_slice %arg3[%multiple_of3A] : memref<640256xi32, #tpu.memory_space<hbm>> -> memref<128xi32, #tpu.memory_space<hbm>>
            tpu.wait_dma2 semaphore(%run_scoped3A : memref<!tpu.dma_semaphore, #tpu.memory_space<semaphore_mem>>) src(%dma_wait3A_445 : memref<128xi32, #tpu.memory_space<hbm>>) dst(%arg12 : memref<128xi32, #tpu.memory_space<vmem>>)
            tpu.yield
          }) : () -> ()
          "tpu.region"() ({
            %run_scoped3A = tpu.sem_alloc : memref<!tpu.dma_semaphore, #tpu.memory_space<semaphore_mem>>
            %dma_start3A_442 = tpu.memref_slice %arg4[%multiple_of3A] : memref<640256xi32, #tpu.memory_space<hbm>> -> memref<128xi32, #tpu.memory_space<hbm>>
            %dma_start3A_443 = tpu.memref_slice %arg4[%multiple_of3A] : memref<640256xi32, #tpu.memory_space<hbm>> -> memref<128xi32, #tpu.memory_space<hbm>>
            tpu.enqueue_dma source(%dma_start3A_443 : memref<128xi32, #tpu.memory_space<hbm>>) target(%arg13 : memref<128xi32, #tpu.memory_space<vmem>>) target_semaphore(%run_scoped3A : memref<!tpu.dma_semaphore, #tpu.memory_space<semaphore_mem>>)
            %dma_wait3A_444 = tpu.memref_slice %arg4[%multiple_of3A] : memref<640256xi32, #tpu.memory_space<hbm>> -> memref<128xi32, #tpu.memory_space<hbm>>
            %dma_wait3A_445 = tpu.memref_slice %arg4[%multiple_of3A] : memref<640256xi32, #tpu.memory_space<hbm>> -> memref<128xi32, #tpu.memory_space<hbm>>
            tpu.wait_dma2 semaphore(%run_scoped3A : memref<!tpu.dma_semaphore, #tpu.memory_space<semaphore_mem>>) src(%dma_wait3A_445 : memref<128xi32, #tpu.memory_space<hbm>>) dst(%arg13 : memref<128xi32, #tpu.memory_space<vmem>>)
            tpu.yield
          }) : () -> ()
          %add3A_242 = arith.constant 0 : i32
          %add3A_243 = arith.addi %multiple_of3A, %add3A_242 : i32
          %add3A_244 = vector.broadcast %add3A_243 : i32 to vector<16xi32>
          %add3A_245 = arith.addi %add3A_244, %iota3A : vector<16xi32>
          %get3A_246 = arith.constant 0 : index
          %get3A_247 = tpu.vector_load %arg13[%get3A_246] {strides = array<i32>} : memref<128xi32, #tpu.memory_space<vmem>>, vector<16xi32>,
          %get3A_248 = vector.shape_cast %get3A_247 : vector<16xi32> to vector<16xi32>
          %ge3A = vector.broadcast %add3A_88 : i32 to vector<16xi32>
          %ge3A_249 = arith.cmpi sge, %add3A_245, %ge3A : vector<16xi32>
          %lt3A_250 = vector.broadcast %add3A_116 : i32 to vector<16xi32>
          %lt3A_251 = arith.cmpi slt, %add3A_245, %lt3A_250 : vector<16xi32>
          %and3A_252 = arith.andi %ge3A_249, %lt3A_251 : vector<16xi1>
          %sub3A_253 = vector.broadcast %mul3A_10 : i32 to vector<16xi32>
          %sub3A_254 = arith.subi %get3A_248, %sub3A_253 : vector<16xi32>
          %and3A_255 = arith.constant 7 : i32
          %and3A_256 = vector.broadcast %and3A_255 : i32 to vector<16xi32>
          %and3A_257 = arith.andi %iota3A, %and3A_256 : vector<16xi32>
          %add3A_258 = arith.constant 8192 : i32
          %add3A_259 = vector.broadcast %add3A_258 : i32 to vector<16xi32>
          %add3A_260 = arith.addi %add3A_259, %and3A_257 : vector<16xi32>
          %select_n3A_261 = arith.select %and3A_252, %sub3A_254, %add3A_260 : vector<16xi1>, vector<16xi32>
          %swap3A = arith.constant 0 : index
          %swap3A_262 = tpu.vector_load %arg14[%swap3A] {strides = array<i32>} : memref<128xi32, #tpu.memory_space<vmem>>, vector<16xi32>,
          %swap3A_263 = vector.shape_cast %swap3A_262 : vector<16xi32> to vector<16xi32>
          %swap3A_264 = vector.shape_cast %select_n3A_261 : vector<16xi32> to vector<16xi32>
          tpu.vector_store %arg14[%swap3A], %swap3A_264 {strides = array<i32>} : memref<128xi32, #tpu.memory_space<vmem>>, vector<16xi32>,
          %add3A_265 = arith.constant 16 : i32
          %add3A_266 = arith.addi %multiple_of3A, %add3A_265 : i32
          %add3A_267 = vector.broadcast %add3A_266 : i32 to vector<16xi32>
          %add3A_268 = arith.addi %add3A_267, %iota3A : vector<16xi32>
          %get3A_269 = arith.constant 16 : index
          %get3A_270 = tpu.vector_load %arg13[%get3A_269] {strides = array<i32>} : memref<128xi32, #tpu.memory_space<vmem>>, vector<16xi32>,
          %get3A_271 = vector.shape_cast %get3A_270 : vector<16xi32> to vector<16xi32>
          %ge3A_272 = vector.broadcast %add3A_88 : i32 to vector<16xi32>
          %ge3A_273 = arith.cmpi sge, %add3A_268, %ge3A_272 : vector<16xi32>
          %lt3A_274 = vector.broadcast %add3A_116 : i32 to vector<16xi32>
          %lt3A_275 = arith.cmpi slt, %add3A_268, %lt3A_274 : vector<16xi32>
          %and3A_276 = arith.andi %ge3A_273, %lt3A_275 : vector<16xi1>
          %sub3A_277 = vector.broadcast %mul3A_10 : i32 to vector<16xi32>
          %sub3A_278 = arith.subi %get3A_271, %sub3A_277 : vector<16xi32>
          %and3A_279 = arith.constant 7 : i32
          %and3A_280 = vector.broadcast %and3A_279 : i32 to vector<16xi32>
          %and3A_281 = arith.andi %iota3A, %and3A_280 : vector<16xi32>
          %add3A_282 = arith.constant 8192 : i32
          %add3A_283 = vector.broadcast %add3A_282 : i32 to vector<16xi32>
          %add3A_284 = arith.addi %add3A_283, %and3A_281 : vector<16xi32>
          %select_n3A_285 = arith.select %and3A_276, %sub3A_278, %add3A_284 : vector<16xi1>, vector<16xi32>
          %swap3A_286 = arith.constant 16 : index
          %swap3A_287 = tpu.vector_load %arg14[%swap3A_286] {strides = array<i32>} : memref<128xi32, #tpu.memory_space<vmem>>, vector<16xi32>,
          %swap3A_288 = vector.shape_cast %swap3A_287 : vector<16xi32> to vector<16xi32>
          %swap3A_289 = vector.shape_cast %select_n3A_285 : vector<16xi32> to vector<16xi32>
          tpu.vector_store %arg14[%swap3A_286], %swap3A_289 {strides = array<i32>} : memref<128xi32, #tpu.memory_space<vmem>>, vector<16xi32>,
          %add3A_290 = arith.constant 32 : i32
          %add3A_291 = arith.addi %multiple_of3A, %add3A_290 : i32
          %add3A_292 = vector.broadcast %add3A_291 : i32 to vector<16xi32>
          %add3A_293 = arith.addi %add3A_292, %iota3A : vector<16xi32>
          %get3A_294 = arith.constant 32 : index
          %get3A_295 = tpu.vector_load %arg13[%get3A_294] {strides = array<i32>} : memref<128xi32, #tpu.memory_space<vmem>>, vector<16xi32>,
          %get3A_296 = vector.shape_cast %get3A_295 : vector<16xi32> to vector<16xi32>
          %ge3A_297 = vector.broadcast %add3A_88 : i32 to vector<16xi32>
          %ge3A_298 = arith.cmpi sge, %add3A_293, %ge3A_297 : vector<16xi32>
          %lt3A_299 = vector.broadcast %add3A_116 : i32 to vector<16xi32>
          %lt3A_300 = arith.cmpi slt, %add3A_293, %lt3A_299 : vector<16xi32>
          %and3A_301 = arith.andi %ge3A_298, %lt3A_300 : vector<16xi1>
          %sub3A_302 = vector.broadcast %mul3A_10 : i32 to vector<16xi32>
          %sub3A_303 = arith.subi %get3A_296, %sub3A_302 : vector<16xi32>
          %and3A_304 = arith.constant 7 : i32
          %and3A_305 = vector.broadcast %and3A_304 : i32 to vector<16xi32>
          %and3A_306 = arith.andi %iota3A, %and3A_305 : vector<16xi32>
          %add3A_307 = arith.constant 8192 : i32
          %add3A_308 = vector.broadcast %add3A_307 : i32 to vector<16xi32>
          %add3A_309 = arith.addi %add3A_308, %and3A_306 : vector<16xi32>
          %select_n3A_310 = arith.select %and3A_301, %sub3A_303, %add3A_309 : vector<16xi1>, vector<16xi32>
          %swap3A_311 = arith.constant 32 : index
          %swap3A_312 = tpu.vector_load %arg14[%swap3A_311] {strides = array<i32>} : memref<128xi32, #tpu.memory_space<vmem>>, vector<16xi32>,
          %swap3A_313 = vector.shape_cast %swap3A_312 : vector<16xi32> to vector<16xi32>
          %swap3A_314 = vector.shape_cast %select_n3A_310 : vector<16xi32> to vector<16xi32>
          tpu.vector_store %arg14[%swap3A_311], %swap3A_314 {strides = array<i32>} : memref<128xi32, #tpu.memory_space<vmem>>, vector<16xi32>,
          %add3A_315 = arith.constant 48 : i32
          %add3A_316 = arith.addi %multiple_of3A, %add3A_315 : i32
          %add3A_317 = vector.broadcast %add3A_316 : i32 to vector<16xi32>
          %add3A_318 = arith.addi %add3A_317, %iota3A : vector<16xi32>
          %get3A_319 = arith.constant 48 : index
          %get3A_320 = tpu.vector_load %arg13[%get3A_319] {strides = array<i32>} : memref<128xi32, #tpu.memory_space<vmem>>, vector<16xi32>,
          %get3A_321 = vector.shape_cast %get3A_320 : vector<16xi32> to vector<16xi32>
          %ge3A_322 = vector.broadcast %add3A_88 : i32 to vector<16xi32>
          %ge3A_323 = arith.cmpi sge, %add3A_318, %ge3A_322 : vector<16xi32>
          %lt3A_324 = vector.broadcast %add3A_116 : i32 to vector<16xi32>
          %lt3A_325 = arith.cmpi slt, %add3A_318, %lt3A_324 : vector<16xi32>
          %and3A_326 = arith.andi %ge3A_323, %lt3A_325 : vector<16xi1>
          %sub3A_327 = vector.broadcast %mul3A_10 : i32 to vector<16xi32>
          %sub3A_328 = arith.subi %get3A_321, %sub3A_327 : vector<16xi32>
          %and3A_329 = arith.constant 7 : i32
          %and3A_330 = vector.broadcast %and3A_329 : i32 to vector<16xi32>
          %and3A_331 = arith.andi %iota3A, %and3A_330 : vector<16xi32>
          %add3A_332 = arith.constant 8192 : i32
          %add3A_333 = vector.broadcast %add3A_332 : i32 to vector<16xi32>
          %add3A_334 = arith.addi %add3A_333, %and3A_331 : vector<16xi32>
          %select_n3A_335 = arith.select %and3A_326, %sub3A_328, %add3A_334 : vector<16xi1>, vector<16xi32>
          %swap3A_336 = arith.constant 48 : index
          %swap3A_337 = tpu.vector_load %arg14[%swap3A_336] {strides = array<i32>} : memref<128xi32, #tpu.memory_space<vmem>>, vector<16xi32>,
          %swap3A_338 = vector.shape_cast %swap3A_337 : vector<16xi32> to vector<16xi32>
          %swap3A_339 = vector.shape_cast %select_n3A_335 : vector<16xi32> to vector<16xi32>
          tpu.vector_store %arg14[%swap3A_336], %swap3A_339 {strides = array<i32>} : memref<128xi32, #tpu.memory_space<vmem>>, vector<16xi32>,
          %add3A_340 = arith.constant 64 : i32
          %add3A_341 = arith.addi %multiple_of3A, %add3A_340 : i32
          %add3A_342 = vector.broadcast %add3A_341 : i32 to vector<16xi32>
          %add3A_343 = arith.addi %add3A_342, %iota3A : vector<16xi32>
          %get3A_344 = arith.constant 64 : index
          %get3A_345 = tpu.vector_load %arg13[%get3A_344] {strides = array<i32>} : memref<128xi32, #tpu.memory_space<vmem>>, vector<16xi32>,
          %get3A_346 = vector.shape_cast %get3A_345 : vector<16xi32> to vector<16xi32>
          %ge3A_347 = vector.broadcast %add3A_88 : i32 to vector<16xi32>
          %ge3A_348 = arith.cmpi sge, %add3A_343, %ge3A_347 : vector<16xi32>
          %lt3A_349 = vector.broadcast %add3A_116 : i32 to vector<16xi32>
          %lt3A_350 = arith.cmpi slt, %add3A_343, %lt3A_349 : vector<16xi32>
          %and3A_351 = arith.andi %ge3A_348, %lt3A_350 : vector<16xi1>
          %sub3A_352 = vector.broadcast %mul3A_10 : i32 to vector<16xi32>
          %sub3A_353 = arith.subi %get3A_346, %sub3A_352 : vector<16xi32>
          %and3A_354 = arith.constant 7 : i32
          %and3A_355 = vector.broadcast %and3A_354 : i32 to vector<16xi32>
          %and3A_356 = arith.andi %iota3A, %and3A_355 : vector<16xi32>
          %add3A_357 = arith.constant 8192 : i32
          %add3A_358 = vector.broadcast %add3A_357 : i32 to vector<16xi32>
          %add3A_359 = arith.addi %add3A_358, %and3A_356 : vector<16xi32>
          %select_n3A_360 = arith.select %and3A_351, %sub3A_353, %add3A_359 : vector<16xi1>, vector<16xi32>
          %swap3A_361 = arith.constant 64 : index
          %swap3A_362 = tpu.vector_load %arg14[%swap3A_361] {strides = array<i32>} : memref<128xi32, #tpu.memory_space<vmem>>, vector<16xi32>,
          %swap3A_363 = vector.shape_cast %swap3A_362 : vector<16xi32> to vector<16xi32>
          %swap3A_364 = vector.shape_cast %select_n3A_360 : vector<16xi32> to vector<16xi32>
          tpu.vector_store %arg14[%swap3A_361], %swap3A_364 {strides = array<i32>} : memref<128xi32, #tpu.memory_space<vmem>>, vector<16xi32>,
          %add3A_365 = arith.constant 80 : i32
          %add3A_366 = arith.addi %multiple_of3A, %add3A_365 : i32
          %add3A_367 = vector.broadcast %add3A_366 : i32 to vector<16xi32>
          %add3A_368 = arith.addi %add3A_367, %iota3A : vector<16xi32>
          %get3A_369 = arith.constant 80 : index
          %get3A_370 = tpu.vector_load %arg13[%get3A_369] {strides = array<i32>} : memref<128xi32, #tpu.memory_space<vmem>>, vector<16xi32>,
          %get3A_371 = vector.shape_cast %get3A_370 : vector<16xi32> to vector<16xi32>
          %ge3A_372 = vector.broadcast %add3A_88 : i32 to vector<16xi32>
          %ge3A_373 = arith.cmpi sge, %add3A_368, %ge3A_372 : vector<16xi32>
          %lt3A_374 = vector.broadcast %add3A_116 : i32 to vector<16xi32>
          %lt3A_375 = arith.cmpi slt, %add3A_368, %lt3A_374 : vector<16xi32>
          %and3A_376 = arith.andi %ge3A_373, %lt3A_375 : vector<16xi1>
          %sub3A_377 = vector.broadcast %mul3A_10 : i32 to vector<16xi32>
          %sub3A_378 = arith.subi %get3A_371, %sub3A_377 : vector<16xi32>
          %and3A_379 = arith.constant 7 : i32
          %and3A_380 = vector.broadcast %and3A_379 : i32 to vector<16xi32>
          %and3A_381 = arith.andi %iota3A, %and3A_380 : vector<16xi32>
          %add3A_382 = arith.constant 8192 : i32
          %add3A_383 = vector.broadcast %add3A_382 : i32 to vector<16xi32>
          %add3A_384 = arith.addi %add3A_383, %and3A_381 : vector<16xi32>
          %select_n3A_385 = arith.select %and3A_376, %sub3A_378, %add3A_384 : vector<16xi1>, vector<16xi32>
          %swap3A_386 = arith.constant 80 : index
          %swap3A_387 = tpu.vector_load %arg14[%swap3A_386] {strides = array<i32>} : memref<128xi32, #tpu.memory_space<vmem>>, vector<16xi32>,
          %swap3A_388 = vector.shape_cast %swap3A_387 : vector<16xi32> to vector<16xi32>
          %swap3A_389 = vector.shape_cast %select_n3A_385 : vector<16xi32> to vector<16xi32>
          tpu.vector_store %arg14[%swap3A_386], %swap3A_389 {strides = array<i32>} : memref<128xi32, #tpu.memory_space<vmem>>, vector<16xi32>,
          %add3A_390 = arith.constant 96 : i32
          %add3A_391 = arith.addi %multiple_of3A, %add3A_390 : i32
          %add3A_392 = vector.broadcast %add3A_391 : i32 to vector<16xi32>
          %add3A_393 = arith.addi %add3A_392, %iota3A : vector<16xi32>
          %get3A_394 = arith.constant 96 : index
          %get3A_395 = tpu.vector_load %arg13[%get3A_394] {strides = array<i32>} : memref<128xi32, #tpu.memory_space<vmem>>, vector<16xi32>,
          %get3A_396 = vector.shape_cast %get3A_395 : vector<16xi32> to vector<16xi32>
          %ge3A_397 = vector.broadcast %add3A_88 : i32 to vector<16xi32>
          %ge3A_398 = arith.cmpi sge, %add3A_393, %ge3A_397 : vector<16xi32>
          %lt3A_399 = vector.broadcast %add3A_116 : i32 to vector<16xi32>
          %lt3A_400 = arith.cmpi slt, %add3A_393, %lt3A_399 : vector<16xi32>
          %and3A_401 = arith.andi %ge3A_398, %lt3A_400 : vector<16xi1>
          %sub3A_402 = vector.broadcast %mul3A_10 : i32 to vector<16xi32>
          %sub3A_403 = arith.subi %get3A_396, %sub3A_402 : vector<16xi32>
          %and3A_404 = arith.constant 7 : i32
          %and3A_405 = vector.broadcast %and3A_404 : i32 to vector<16xi32>
          %and3A_406 = arith.andi %iota3A, %and3A_405 : vector<16xi32>
          %add3A_407 = arith.constant 8192 : i32
          %add3A_408 = vector.broadcast %add3A_407 : i32 to vector<16xi32>
          %add3A_409 = arith.addi %add3A_408, %and3A_406 : vector<16xi32>
          %select_n3A_410 = arith.select %and3A_401, %sub3A_403, %add3A_409 : vector<16xi1>, vector<16xi32>
          %swap3A_411 = arith.constant 96 : index
          %swap3A_412 = tpu.vector_load %arg14[%swap3A_411] {strides = array<i32>} : memref<128xi32, #tpu.memory_space<vmem>>, vector<16xi32>,
          %swap3A_413 = vector.shape_cast %swap3A_412 : vector<16xi32> to vector<16xi32>
          %swap3A_414 = vector.shape_cast %select_n3A_410 : vector<16xi32> to vector<16xi32>
          tpu.vector_store %arg14[%swap3A_411], %swap3A_414 {strides = array<i32>} : memref<128xi32, #tpu.memory_space<vmem>>, vector<16xi32>,
          %add3A_415 = arith.constant 112 : i32
          %add3A_416 = arith.addi %multiple_of3A, %add3A_415 : i32
          %add3A_417 = vector.broadcast %add3A_416 : i32 to vector<16xi32>
          %add3A_418 = arith.addi %add3A_417, %iota3A : vector<16xi32>
          %get3A_419 = arith.constant 112 : index
          %get3A_420 = tpu.vector_load %arg13[%get3A_419] {strides = array<i32>} : memref<128xi32, #tpu.memory_space<vmem>>, vector<16xi32>,
          %get3A_421 = vector.shape_cast %get3A_420 : vector<16xi32> to vector<16xi32>
          %ge3A_422 = vector.broadcast %add3A_88 : i32 to vector<16xi32>
          %ge3A_423 = arith.cmpi sge, %add3A_418, %ge3A_422 : vector<16xi32>
          %lt3A_424 = vector.broadcast %add3A_116 : i32 to vector<16xi32>
          %lt3A_425 = arith.cmpi slt, %add3A_418, %lt3A_424 : vector<16xi32>
          %and3A_426 = arith.andi %ge3A_423, %lt3A_425 : vector<16xi1>
          %sub3A_427 = vector.broadcast %mul3A_10 : i32 to vector<16xi32>
          %sub3A_428 = arith.subi %get3A_421, %sub3A_427 : vector<16xi32>
          %and3A_429 = arith.constant 7 : i32
          %and3A_430 = vector.broadcast %and3A_429 : i32 to vector<16xi32>
          %and3A_431 = arith.andi %iota3A, %and3A_430 : vector<16xi32>
          %add3A_432 = arith.constant 8192 : i32
          %add3A_433 = vector.broadcast %add3A_432 : i32 to vector<16xi32>
          %add3A_434 = arith.addi %add3A_433, %and3A_431 : vector<16xi32>
          %select_n3A_435 = arith.select %and3A_426, %sub3A_428, %add3A_434 : vector<16xi1>, vector<16xi32>
          %swap3A_436 = arith.constant 112 : index
          %swap3A_437 = tpu.vector_load %arg14[%swap3A_436] {strides = array<i32>} : memref<128xi32, #tpu.memory_space<vmem>>, vector<16xi32>,
          %swap3A_438 = vector.shape_cast %swap3A_437 : vector<16xi32> to vector<16xi32>
          %swap3A_439 = vector.shape_cast %select_n3A_435 : vector<16xi32> to vector<16xi32>
          tpu.vector_store %arg14[%swap3A_436], %swap3A_439 {strides = array<i32>} : memref<128xi32, #tpu.memory_space<vmem>>, vector<16xi32>,
          %dma_start3A = arith.constant 0 : i32
          %dma_start3A_440 = arith.constant 0 : i32
          %dma_start3A_441 = tpu.memref_slice %arg2[%dma_start3A, %dma_start3A_440] : memref<640000x128xf32, #tpu.memory_space<hbm>> -> memref<640000x128xf32, #tpu.memory_space<hbm>>
          tpu.enqueue_indirect_dma source(%dma_start3A_441 : memref<640000x128xf32, #tpu.memory_space<hbm>>) target(%arg15 : memref<128x128xf32, #tpu.memory_space<vmem>>) offsets(%arg12 : memref<128xi32, #tpu.memory_space<vmem>>) semaphore(%arg17 : memref<!tpu.dma_semaphore, #tpu.memory_space<semaphore_mem>>)
        } else {
        }
        %dma_wait3A = arith.constant 0 : i32
        %dma_wait3A_226 = arith.constant 0 : i32
        %dma_wait3A_227 = tpu.memref_slice %arg2[%dma_wait3A, %dma_wait3A_226] : memref<640000x128xf32, #tpu.memory_space<hbm>> -> memref<640000x128xf32, #tpu.memory_space<hbm>>
        tpu.wait_indirect_dma semaphore(%arg16 : memref<!tpu.dma_semaphore, #tpu.memory_space<semaphore_mem>>) src(%dma_wait3A_227 : memref<640000x128xf32, #tpu.memory_space<hbm>>) dst(%arg11 : memref<128x128xf32, #tpu.memory_space<vmem>>)
        "tpu.region"() ({
          %run_scoped3A = tpu.sem_alloc : memref<!tpu.dma_semaphore, #tpu.memory_space<semaphore_mem>>
          %dma_start3A = arith.constant 0 : i32
          %dma_start3A_239 = arith.constant 0 : i32
          %dma_start3A_240 = tpu.memref_slice %arg18[%dma_start3A, %dma_start3A_239] : memref<8200x128xf32, #tpu.memory_space<vmem_shared>> -> memref<8200x128xf32, #tpu.memory_space<vmem_shared>>
          tpu.enqueue_indirect_dma source(%arg11 : memref<128x128xf32, #tpu.memory_space<vmem>>) target(%dma_start3A_240 : memref<8200x128xf32, #tpu.memory_space<vmem_shared>>) offsets(%arg10 : memref<128xi32, #tpu.memory_space<vmem>>) semaphore(%run_scoped3A : memref<!tpu.dma_semaphore, #tpu.memory_space<semaphore_mem>>) {add = true}
          %dma_wait3A_241 = arith.constant 0 : i32
          %dma_wait3A_242 = arith.constant 0 : i32
          %dma_wait3A_243 = tpu.memref_slice %arg18[%dma_wait3A_241, %dma_wait3A_242] : memref<8200x128xf32, #tpu.memory_space<vmem_shared>> -> memref<8200x128xf32, #tpu.memory_space<vmem_shared>>
          tpu.wait_indirect_dma semaphore(%run_scoped3A : memref<!tpu.dma_semaphore, #tpu.memory_space<semaphore_mem>>) src(%arg11 : memref<128x128xf32, #tpu.memory_space<vmem>>) dst(%dma_wait3A_243 : memref<8200x128xf32, #tpu.memory_space<vmem_shared>>)
          tpu.yield
        }) : () -> ()
        %add3A_228 = arith.constant 2 : i32
        %add3A_229 = arith.addi %mul3A_219, %add3A_228 : i32
        %lt3A_230 = arith.cmpi slt, %add3A_229, %select_n3A_148 : i32
        %convert_element_type3A_231 = arith.extui %lt3A_230 : i1 to i32
        %cond3A_232 = arith.constant 0 : i32
        %cond3A_233 = arith.cmpi ne, %convert_element_type3A_231, %cond3A_232 : i32
        scf.if %cond3A_233 {
          %add3A_239 = arith.constant 2 : i32
          %add3A_240 = arith.addi %mul3A_219, %add3A_239 : i32
          %mul3A_241 = arith.constant 128 : i32
          %mul3A_242 = arith.muli %add3A_240, %mul3A_241 : i32
          %add3A_243 = arith.addi %sub3A_119, %mul3A_242 : i32
          %multiple_of3A = tpu.assume_multiple %add3A_243, 8 : i32
          "tpu.region"() ({
            %run_scoped3A = tpu.sem_alloc : memref<!tpu.dma_semaphore, #tpu.memory_space<semaphore_mem>>
            %dma_start3A_444 = tpu.memref_slice %arg3[%multiple_of3A] : memref<640256xi32, #tpu.memory_space<hbm>> -> memref<128xi32, #tpu.memory_space<hbm>>
            %dma_start3A_445 = tpu.memref_slice %arg3[%multiple_of3A] : memref<640256xi32, #tpu.memory_space<hbm>> -> memref<128xi32, #tpu.memory_space<hbm>>
            tpu.enqueue_dma source(%dma_start3A_445 : memref<128xi32, #tpu.memory_space<hbm>>) target(%arg8 : memref<128xi32, #tpu.memory_space<vmem>>) target_semaphore(%run_scoped3A : memref<!tpu.dma_semaphore, #tpu.memory_space<semaphore_mem>>)
            %dma_wait3A_446 = tpu.memref_slice %arg3[%multiple_of3A] : memref<640256xi32, #tpu.memory_space<hbm>> -> memref<128xi32, #tpu.memory_space<hbm>>
            %dma_wait3A_447 = tpu.memref_slice %arg3[%multiple_of3A] : memref<640256xi32, #tpu.memory_space<hbm>> -> memref<128xi32, #tpu.memory_space<hbm>>
            tpu.wait_dma2 semaphore(%run_scoped3A : memref<!tpu.dma_semaphore, #tpu.memory_space<semaphore_mem>>) src(%dma_wait3A_447 : memref<128xi32, #tpu.memory_space<hbm>>) dst(%arg8 : memref<128xi32, #tpu.memory_space<vmem>>)
            tpu.yield
          }) : () -> ()
          "tpu.region"() ({
            %run_scoped3A = tpu.sem_alloc : memref<!tpu.dma_semaphore, #tpu.memory_space<semaphore_mem>>
            %dma_start3A_444 = tpu.memref_slice %arg4[%multiple_of3A] : memref<640256xi32, #tpu.memory_space<hbm>> -> memref<128xi32, #tpu.memory_space<hbm>>
            %dma_start3A_445 = tpu.memref_slice %arg4[%multiple_of3A] : memref<640256xi32, #tpu.memory_space<hbm>> -> memref<128xi32, #tpu.memory_space<hbm>>
            tpu.enqueue_dma source(%dma_start3A_445 : memref<128xi32, #tpu.memory_space<hbm>>) target(%arg9 : memref<128xi32, #tpu.memory_space<vmem>>) target_semaphore(%run_scoped3A : memref<!tpu.dma_semaphore, #tpu.memory_space<semaphore_mem>>)
            %dma_wait3A_446 = tpu.memref_slice %arg4[%multiple_of3A] : memref<640256xi32, #tpu.memory_space<hbm>> -> memref<128xi32, #tpu.memory_space<hbm>>
            %dma_wait3A_447 = tpu.memref_slice %arg4[%multiple_of3A] : memref<640256xi32, #tpu.memory_space<hbm>> -> memref<128xi32, #tpu.memory_space<hbm>>
            tpu.wait_dma2 semaphore(%run_scoped3A : memref<!tpu.dma_semaphore, #tpu.memory_space<semaphore_mem>>) src(%dma_wait3A_447 : memref<128xi32, #tpu.memory_space<hbm>>) dst(%arg9 : memref<128xi32, #tpu.memory_space<vmem>>)
            tpu.yield
          }) : () -> ()
          %add3A_244 = arith.constant 0 : i32
          %add3A_245 = arith.addi %multiple_of3A, %add3A_244 : i32
          %add3A_246 = vector.broadcast %add3A_245 : i32 to vector<16xi32>
          %add3A_247 = arith.addi %add3A_246, %iota3A : vector<16xi32>
          %get3A_248 = arith.constant 0 : index
          %get3A_249 = tpu.vector_load %arg9[%get3A_248] {strides = array<i32>} : memref<128xi32, #tpu.memory_space<vmem>>, vector<16xi32>,
          %get3A_250 = vector.shape_cast %get3A_249 : vector<16xi32> to vector<16xi32>
          %ge3A = vector.broadcast %add3A_88 : i32 to vector<16xi32>
          %ge3A_251 = arith.cmpi sge, %add3A_247, %ge3A : vector<16xi32>
          %lt3A_252 = vector.broadcast %add3A_116 : i32 to vector<16xi32>
          %lt3A_253 = arith.cmpi slt, %add3A_247, %lt3A_252 : vector<16xi32>
          %and3A_254 = arith.andi %ge3A_251, %lt3A_253 : vector<16xi1>
          %sub3A_255 = vector.broadcast %mul3A_10 : i32 to vector<16xi32>
          %sub3A_256 = arith.subi %get3A_250, %sub3A_255 : vector<16xi32>
          %and3A_257 = arith.constant 7 : i32
          %and3A_258 = vector.broadcast %and3A_257 : i32 to vector<16xi32>
          %and3A_259 = arith.andi %iota3A, %and3A_258 : vector<16xi32>
          %add3A_260 = arith.constant 8192 : i32
          %add3A_261 = vector.broadcast %add3A_260 : i32 to vector<16xi32>
          %add3A_262 = arith.addi %add3A_261, %and3A_259 : vector<16xi32>
          %select_n3A_263 = arith.select %and3A_254, %sub3A_256, %add3A_262 : vector<16xi1>, vector<16xi32>
          %swap3A = arith.constant 0 : index
          %swap3A_264 = tpu.vector_load %arg10[%swap3A] {strides = array<i32>} : memref<128xi32, #tpu.memory_space<vmem>>, vector<16xi32>,
          %swap3A_265 = vector.shape_cast %swap3A_264 : vector<16xi32> to vector<16xi32>
          %swap3A_266 = vector.shape_cast %select_n3A_263 : vector<16xi32> to vector<16xi32>
          tpu.vector_store %arg10[%swap3A], %swap3A_266 {strides = array<i32>} : memref<128xi32, #tpu.memory_space<vmem>>, vector<16xi32>,
          %add3A_267 = arith.constant 16 : i32
          %add3A_268 = arith.addi %multiple_of3A, %add3A_267 : i32
          %add3A_269 = vector.broadcast %add3A_268 : i32 to vector<16xi32>
          %add3A_270 = arith.addi %add3A_269, %iota3A : vector<16xi32>
          %get3A_271 = arith.constant 16 : index
          %get3A_272 = tpu.vector_load %arg9[%get3A_271] {strides = array<i32>} : memref<128xi32, #tpu.memory_space<vmem>>, vector<16xi32>,
          %get3A_273 = vector.shape_cast %get3A_272 : vector<16xi32> to vector<16xi32>
          %ge3A_274 = vector.broadcast %add3A_88 : i32 to vector<16xi32>
          %ge3A_275 = arith.cmpi sge, %add3A_270, %ge3A_274 : vector<16xi32>
          %lt3A_276 = vector.broadcast %add3A_116 : i32 to vector<16xi32>
          %lt3A_277 = arith.cmpi slt, %add3A_270, %lt3A_276 : vector<16xi32>
          %and3A_278 = arith.andi %ge3A_275, %lt3A_277 : vector<16xi1>
          %sub3A_279 = vector.broadcast %mul3A_10 : i32 to vector<16xi32>
          %sub3A_280 = arith.subi %get3A_273, %sub3A_279 : vector<16xi32>
          %and3A_281 = arith.constant 7 : i32
          %and3A_282 = vector.broadcast %and3A_281 : i32 to vector<16xi32>
          %and3A_283 = arith.andi %iota3A, %and3A_282 : vector<16xi32>
          %add3A_284 = arith.constant 8192 : i32
          %add3A_285 = vector.broadcast %add3A_284 : i32 to vector<16xi32>
          %add3A_286 = arith.addi %add3A_285, %and3A_283 : vector<16xi32>
          %select_n3A_287 = arith.select %and3A_278, %sub3A_280, %add3A_286 : vector<16xi1>, vector<16xi32>
          %swap3A_288 = arith.constant 16 : index
          %swap3A_289 = tpu.vector_load %arg10[%swap3A_288] {strides = array<i32>} : memref<128xi32, #tpu.memory_space<vmem>>, vector<16xi32>,
          %swap3A_290 = vector.shape_cast %swap3A_289 : vector<16xi32> to vector<16xi32>
          %swap3A_291 = vector.shape_cast %select_n3A_287 : vector<16xi32> to vector<16xi32>
          tpu.vector_store %arg10[%swap3A_288], %swap3A_291 {strides = array<i32>} : memref<128xi32, #tpu.memory_space<vmem>>, vector<16xi32>,
          %add3A_292 = arith.constant 32 : i32
          %add3A_293 = arith.addi %multiple_of3A, %add3A_292 : i32
          %add3A_294 = vector.broadcast %add3A_293 : i32 to vector<16xi32>
          %add3A_295 = arith.addi %add3A_294, %iota3A : vector<16xi32>
          %get3A_296 = arith.constant 32 : index
          %get3A_297 = tpu.vector_load %arg9[%get3A_296] {strides = array<i32>} : memref<128xi32, #tpu.memory_space<vmem>>, vector<16xi32>,
          %get3A_298 = vector.shape_cast %get3A_297 : vector<16xi32> to vector<16xi32>
          %ge3A_299 = vector.broadcast %add3A_88 : i32 to vector<16xi32>
          %ge3A_300 = arith.cmpi sge, %add3A_295, %ge3A_299 : vector<16xi32>
          %lt3A_301 = vector.broadcast %add3A_116 : i32 to vector<16xi32>
          %lt3A_302 = arith.cmpi slt, %add3A_295, %lt3A_301 : vector<16xi32>
          %and3A_303 = arith.andi %ge3A_300, %lt3A_302 : vector<16xi1>
          %sub3A_304 = vector.broadcast %mul3A_10 : i32 to vector<16xi32>
          %sub3A_305 = arith.subi %get3A_298, %sub3A_304 : vector<16xi32>
          %and3A_306 = arith.constant 7 : i32
          %and3A_307 = vector.broadcast %and3A_306 : i32 to vector<16xi32>
          %and3A_308 = arith.andi %iota3A, %and3A_307 : vector<16xi32>
          %add3A_309 = arith.constant 8192 : i32
          %add3A_310 = vector.broadcast %add3A_309 : i32 to vector<16xi32>
          %add3A_311 = arith.addi %add3A_310, %and3A_308 : vector<16xi32>
          %select_n3A_312 = arith.select %and3A_303, %sub3A_305, %add3A_311 : vector<16xi1>, vector<16xi32>
          %swap3A_313 = arith.constant 32 : index
          %swap3A_314 = tpu.vector_load %arg10[%swap3A_313] {strides = array<i32>} : memref<128xi32, #tpu.memory_space<vmem>>, vector<16xi32>,
          %swap3A_315 = vector.shape_cast %swap3A_314 : vector<16xi32> to vector<16xi32>
          %swap3A_316 = vector.shape_cast %select_n3A_312 : vector<16xi32> to vector<16xi32>
          tpu.vector_store %arg10[%swap3A_313], %swap3A_316 {strides = array<i32>} : memref<128xi32, #tpu.memory_space<vmem>>, vector<16xi32>,
          %add3A_317 = arith.constant 48 : i32
          %add3A_318 = arith.addi %multiple_of3A, %add3A_317 : i32
          %add3A_319 = vector.broadcast %add3A_318 : i32 to vector<16xi32>
          %add3A_320 = arith.addi %add3A_319, %iota3A : vector<16xi32>
          %get3A_321 = arith.constant 48 : index
          %get3A_322 = tpu.vector_load %arg9[%get3A_321] {strides = array<i32>} : memref<128xi32, #tpu.memory_space<vmem>>, vector<16xi32>,
          %get3A_323 = vector.shape_cast %get3A_322 : vector<16xi32> to vector<16xi32>
          %ge3A_324 = vector.broadcast %add3A_88 : i32 to vector<16xi32>
          %ge3A_325 = arith.cmpi sge, %add3A_320, %ge3A_324 : vector<16xi32>
          %lt3A_326 = vector.broadcast %add3A_116 : i32 to vector<16xi32>
          %lt3A_327 = arith.cmpi slt, %add3A_320, %lt3A_326 : vector<16xi32>
          %and3A_328 = arith.andi %ge3A_325, %lt3A_327 : vector<16xi1>
          %sub3A_329 = vector.broadcast %mul3A_10 : i32 to vector<16xi32>
          %sub3A_330 = arith.subi %get3A_323, %sub3A_329 : vector<16xi32>
          %and3A_331 = arith.constant 7 : i32
          %and3A_332 = vector.broadcast %and3A_331 : i32 to vector<16xi32>
          %and3A_333 = arith.andi %iota3A, %and3A_332 : vector<16xi32>
          %add3A_334 = arith.constant 8192 : i32
          %add3A_335 = vector.broadcast %add3A_334 : i32 to vector<16xi32>
          %add3A_336 = arith.addi %add3A_335, %and3A_333 : vector<16xi32>
          %select_n3A_337 = arith.select %and3A_328, %sub3A_330, %add3A_336 : vector<16xi1>, vector<16xi32>
          %swap3A_338 = arith.constant 48 : index
          %swap3A_339 = tpu.vector_load %arg10[%swap3A_338] {strides = array<i32>} : memref<128xi32, #tpu.memory_space<vmem>>, vector<16xi32>,
          %swap3A_340 = vector.shape_cast %swap3A_339 : vector<16xi32> to vector<16xi32>
          %swap3A_341 = vector.shape_cast %select_n3A_337 : vector<16xi32> to vector<16xi32>
          tpu.vector_store %arg10[%swap3A_338], %swap3A_341 {strides = array<i32>} : memref<128xi32, #tpu.memory_space<vmem>>, vector<16xi32>,
          %add3A_342 = arith.constant 64 : i32
          %add3A_343 = arith.addi %multiple_of3A, %add3A_342 : i32
          %add3A_344 = vector.broadcast %add3A_343 : i32 to vector<16xi32>
          %add3A_345 = arith.addi %add3A_344, %iota3A : vector<16xi32>
          %get3A_346 = arith.constant 64 : index
          %get3A_347 = tpu.vector_load %arg9[%get3A_346] {strides = array<i32>} : memref<128xi32, #tpu.memory_space<vmem>>, vector<16xi32>,
          %get3A_348 = vector.shape_cast %get3A_347 : vector<16xi32> to vector<16xi32>
          %ge3A_349 = vector.broadcast %add3A_88 : i32 to vector<16xi32>
          %ge3A_350 = arith.cmpi sge, %add3A_345, %ge3A_349 : vector<16xi32>
          %lt3A_351 = vector.broadcast %add3A_116 : i32 to vector<16xi32>
          %lt3A_352 = arith.cmpi slt, %add3A_345, %lt3A_351 : vector<16xi32>
          %and3A_353 = arith.andi %ge3A_350, %lt3A_352 : vector<16xi1>
          %sub3A_354 = vector.broadcast %mul3A_10 : i32 to vector<16xi32>
          %sub3A_355 = arith.subi %get3A_348, %sub3A_354 : vector<16xi32>
          %and3A_356 = arith.constant 7 : i32
          %and3A_357 = vector.broadcast %and3A_356 : i32 to vector<16xi32>
          %and3A_358 = arith.andi %iota3A, %and3A_357 : vector<16xi32>
          %add3A_359 = arith.constant 8192 : i32
          %add3A_360 = vector.broadcast %add3A_359 : i32 to vector<16xi32>
          %add3A_361 = arith.addi %add3A_360, %and3A_358 : vector<16xi32>
          %select_n3A_362 = arith.select %and3A_353, %sub3A_355, %add3A_361 : vector<16xi1>, vector<16xi32>
          %swap3A_363 = arith.constant 64 : index
          %swap3A_364 = tpu.vector_load %arg10[%swap3A_363] {strides = array<i32>} : memref<128xi32, #tpu.memory_space<vmem>>, vector<16xi32>,
          %swap3A_365 = vector.shape_cast %swap3A_364 : vector<16xi32> to vector<16xi32>
          %swap3A_366 = vector.shape_cast %select_n3A_362 : vector<16xi32> to vector<16xi32>
          tpu.vector_store %arg10[%swap3A_363], %swap3A_366 {strides = array<i32>} : memref<128xi32, #tpu.memory_space<vmem>>, vector<16xi32>,
          %add3A_367 = arith.constant 80 : i32
          %add3A_368 = arith.addi %multiple_of3A, %add3A_367 : i32
          %add3A_369 = vector.broadcast %add3A_368 : i32 to vector<16xi32>
          %add3A_370 = arith.addi %add3A_369, %iota3A : vector<16xi32>
          %get3A_371 = arith.constant 80 : index
          %get3A_372 = tpu.vector_load %arg9[%get3A_371] {strides = array<i32>} : memref<128xi32, #tpu.memory_space<vmem>>, vector<16xi32>,
          %get3A_373 = vector.shape_cast %get3A_372 : vector<16xi32> to vector<16xi32>
          %ge3A_374 = vector.broadcast %add3A_88 : i32 to vector<16xi32>
          %ge3A_375 = arith.cmpi sge, %add3A_370, %ge3A_374 : vector<16xi32>
          %lt3A_376 = vector.broadcast %add3A_116 : i32 to vector<16xi32>
          %lt3A_377 = arith.cmpi slt, %add3A_370, %lt3A_376 : vector<16xi32>
          %and3A_378 = arith.andi %ge3A_375, %lt3A_377 : vector<16xi1>
          %sub3A_379 = vector.broadcast %mul3A_10 : i32 to vector<16xi32>
          %sub3A_380 = arith.subi %get3A_373, %sub3A_379 : vector<16xi32>
          %and3A_381 = arith.constant 7 : i32
          %and3A_382 = vector.broadcast %and3A_381 : i32 to vector<16xi32>
          %and3A_383 = arith.andi %iota3A, %and3A_382 : vector<16xi32>
          %add3A_384 = arith.constant 8192 : i32
          %add3A_385 = vector.broadcast %add3A_384 : i32 to vector<16xi32>
          %add3A_386 = arith.addi %add3A_385, %and3A_383 : vector<16xi32>
          %select_n3A_387 = arith.select %and3A_378, %sub3A_380, %add3A_386 : vector<16xi1>, vector<16xi32>
          %swap3A_388 = arith.constant 80 : index
          %swap3A_389 = tpu.vector_load %arg10[%swap3A_388] {strides = array<i32>} : memref<128xi32, #tpu.memory_space<vmem>>, vector<16xi32>,
          %swap3A_390 = vector.shape_cast %swap3A_389 : vector<16xi32> to vector<16xi32>
          %swap3A_391 = vector.shape_cast %select_n3A_387 : vector<16xi32> to vector<16xi32>
          tpu.vector_store %arg10[%swap3A_388], %swap3A_391 {strides = array<i32>} : memref<128xi32, #tpu.memory_space<vmem>>, vector<16xi32>,
          %add3A_392 = arith.constant 96 : i32
          %add3A_393 = arith.addi %multiple_of3A, %add3A_392 : i32
          %add3A_394 = vector.broadcast %add3A_393 : i32 to vector<16xi32>
          %add3A_395 = arith.addi %add3A_394, %iota3A : vector<16xi32>
          %get3A_396 = arith.constant 96 : index
          %get3A_397 = tpu.vector_load %arg9[%get3A_396] {strides = array<i32>} : memref<128xi32, #tpu.memory_space<vmem>>, vector<16xi32>,
          %get3A_398 = vector.shape_cast %get3A_397 : vector<16xi32> to vector<16xi32>
          %ge3A_399 = vector.broadcast %add3A_88 : i32 to vector<16xi32>
          %ge3A_400 = arith.cmpi sge, %add3A_395, %ge3A_399 : vector<16xi32>
          %lt3A_401 = vector.broadcast %add3A_116 : i32 to vector<16xi32>
          %lt3A_402 = arith.cmpi slt, %add3A_395, %lt3A_401 : vector<16xi32>
          %and3A_403 = arith.andi %ge3A_400, %lt3A_402 : vector<16xi1>
          %sub3A_404 = vector.broadcast %mul3A_10 : i32 to vector<16xi32>
          %sub3A_405 = arith.subi %get3A_398, %sub3A_404 : vector<16xi32>
          %and3A_406 = arith.constant 7 : i32
          %and3A_407 = vector.broadcast %and3A_406 : i32 to vector<16xi32>
          %and3A_408 = arith.andi %iota3A, %and3A_407 : vector<16xi32>
          %add3A_409 = arith.constant 8192 : i32
          %add3A_410 = vector.broadcast %add3A_409 : i32 to vector<16xi32>
          %add3A_411 = arith.addi %add3A_410, %and3A_408 : vector<16xi32>
          %select_n3A_412 = arith.select %and3A_403, %sub3A_405, %add3A_411 : vector<16xi1>, vector<16xi32>
          %swap3A_413 = arith.constant 96 : index
          %swap3A_414 = tpu.vector_load %arg10[%swap3A_413] {strides = array<i32>} : memref<128xi32, #tpu.memory_space<vmem>>, vector<16xi32>,
          %swap3A_415 = vector.shape_cast %swap3A_414 : vector<16xi32> to vector<16xi32>
          %swap3A_416 = vector.shape_cast %select_n3A_412 : vector<16xi32> to vector<16xi32>
          tpu.vector_store %arg10[%swap3A_413], %swap3A_416 {strides = array<i32>} : memref<128xi32, #tpu.memory_space<vmem>>, vector<16xi32>,
          %add3A_417 = arith.constant 112 : i32
          %add3A_418 = arith.addi %multiple_of3A, %add3A_417 : i32
          %add3A_419 = vector.broadcast %add3A_418 : i32 to vector<16xi32>
          %add3A_420 = arith.addi %add3A_419, %iota3A : vector<16xi32>
          %get3A_421 = arith.constant 112 : index
          %get3A_422 = tpu.vector_load %arg9[%get3A_421] {strides = array<i32>} : memref<128xi32, #tpu.memory_space<vmem>>, vector<16xi32>,
          %get3A_423 = vector.shape_cast %get3A_422 : vector<16xi32> to vector<16xi32>
          %ge3A_424 = vector.broadcast %add3A_88 : i32 to vector<16xi32>
          %ge3A_425 = arith.cmpi sge, %add3A_420, %ge3A_424 : vector<16xi32>
          %lt3A_426 = vector.broadcast %add3A_116 : i32 to vector<16xi32>
          %lt3A_427 = arith.cmpi slt, %add3A_420, %lt3A_426 : vector<16xi32>
          %and3A_428 = arith.andi %ge3A_425, %lt3A_427 : vector<16xi1>
          %sub3A_429 = vector.broadcast %mul3A_10 : i32 to vector<16xi32>
          %sub3A_430 = arith.subi %get3A_423, %sub3A_429 : vector<16xi32>
          %and3A_431 = arith.constant 7 : i32
          %and3A_432 = vector.broadcast %and3A_431 : i32 to vector<16xi32>
          %and3A_433 = arith.andi %iota3A, %and3A_432 : vector<16xi32>
          %add3A_434 = arith.constant 8192 : i32
          %add3A_435 = vector.broadcast %add3A_434 : i32 to vector<16xi32>
          %add3A_436 = arith.addi %add3A_435, %and3A_433 : vector<16xi32>
          %select_n3A_437 = arith.select %and3A_428, %sub3A_430, %add3A_436 : vector<16xi1>, vector<16xi32>
          %swap3A_438 = arith.constant 112 : index
          %swap3A_439 = tpu.vector_load %arg10[%swap3A_438] {strides = array<i32>} : memref<128xi32, #tpu.memory_space<vmem>>, vector<16xi32>,
          %swap3A_440 = vector.shape_cast %swap3A_439 : vector<16xi32> to vector<16xi32>
          %swap3A_441 = vector.shape_cast %select_n3A_437 : vector<16xi32> to vector<16xi32>
          tpu.vector_store %arg10[%swap3A_438], %swap3A_441 {strides = array<i32>} : memref<128xi32, #tpu.memory_space<vmem>>, vector<16xi32>,
          %dma_start3A = arith.constant 0 : i32
          %dma_start3A_442 = arith.constant 0 : i32
          %dma_start3A_443 = tpu.memref_slice %arg2[%dma_start3A, %dma_start3A_442] : memref<640000x128xf32, #tpu.memory_space<hbm>> -> memref<640000x128xf32, #tpu.memory_space<hbm>>
          tpu.enqueue_indirect_dma source(%dma_start3A_443 : memref<640000x128xf32, #tpu.memory_space<hbm>>) target(%arg11 : memref<128x128xf32, #tpu.memory_space<vmem>>) offsets(%arg8 : memref<128xi32, #tpu.memory_space<vmem>>) semaphore(%arg16 : memref<!tpu.dma_semaphore, #tpu.memory_space<semaphore_mem>>)
        } else {
        }
        %lt3A_234 = arith.cmpi slt, %add3A_221, %select_n3A_148 : i32
        %convert_element_type3A_235 = arith.extui %lt3A_234 : i1 to i32
        %cond3A_236 = arith.constant 0 : i32
        %cond3A_237 = arith.cmpi ne, %convert_element_type3A_235, %cond3A_236 : i32
        scf.if %cond3A_237 {
          %dma_wait3A_239 = arith.constant 0 : i32
          %dma_wait3A_240 = arith.constant 0 : i32
          %dma_wait3A_241 = tpu.memref_slice %arg2[%dma_wait3A_239, %dma_wait3A_240] : memref<640000x128xf32, #tpu.memory_space<hbm>> -> memref<640000x128xf32, #tpu.memory_space<hbm>>
          tpu.wait_indirect_dma semaphore(%arg17 : memref<!tpu.dma_semaphore, #tpu.memory_space<semaphore_mem>>) src(%dma_wait3A_241 : memref<640000x128xf32, #tpu.memory_space<hbm>>) dst(%arg15 : memref<128x128xf32, #tpu.memory_space<vmem>>)
          "tpu.region"() ({
            %run_scoped3A = tpu.sem_alloc : memref<!tpu.dma_semaphore, #tpu.memory_space<semaphore_mem>>
            %dma_start3A = arith.constant 0 : i32
            %dma_start3A_242 = arith.constant 0 : i32
            %dma_start3A_243 = tpu.memref_slice %arg18[%dma_start3A, %dma_start3A_242] : memref<8200x128xf32, #tpu.memory_space<vmem_shared>> -> memref<8200x128xf32, #tpu.memory_space<vmem_shared>>
            tpu.enqueue_indirect_dma source(%arg15 : memref<128x128xf32, #tpu.memory_space<vmem>>) target(%dma_start3A_243 : memref<8200x128xf32, #tpu.memory_space<vmem_shared>>) offsets(%arg14 : memref<128xi32, #tpu.memory_space<vmem>>) semaphore(%run_scoped3A : memref<!tpu.dma_semaphore, #tpu.memory_space<semaphore_mem>>) {add = true}
            %dma_wait3A_244 = arith.constant 0 : i32
            %dma_wait3A_245 = arith.constant 0 : i32
            %dma_wait3A_246 = tpu.memref_slice %arg18[%dma_wait3A_244, %dma_wait3A_245] : memref<8200x128xf32, #tpu.memory_space<vmem_shared>> -> memref<8200x128xf32, #tpu.memory_space<vmem_shared>>
            tpu.wait_indirect_dma semaphore(%run_scoped3A : memref<!tpu.dma_semaphore, #tpu.memory_space<semaphore_mem>>) src(%arg15 : memref<128x128xf32, #tpu.memory_space<vmem>>) dst(%dma_wait3A_246 : memref<8200x128xf32, #tpu.memory_space<vmem_shared>>)
            tpu.yield
          }) : () -> ()
        } else {
        }
        %while3A_238 = arith.constant 0 : i32
        scf.yield %while3A_238 : i32
      }
      %barrier3A_190 = arith.constant 0 : index
      tpu.barrier barrier_id(%barrier3A_190)
      %add3A_191 = arith.constant 0 : i32
      %add3A_192 = arith.addi %add3A_191, %arg1 : i32
      %lt3A_193 = arith.cmpi slt, %add3A_192, %select_n3A : i32
      %convert_element_type3A_194 = arith.extui %lt3A_193 : i1 to i32
      %cond3A_195 = arith.constant 0 : i32
      %cond3A_196 = arith.cmpi ne, %convert_element_type3A_194, %cond3A_195 : i32
      scf.if %cond3A_196 {
        %mul3A_216 = arith.constant 128 : i32
        %mul3A_217 = arith.muli %add3A_192, %mul3A_216 : i32
        "tpu.region"() ({
          %run_scoped3A = tpu.sem_alloc : memref<!tpu.dma_semaphore, #tpu.memory_space<semaphore_mem>>
          %dma_start3A = arith.constant 0 : i32
          %dma_start3A_221 = tpu.memref_slice %arg18[%mul3A_217, %dma_start3A] : memref<8200x128xf32, #tpu.memory_space<vmem_shared>> -> memref<128x128xf32, #tpu.memory_space<vmem_shared>>
          %dma_start3A_222 = arith.constant 0 : i32
          %dma_start3A_223 = tpu.memref_slice %arg18[%mul3A_217, %dma_start3A_222] : memref<8200x128xf32, #tpu.memory_space<vmem_shared>> -> memref<128x128xf32, #tpu.memory_space<vmem_shared>>
          tpu.enqueue_dma source(%dma_start3A_223 : memref<128x128xf32, #tpu.memory_space<vmem_shared>>) target(%arg11 : memref<128x128xf32, #tpu.memory_space<vmem>>) target_semaphore(%run_scoped3A : memref<!tpu.dma_semaphore, #tpu.memory_space<semaphore_mem>>)
          %dma_wait3A = arith.constant 0 : i32
          %dma_wait3A_224 = tpu.memref_slice %arg18[%mul3A_217, %dma_wait3A] : memref<8200x128xf32, #tpu.memory_space<vmem_shared>> -> memref<128x128xf32, #tpu.memory_space<vmem_shared>>
          %dma_wait3A_225 = arith.constant 0 : i32
          %dma_wait3A_226 = tpu.memref_slice %arg18[%mul3A_217, %dma_wait3A_225] : memref<8200x128xf32, #tpu.memory_space<vmem_shared>> -> memref<128x128xf32, #tpu.memory_space<vmem_shared>>
          tpu.wait_dma2 semaphore(%run_scoped3A : memref<!tpu.dma_semaphore, #tpu.memory_space<semaphore_mem>>) src(%dma_wait3A_226 : memref<128x128xf32, #tpu.memory_space<vmem_shared>>) dst(%arg11 : memref<128x128xf32, #tpu.memory_space<vmem>>)
          tpu.yield
        }) : () -> ()
        %mul3A_218 = arith.constant 128 : i32
        %mul3A_219 = arith.muli %add3A_192, %mul3A_218 : i32
        %add3A_220 = arith.addi %mul3A_10, %mul3A_219 : i32
        "tpu.region"() ({
          %run_scoped3A = tpu.sem_alloc : memref<!tpu.dma_semaphore, #tpu.memory_space<semaphore_mem>>
          %dma_start3A = arith.constant 0 : i32
          %dma_start3A_221 = tpu.memref_slice %arg6[%add3A_220, %dma_start3A] : memref<160000x128xf32, #tpu.memory_space<hbm>> -> memref<128x128xf32, #tpu.memory_space<hbm>>
          %dma_start3A_222 = arith.constant 0 : i32
          %dma_start3A_223 = tpu.memref_slice %arg6[%add3A_220, %dma_start3A_222] : memref<160000x128xf32, #tpu.memory_space<hbm>> -> memref<128x128xf32, #tpu.memory_space<hbm>>
          tpu.enqueue_dma source(%arg11 : memref<128x128xf32, #tpu.memory_space<vmem>>) target(%dma_start3A_223 : memref<128x128xf32, #tpu.memory_space<hbm>>) target_semaphore(%run_scoped3A : memref<!tpu.dma_semaphore, #tpu.memory_space<semaphore_mem>>)
          %dma_wait3A = arith.constant 0 : i32
          %dma_wait3A_224 = tpu.memref_slice %arg6[%add3A_220, %dma_wait3A] : memref<160000x128xf32, #tpu.memory_space<hbm>> -> memref<128x128xf32, #tpu.memory_space<hbm>>
          %dma_wait3A_225 = arith.constant 0 : i32
          %dma_wait3A_226 = tpu.memref_slice %arg6[%add3A_220, %dma_wait3A_225] : memref<160000x128xf32, #tpu.memory_space<hbm>> -> memref<128x128xf32, #tpu.memory_space<hbm>>
          tpu.wait_dma2 semaphore(%run_scoped3A : memref<!tpu.dma_semaphore, #tpu.memory_space<semaphore_mem>>) src(%arg11 : memref<128x128xf32, #tpu.memory_space<vmem>>) dst(%dma_wait3A_226 : memref<128x128xf32, #tpu.memory_space<hbm>>)
          tpu.yield
        }) : () -> ()
      } else {
      }
      %add3A_197 = arith.constant 16 : i32
      %add3A_198 = arith.addi %add3A_197, %arg1 : i32
      %lt3A_199 = arith.cmpi slt, %add3A_198, %select_n3A : i32
      %convert_element_type3A_200 = arith.extui %lt3A_199 : i1 to i32
      %cond3A_201 = arith.constant 0 : i32
      %cond3A_202 = arith.cmpi ne, %convert_element_type3A_200, %cond3A_201 : i32
      scf.if %cond3A_202 {
        %mul3A_216 = arith.constant 128 : i32
        %mul3A_217 = arith.muli %add3A_198, %mul3A_216 : i32
        "tpu.region"() ({
          %run_scoped3A = tpu.sem_alloc : memref<!tpu.dma_semaphore, #tpu.memory_space<semaphore_mem>>
          %dma_start3A = arith.constant 0 : i32
          %dma_start3A_221 = tpu.memref_slice %arg18[%mul3A_217, %dma_start3A] : memref<8200x128xf32, #tpu.memory_space<vmem_shared>> -> memref<128x128xf32, #tpu.memory_space<vmem_shared>>
          %dma_start3A_222 = arith.constant 0 : i32
          %dma_start3A_223 = tpu.memref_slice %arg18[%mul3A_217, %dma_start3A_222] : memref<8200x128xf32, #tpu.memory_space<vmem_shared>> -> memref<128x128xf32, #tpu.memory_space<vmem_shared>>
          tpu.enqueue_dma source(%dma_start3A_223 : memref<128x128xf32, #tpu.memory_space<vmem_shared>>) target(%arg11 : memref<128x128xf32, #tpu.memory_space<vmem>>) target_semaphore(%run_scoped3A : memref<!tpu.dma_semaphore, #tpu.memory_space<semaphore_mem>>)
          %dma_wait3A = arith.constant 0 : i32
          %dma_wait3A_224 = tpu.memref_slice %arg18[%mul3A_217, %dma_wait3A] : memref<8200x128xf32, #tpu.memory_space<vmem_shared>> -> memref<128x128xf32, #tpu.memory_space<vmem_shared>>
          %dma_wait3A_225 = arith.constant 0 : i32
          %dma_wait3A_226 = tpu.memref_slice %arg18[%mul3A_217, %dma_wait3A_225] : memref<8200x128xf32, #tpu.memory_space<vmem_shared>> -> memref<128x128xf32, #tpu.memory_space<vmem_shared>>
          tpu.wait_dma2 semaphore(%run_scoped3A : memref<!tpu.dma_semaphore, #tpu.memory_space<semaphore_mem>>) src(%dma_wait3A_226 : memref<128x128xf32, #tpu.memory_space<vmem_shared>>) dst(%arg11 : memref<128x128xf32, #tpu.memory_space<vmem>>)
          tpu.yield
        }) : () -> ()
        %mul3A_218 = arith.constant 128 : i32
        %mul3A_219 = arith.muli %add3A_198, %mul3A_218 : i32
        %add3A_220 = arith.addi %mul3A_10, %mul3A_219 : i32
        "tpu.region"() ({
          %run_scoped3A = tpu.sem_alloc : memref<!tpu.dma_semaphore, #tpu.memory_space<semaphore_mem>>
          %dma_start3A = arith.constant 0 : i32
          %dma_start3A_221 = tpu.memref_slice %arg6[%add3A_220, %dma_start3A] : memref<160000x128xf32, #tpu.memory_space<hbm>> -> memref<128x128xf32, #tpu.memory_space<hbm>>
          %dma_start3A_222 = arith.constant 0 : i32
          %dma_start3A_223 = tpu.memref_slice %arg6[%add3A_220, %dma_start3A_222] : memref<160000x128xf32, #tpu.memory_space<hbm>> -> memref<128x128xf32, #tpu.memory_space<hbm>>
          tpu.enqueue_dma source(%arg11 : memref<128x128xf32, #tpu.memory_space<vmem>>) target(%dma_start3A_223 : memref<128x128xf32, #tpu.memory_space<hbm>>) target_semaphore(%run_scoped3A : memref<!tpu.dma_semaphore, #tpu.memory_space<semaphore_mem>>)
          %dma_wait3A = arith.constant 0 : i32
          %dma_wait3A_224 = tpu.memref_slice %arg6[%add3A_220, %dma_wait3A] : memref<160000x128xf32, #tpu.memory_space<hbm>> -> memref<128x128xf32, #tpu.memory_space<hbm>>
          %dma_wait3A_225 = arith.constant 0 : i32
          %dma_wait3A_226 = tpu.memref_slice %arg6[%add3A_220, %dma_wait3A_225] : memref<160000x128xf32, #tpu.memory_space<hbm>> -> memref<128x128xf32, #tpu.memory_space<hbm>>
          tpu.wait_dma2 semaphore(%run_scoped3A : memref<!tpu.dma_semaphore, #tpu.memory_space<semaphore_mem>>) src(%arg11 : memref<128x128xf32, #tpu.memory_space<vmem>>) dst(%dma_wait3A_226 : memref<128x128xf32, #tpu.memory_space<hbm>>)
          tpu.yield
        }) : () -> ()
      } else {
      }
      %add3A_203 = arith.constant 32 : i32
      %add3A_204 = arith.addi %add3A_203, %arg1 : i32
      %lt3A_205 = arith.cmpi slt, %add3A_204, %select_n3A : i32
      %convert_element_type3A_206 = arith.extui %lt3A_205 : i1 to i32
      %cond3A_207 = arith.constant 0 : i32
      %cond3A_208 = arith.cmpi ne, %convert_element_type3A_206, %cond3A_207 : i32
      scf.if %cond3A_208 {
        %mul3A_216 = arith.constant 128 : i32
        %mul3A_217 = arith.muli %add3A_204, %mul3A_216 : i32
        "tpu.region"() ({
          %run_scoped3A = tpu.sem_alloc : memref<!tpu.dma_semaphore, #tpu.memory_space<semaphore_mem>>
          %dma_start3A = arith.constant 0 : i32
          %dma_start3A_221 = tpu.memref_slice %arg18[%mul3A_217, %dma_start3A] : memref<8200x128xf32, #tpu.memory_space<vmem_shared>> -> memref<128x128xf32, #tpu.memory_space<vmem_shared>>
          %dma_start3A_222 = arith.constant 0 : i32
          %dma_start3A_223 = tpu.memref_slice %arg18[%mul3A_217, %dma_start3A_222] : memref<8200x128xf32, #tpu.memory_space<vmem_shared>> -> memref<128x128xf32, #tpu.memory_space<vmem_shared>>
          tpu.enqueue_dma source(%dma_start3A_223 : memref<128x128xf32, #tpu.memory_space<vmem_shared>>) target(%arg11 : memref<128x128xf32, #tpu.memory_space<vmem>>) target_semaphore(%run_scoped3A : memref<!tpu.dma_semaphore, #tpu.memory_space<semaphore_mem>>)
          %dma_wait3A = arith.constant 0 : i32
          %dma_wait3A_224 = tpu.memref_slice %arg18[%mul3A_217, %dma_wait3A] : memref<8200x128xf32, #tpu.memory_space<vmem_shared>> -> memref<128x128xf32, #tpu.memory_space<vmem_shared>>
          %dma_wait3A_225 = arith.constant 0 : i32
          %dma_wait3A_226 = tpu.memref_slice %arg18[%mul3A_217, %dma_wait3A_225] : memref<8200x128xf32, #tpu.memory_space<vmem_shared>> -> memref<128x128xf32, #tpu.memory_space<vmem_shared>>
          tpu.wait_dma2 semaphore(%run_scoped3A : memref<!tpu.dma_semaphore, #tpu.memory_space<semaphore_mem>>) src(%dma_wait3A_226 : memref<128x128xf32, #tpu.memory_space<vmem_shared>>) dst(%arg11 : memref<128x128xf32, #tpu.memory_space<vmem>>)
          tpu.yield
        }) : () -> ()
        %mul3A_218 = arith.constant 128 : i32
        %mul3A_219 = arith.muli %add3A_204, %mul3A_218 : i32
        %add3A_220 = arith.addi %mul3A_10, %mul3A_219 : i32
        "tpu.region"() ({
          %run_scoped3A = tpu.sem_alloc : memref<!tpu.dma_semaphore, #tpu.memory_space<semaphore_mem>>
          %dma_start3A = arith.constant 0 : i32
          %dma_start3A_221 = tpu.memref_slice %arg6[%add3A_220, %dma_start3A] : memref<160000x128xf32, #tpu.memory_space<hbm>> -> memref<128x128xf32, #tpu.memory_space<hbm>>
          %dma_start3A_222 = arith.constant 0 : i32
          %dma_start3A_223 = tpu.memref_slice %arg6[%add3A_220, %dma_start3A_222] : memref<160000x128xf32, #tpu.memory_space<hbm>> -> memref<128x128xf32, #tpu.memory_space<hbm>>
          tpu.enqueue_dma source(%arg11 : memref<128x128xf32, #tpu.memory_space<vmem>>) target(%dma_start3A_223 : memref<128x128xf32, #tpu.memory_space<hbm>>) target_semaphore(%run_scoped3A : memref<!tpu.dma_semaphore, #tpu.memory_space<semaphore_mem>>)
          %dma_wait3A = arith.constant 0 : i32
          %dma_wait3A_224 = tpu.memref_slice %arg6[%add3A_220, %dma_wait3A] : memref<160000x128xf32, #tpu.memory_space<hbm>> -> memref<128x128xf32, #tpu.memory_space<hbm>>
          %dma_wait3A_225 = arith.constant 0 : i32
          %dma_wait3A_226 = tpu.memref_slice %arg6[%add3A_220, %dma_wait3A_225] : memref<160000x128xf32, #tpu.memory_space<hbm>> -> memref<128x128xf32, #tpu.memory_space<hbm>>
          tpu.wait_dma2 semaphore(%run_scoped3A : memref<!tpu.dma_semaphore, #tpu.memory_space<semaphore_mem>>) src(%arg11 : memref<128x128xf32, #tpu.memory_space<vmem>>) dst(%dma_wait3A_226 : memref<128x128xf32, #tpu.memory_space<hbm>>)
          tpu.yield
        }) : () -> ()
      } else {
      }
      %add3A_209 = arith.constant 48 : i32
      %add3A_210 = arith.addi %add3A_209, %arg1 : i32
      %lt3A_211 = arith.cmpi slt, %add3A_210, %select_n3A : i32
      %convert_element_type3A_212 = arith.extui %lt3A_211 : i1 to i32
      %cond3A_213 = arith.constant 0 : i32
      %cond3A_214 = arith.cmpi ne, %convert_element_type3A_212, %cond3A_213 : i32
      scf.if %cond3A_214 {
        %mul3A_216 = arith.constant 128 : i32
        %mul3A_217 = arith.muli %add3A_210, %mul3A_216 : i32
        "tpu.region"() ({
          %run_scoped3A = tpu.sem_alloc : memref<!tpu.dma_semaphore, #tpu.memory_space<semaphore_mem>>
          %dma_start3A = arith.constant 0 : i32
          %dma_start3A_221 = tpu.memref_slice %arg18[%mul3A_217, %dma_start3A] : memref<8200x128xf32, #tpu.memory_space<vmem_shared>> -> memref<128x128xf32, #tpu.memory_space<vmem_shared>>
          %dma_start3A_222 = arith.constant 0 : i32
          %dma_start3A_223 = tpu.memref_slice %arg18[%mul3A_217, %dma_start3A_222] : memref<8200x128xf32, #tpu.memory_space<vmem_shared>> -> memref<128x128xf32, #tpu.memory_space<vmem_shared>>
          tpu.enqueue_dma source(%dma_start3A_223 : memref<128x128xf32, #tpu.memory_space<vmem_shared>>) target(%arg11 : memref<128x128xf32, #tpu.memory_space<vmem>>) target_semaphore(%run_scoped3A : memref<!tpu.dma_semaphore, #tpu.memory_space<semaphore_mem>>)
          %dma_wait3A = arith.constant 0 : i32
          %dma_wait3A_224 = tpu.memref_slice %arg18[%mul3A_217, %dma_wait3A] : memref<8200x128xf32, #tpu.memory_space<vmem_shared>> -> memref<128x128xf32, #tpu.memory_space<vmem_shared>>
          %dma_wait3A_225 = arith.constant 0 : i32
          %dma_wait3A_226 = tpu.memref_slice %arg18[%mul3A_217, %dma_wait3A_225] : memref<8200x128xf32, #tpu.memory_space<vmem_shared>> -> memref<128x128xf32, #tpu.memory_space<vmem_shared>>
          tpu.wait_dma2 semaphore(%run_scoped3A : memref<!tpu.dma_semaphore, #tpu.memory_space<semaphore_mem>>) src(%dma_wait3A_226 : memref<128x128xf32, #tpu.memory_space<vmem_shared>>) dst(%arg11 : memref<128x128xf32, #tpu.memory_space<vmem>>)
          tpu.yield
        }) : () -> ()
        %mul3A_218 = arith.constant 128 : i32
        %mul3A_219 = arith.muli %add3A_210, %mul3A_218 : i32
        %add3A_220 = arith.addi %mul3A_10, %mul3A_219 : i32
        "tpu.region"() ({
          %run_scoped3A = tpu.sem_alloc : memref<!tpu.dma_semaphore, #tpu.memory_space<semaphore_mem>>
          %dma_start3A = arith.constant 0 : i32
          %dma_start3A_221 = tpu.memref_slice %arg6[%add3A_220, %dma_start3A] : memref<160000x128xf32, #tpu.memory_space<hbm>> -> memref<128x128xf32, #tpu.memory_space<hbm>>
          %dma_start3A_222 = arith.constant 0 : i32
          %dma_start3A_223 = tpu.memref_slice %arg6[%add3A_220, %dma_start3A_222] : memref<160000x128xf32, #tpu.memory_space<hbm>> -> memref<128x128xf32, #tpu.memory_space<hbm>>
          tpu.enqueue_dma source(%arg11 : memref<128x128xf32, #tpu.memory_space<vmem>>) target(%dma_start3A_223 : memref<128x128xf32, #tpu.memory_space<hbm>>) target_semaphore(%run_scoped3A : memref<!tpu.dma_semaphore, #tpu.memory_space<semaphore_mem>>)
          %dma_wait3A = arith.constant 0 : i32
          %dma_wait3A_224 = tpu.memref_slice %arg6[%add3A_220, %dma_wait3A] : memref<160000x128xf32, #tpu.memory_space<hbm>> -> memref<128x128xf32, #tpu.memory_space<hbm>>
          %dma_wait3A_225 = arith.constant 0 : i32
          %dma_wait3A_226 = tpu.memref_slice %arg6[%add3A_220, %dma_wait3A_225] : memref<160000x128xf32, #tpu.memory_space<hbm>> -> memref<128x128xf32, #tpu.memory_space<hbm>>
          tpu.wait_dma2 semaphore(%run_scoped3A : memref<!tpu.dma_semaphore, #tpu.memory_space<semaphore_mem>>) src(%arg11 : memref<128x128xf32, #tpu.memory_space<vmem>>) dst(%dma_wait3A_226 : memref<128x128xf32, #tpu.memory_space<hbm>>)
          tpu.yield
        }) : () -> ()
      } else {
      }
      %scan3A_215 = arith.constant 0 : i32
      scf.yield %scan3A_215 : i32
    }
    %scan3A_5 = arith.constant 10 : i32
    return
  }
}

module attributes {stable_mosaic.version = 14 : i64} {
  func.func @_dense_e_body(%arg0: i32, %arg1: memref<3200x128xf32, #tpu.memory_space<vmem>>, %arg2: memref<3200x6xf32, #tpu.memory_space<vmem>>, %arg3: memref<128x128xf32, #tpu.memory_space<vmem>>, %arg4: memref<1x128xf32, #tpu.memory_space<vmem>>, %arg5: memref<128x128xf32, #tpu.memory_space<vmem>>, %arg6: memref<1x128xf32, #tpu.memory_space<vmem>>, %arg7: memref<6x128xf32, #tpu.memory_space<vmem>>, %arg8: memref<3200x128xf32, #tpu.memory_space<vmem>>, %arg9: memref<3200x128xf32, #tpu.memory_space<vmem>>) attributes {dimension_semantics = [#tpu.dimension_semantics<arbitrary>], iteration_bounds = array<i64: 50>, scalar_prefetch = 0 : i64, scratch_operands = 0 : i64, tpu.core_type = #tpu.core_type<tc>, window_params = [{transform_indices = @transform_0, window_bounds = array<i64: 3200, 128>}, {transform_indices = @transform_1, window_bounds = array<i64: 3200, 6>}, {pipeline_mode = #tpu.pipeline_mode<synchronous>, transform_indices = @transform_2, window_bounds = array<i64: 128, 128>}, {pipeline_mode = #tpu.pipeline_mode<synchronous>, transform_indices = @transform_3, window_bounds = array<i64: 1, 128>}, {pipeline_mode = #tpu.pipeline_mode<synchronous>, transform_indices = @transform_4, window_bounds = array<i64: 128, 128>}, {pipeline_mode = #tpu.pipeline_mode<synchronous>, transform_indices = @transform_5, window_bounds = array<i64: 1, 128>}, {pipeline_mode = #tpu.pipeline_mode<synchronous>, transform_indices = @transform_6, window_bounds = array<i64: 6, 128>}, {transform_indices = @transform_7, window_bounds = array<i64: 3200, 128>}, {transform_indices = @transform_8, window_bounds = array<i64: 3200, 128>}]} {
    %get3A = arith.constant 0 : index
    %get3A_0 = arith.constant 0 : index
    %get3A_1 = vector.load %arg1[%get3A, %get3A_0] : memref<3200x128xf32, #tpu.memory_space<vmem>>, vector<3200x128xf32>
    %convert_element_type3A = arith.truncf %get3A_1 : vector<3200x128xf32> to vector<3200x128xbf16>
    %get3A_2 = arith.constant 0 : index
    %get3A_3 = arith.constant 0 : index
    %get3A_4 = vector.load %arg3[%get3A_2, %get3A_3] : memref<128x128xf32, #tpu.memory_space<vmem>>, vector<128x128xf32>
    %convert_element_type3A_5 = arith.truncf %get3A_4 : vector<128x128xf32> to vector<128x128xbf16>
    %dot_general3A = arith.constant dense<0.000000e+00> : vector<3200x128xf32>
    %dot_general3A_6 = tpu.matmul %convert_element_type3A, %convert_element_type3A_5, %dot_general3A {dimension_numbers = #tpu.dot_dimension_numbers<[1], [0], [0], [1], [0, 0, 1, 1], [], []>, transpose_lhs_hint = false} : vector<3200x128xbf16>, vector<128x128xbf16>, vector<3200x128xf32> -> vector<3200x128xf32>
    %get3A_7 = arith.constant 0 : index
    %get3A_8 = arith.constant 0 : index
    %get3A_9 = vector.load %arg4[%get3A_7, %get3A_8] : memref<1x128xf32, #tpu.memory_space<vmem>>, vector<1x128xf32>
    %add3A = vector.broadcast %get3A_9 : vector<1x128xf32> to vector<3200x128xf32>
    %add3A_10 = arith.addf %dot_general3A_6, %add3A : vector<3200x128xf32>
    %neg3A = arith.constant 0.000000e+00 : f32
    %neg3A_11 = vector.broadcast %neg3A : f32 to vector<3200x128xf32>
    %neg3A_12 = arith.subf %neg3A_11, %add3A_10 : vector<3200x128xf32>
    %exp3A = math.exp %neg3A_12 : vector<3200x128xf32>
    %add3A_13 = arith.constant 1.000000e+00 : f32
    %add3A_14 = vector.broadcast %add3A_13 : f32 to vector<3200x128xf32>
    %add3A_15 = arith.addf %add3A_14, %exp3A : vector<3200x128xf32>
    %div3A = arith.constant 1.000000e+00 : f32
    %div3A_16 = vector.broadcast %div3A : f32 to vector<3200x128xf32>
    %div3A_17 = arith.divf %div3A_16, %add3A_15 : vector<3200x128xf32>
    %mul3A = arith.mulf %add3A_10, %div3A_17 : vector<3200x128xf32>
    %swap3A = arith.constant 0 : index
    %swap3A_18 = arith.constant 0 : index
    %swap3A_19 = vector.load %arg8[%swap3A, %swap3A_18] : memref<3200x128xf32, #tpu.memory_space<vmem>>, vector<3200x128xf32>
    tpu.vector_store %arg8[%swap3A, %swap3A_18], %mul3A {strides = array<i32>} : memref<3200x128xf32, #tpu.memory_space<vmem>>, vector<3200x128xf32>,
    %get3A_20 = arith.constant 0 : index
    %get3A_21 = arith.constant 0 : index
    %get3A_22 = vector.load %arg2[%get3A_20, %get3A_21] : memref<3200x6xf32, #tpu.memory_space<vmem>>, vector<3200x6xf32>
    %get3A_23 = arith.constant 0 : index
    %get3A_24 = arith.constant 0 : index
    %get3A_25 = vector.load %arg7[%get3A_23, %get3A_24] : memref<6x128xf32, #tpu.memory_space<vmem>>, vector<6x128xf32>
    %dot_general3A_26 = arith.constant dense<0.000000e+00> : vector<3200x128xf32>
    %dot_general3A_27 = tpu.matmul %get3A_22, %get3A_25, %dot_general3A_26 {dimension_numbers = #tpu.dot_dimension_numbers<[1], [0], [0], [1], [0, 0, 1, 1], [], []>, transpose_lhs_hint = false} : vector<3200x6xf32>, vector<6x128xf32>, vector<3200x128xf32> -> vector<3200x128xf32>
    %get3A_28 = arith.constant 0 : index
    %get3A_29 = arith.constant 0 : index
    %get3A_30 = vector.load %arg5[%get3A_28, %get3A_29] : memref<128x128xf32, #tpu.memory_space<vmem>>, vector<128x128xf32>
    %convert_element_type3A_31 = arith.truncf %get3A_30 : vector<128x128xf32> to vector<128x128xbf16>
    %dot_general3A_32 = arith.constant dense<0.000000e+00> : vector<3200x128xf32>
    %dot_general3A_33 = tpu.matmul %convert_element_type3A, %convert_element_type3A_31, %dot_general3A_32 {dimension_numbers = #tpu.dot_dimension_numbers<[1], [0], [0], [1], [0, 0, 1, 1], [], []>, transpose_lhs_hint = false} : vector<3200x128xbf16>, vector<128x128xbf16>, vector<3200x128xf32> -> vector<3200x128xf32>
    %get3A_34 = arith.constant 0 : index
    %get3A_35 = arith.constant 0 : index
    %get3A_36 = vector.load %arg6[%get3A_34, %get3A_35] : memref<1x128xf32, #tpu.memory_space<vmem>>, vector<1x128xf32>
    %add3A_37 = vector.broadcast %get3A_36 : vector<1x128xf32> to vector<3200x128xf32>
    %add3A_38 = arith.addf %dot_general3A_33, %add3A_37 : vector<3200x128xf32>
    %neg3A_39 = arith.constant 0.000000e+00 : f32
    %neg3A_40 = vector.broadcast %neg3A_39 : f32 to vector<3200x128xf32>
    %neg3A_41 = arith.subf %neg3A_40, %add3A_38 : vector<3200x128xf32>
    %exp3A_42 = math.exp %neg3A_41 : vector<3200x128xf32>
    %add3A_43 = arith.constant 1.000000e+00 : f32
    %add3A_44 = vector.broadcast %add3A_43 : f32 to vector<3200x128xf32>
    %add3A_45 = arith.addf %add3A_44, %exp3A_42 : vector<3200x128xf32>
    %div3A_46 = arith.constant 1.000000e+00 : f32
    %div3A_47 = vector.broadcast %div3A_46 : f32 to vector<3200x128xf32>
    %div3A_48 = arith.divf %div3A_47, %add3A_45 : vector<3200x128xf32>
    %mul3A_49 = arith.mulf %add3A_38, %div3A_48 : vector<3200x128xf32>
    %mul3A_50 = arith.mulf %mul3A_49, %dot_general3A_27 : vector<3200x128xf32>
    %swap3A_51 = arith.constant 0 : index
    %swap3A_52 = arith.constant 0 : index
    %swap3A_53 = vector.load %arg9[%swap3A_51, %swap3A_52] : memref<3200x128xf32, #tpu.memory_space<vmem>>, vector<3200x128xf32>
    tpu.vector_store %arg9[%swap3A_51, %swap3A_52], %mul3A_50 {strides = array<i32>} : memref<3200x128xf32, #tpu.memory_space<vmem>>, vector<3200x128xf32>,
    return
  }
  func.func @transform_0(%arg0: i32) -> (i32, i32) {
    %c0_i32 = arith.constant 0 : i32
    %c0_i32_0 = arith.constant 0 : i32
    return %arg0, %c0_i32 : i32, i32
  }
  func.func @transform_1(%arg0: i32) -> (i32, i32) {
    %c0_i32 = arith.constant 0 : i32
    %c0_i32_0 = arith.constant 0 : i32
    return %arg0, %c0_i32 : i32, i32
  }
  func.func @transform_2(%arg0: i32) -> (i32, i32) {
    %c0_i32 = arith.constant 0 : i32
    %c0_i32_0 = arith.constant 0 : i32
    %c0_i32_1 = arith.constant 0 : i32
    return %c0_i32, %c0_i32_0 : i32, i32
  }
  func.func @transform_3(%arg0: i32) -> (i32, i32) {
    %c0_i32 = arith.constant 0 : i32
    %c0_i32_0 = arith.constant 0 : i32
    %c0_i32_1 = arith.constant 0 : i32
    return %c0_i32, %c0_i32_0 : i32, i32
  }
  func.func @transform_4(%arg0: i32) -> (i32, i32) {
    %c0_i32 = arith.constant 0 : i32
    %c0_i32_0 = arith.constant 0 : i32
    %c0_i32_1 = arith.constant 0 : i32
    return %c0_i32, %c0_i32_0 : i32, i32
  }
  func.func @transform_5(%arg0: i32) -> (i32, i32) {
    %c0_i32 = arith.constant 0 : i32
    %c0_i32_0 = arith.constant 0 : i32
    %c0_i32_1 = arith.constant 0 : i32
    return %c0_i32, %c0_i32_0 : i32, i32
  }
  func.func @transform_6(%arg0: i32) -> (i32, i32) {
    %c0_i32 = arith.constant 0 : i32
    %c0_i32_0 = arith.constant 0 : i32
    %c0_i32_1 = arith.constant 0 : i32
    return %c0_i32, %c0_i32_0 : i32, i32
  }
  func.func @transform_7(%arg0: i32) -> (i32, i32) {
    %c0_i32 = arith.constant 0 : i32
    %c0_i32_0 = arith.constant 0 : i32
    return %arg0, %c0_i32 : i32, i32
  }
  func.func @transform_8(%arg0: i32) -> (i32, i32) {
    %c0_i32 = arith.constant 0 : i32
    %c0_i32_0 = arith.constant 0 : i32
    return %arg0, %c0_i32 : i32, i32
  }
}

module attributes {stable_mosaic.version = 14 : i64} {
  func.func @_trip_body(%arg0: i32, %arg1: memref<5120x42xf32, #tpu.memory_space<vmem>>, %arg2: memref<5120x128xf32, #tpu.memory_space<vmem>>, %arg3: memref<42x4xf32, #tpu.memory_space<vmem>>, %arg4: memref<4x128x128xbf16, #tpu.memory_space<vmem>>, %arg5: memref<5120x128xf32, #tpu.memory_space<vmem>>) attributes {dimension_semantics = [#tpu.dimension_semantics<arbitrary>], iteration_bounds = array<i64: 125>, scalar_prefetch = 0 : i64, scratch_operands = 0 : i64, tpu.core_type = #tpu.core_type<tc>, window_params = [{transform_indices = @transform_0, window_bounds = array<i64: 5120, 42>}, {transform_indices = @transform_1, window_bounds = array<i64: 5120, 128>}, {pipeline_mode = #tpu.pipeline_mode<synchronous>, transform_indices = @transform_2, window_bounds = array<i64: 42, 4>}, {pipeline_mode = #tpu.pipeline_mode<synchronous>, transform_indices = @transform_3, window_bounds = array<i64: 4, 128, 128>}, {transform_indices = @transform_4, window_bounds = array<i64: 5120, 128>}]} {
    %get3A = arith.constant 0 : index
    %get3A_0 = arith.constant 0 : index
    %get3A_1 = vector.load %arg1[%get3A, %get3A_0] : memref<5120x42xf32, #tpu.memory_space<vmem>>, vector<5120x42xf32>
    %get3A_2 = arith.constant 0 : index
    %get3A_3 = arith.constant 0 : index
    %get3A_4 = vector.load %arg3[%get3A_2, %get3A_3] : memref<42x4xf32, #tpu.memory_space<vmem>>, vector<42x4xf32>
    %dot_general3A = arith.constant dense<0.000000e+00> : vector<5120x4xf32>
    %dot_general3A_5 = tpu.matmul %get3A_1, %get3A_4, %dot_general3A {dimension_numbers = #tpu.dot_dimension_numbers<[1], [0], [0], [1], [0, 0, 1, 1], [], []>, transpose_lhs_hint = false} : vector<5120x42xf32>, vector<42x4xf32>, vector<5120x4xf32> -> vector<5120x4xf32>
    %get3A_6 = arith.constant 0 : index
    %get3A_7 = arith.constant 0 : index
    %get3A_8 = vector.load %arg2[%get3A_6, %get3A_7] : memref<5120x128xf32, #tpu.memory_space<vmem>>, vector<5120x128xf32>
    %convert_element_type3A = arith.truncf %get3A_8 : vector<5120x128xf32> to vector<5120x128xbf16>
    %broadcast_in_dim3A = arith.constant 0.000000e+00 : f32
    %broadcast_in_dim3A_9 = vector.broadcast %broadcast_in_dim3A : f32 to vector<5120x128xf32>
    %get3A_10 = arith.constant 0 : index
    %get3A_11 = arith.constant 0 : index
    %get3A_12 = arith.constant 0 : index
    %get3A_13 = vector.load %arg4[%get3A_10, %get3A_11, %get3A_12] : memref<4x128x128xbf16, #tpu.memory_space<vmem>>, vector<1x128x128xbf16>
    %get3A_14 = vector.shape_cast %get3A_13 : vector<1x128x128xbf16> to vector<128x128xbf16>
    %dot_general3A_15 = arith.constant dense<0.000000e+00> : vector<5120x128xf32>
    %dot_general3A_16 = tpu.matmul %convert_element_type3A, %get3A_14, %dot_general3A_15 {dimension_numbers = #tpu.dot_dimension_numbers<[1], [0], [0], [1], [0, 0, 1, 1], [], []>, transpose_lhs_hint = false} : vector<5120x128xbf16>, vector<128x128xbf16>, vector<5120x128xf32> -> vector<5120x128xf32>
    %slice3A = vector.extract_strided_slice %dot_general3A_5 {offsets = [0, 0], sizes = [5120, 1], strides = [1, 1]} : vector<5120x4xf32> to vector<5120x1xf32>
    %mul3A = vector.broadcast %slice3A : vector<5120x1xf32> to vector<5120x128xf32>
    %mul3A_17 = arith.mulf %dot_general3A_16, %mul3A : vector<5120x128xf32>
    %add3A = arith.addf %broadcast_in_dim3A_9, %mul3A_17 : vector<5120x128xf32>
    %get3A_18 = arith.constant 1 : index
    %get3A_19 = arith.constant 0 : index
    %get3A_20 = arith.constant 0 : index
    %get3A_21 = vector.load %arg4[%get3A_18, %get3A_19, %get3A_20] : memref<4x128x128xbf16, #tpu.memory_space<vmem>>, vector<1x128x128xbf16>
    %get3A_22 = vector.shape_cast %get3A_21 : vector<1x128x128xbf16> to vector<128x128xbf16>
    %dot_general3A_23 = arith.constant dense<0.000000e+00> : vector<5120x128xf32>
    %dot_general3A_24 = tpu.matmul %convert_element_type3A, %get3A_22, %dot_general3A_23 {dimension_numbers = #tpu.dot_dimension_numbers<[1], [0], [0], [1], [0, 0, 1, 1], [], []>, transpose_lhs_hint = false} : vector<5120x128xbf16>, vector<128x128xbf16>, vector<5120x128xf32> -> vector<5120x128xf32>
    %slice3A_25 = vector.extract_strided_slice %dot_general3A_5 {offsets = [0, 1], sizes = [5120, 1], strides = [1, 1]} : vector<5120x4xf32> to vector<5120x1xf32>
    %mul3A_26 = vector.broadcast %slice3A_25 : vector<5120x1xf32> to vector<5120x128xf32>
    %mul3A_27 = arith.mulf %dot_general3A_24, %mul3A_26 : vector<5120x128xf32>
    %add3A_28 = arith.addf %add3A, %mul3A_27 : vector<5120x128xf32>
    %get3A_29 = arith.constant 2 : index
    %get3A_30 = arith.constant 0 : index
    %get3A_31 = arith.constant 0 : index
    %get3A_32 = vector.load %arg4[%get3A_29, %get3A_30, %get3A_31] : memref<4x128x128xbf16, #tpu.memory_space<vmem>>, vector<1x128x128xbf16>
    %get3A_33 = vector.shape_cast %get3A_32 : vector<1x128x128xbf16> to vector<128x128xbf16>
    %dot_general3A_34 = arith.constant dense<0.000000e+00> : vector<5120x128xf32>
    %dot_general3A_35 = tpu.matmul %convert_element_type3A, %get3A_33, %dot_general3A_34 {dimension_numbers = #tpu.dot_dimension_numbers<[1], [0], [0], [1], [0, 0, 1, 1], [], []>, transpose_lhs_hint = false} : vector<5120x128xbf16>, vector<128x128xbf16>, vector<5120x128xf32> -> vector<5120x128xf32>
    %slice3A_36 = vector.extract_strided_slice %dot_general3A_5 {offsets = [0, 2], sizes = [5120, 1], strides = [1, 1]} : vector<5120x4xf32> to vector<5120x1xf32>
    %mul3A_37 = vector.broadcast %slice3A_36 : vector<5120x1xf32> to vector<5120x128xf32>
    %mul3A_38 = arith.mulf %dot_general3A_35, %mul3A_37 : vector<5120x128xf32>
    %add3A_39 = arith.addf %add3A_28, %mul3A_38 : vector<5120x128xf32>
    %get3A_40 = arith.constant 3 : index
    %get3A_41 = arith.constant 0 : index
    %get3A_42 = arith.constant 0 : index
    %get3A_43 = vector.load %arg4[%get3A_40, %get3A_41, %get3A_42] : memref<4x128x128xbf16, #tpu.memory_space<vmem>>, vector<1x128x128xbf16>
    %get3A_44 = vector.shape_cast %get3A_43 : vector<1x128x128xbf16> to vector<128x128xbf16>
    %dot_general3A_45 = arith.constant dense<0.000000e+00> : vector<5120x128xf32>
    %dot_general3A_46 = tpu.matmul %convert_element_type3A, %get3A_44, %dot_general3A_45 {dimension_numbers = #tpu.dot_dimension_numbers<[1], [0], [0], [1], [0, 0, 1, 1], [], []>, transpose_lhs_hint = false} : vector<5120x128xbf16>, vector<128x128xbf16>, vector<5120x128xf32> -> vector<5120x128xf32>
    %slice3A_47 = vector.extract_strided_slice %dot_general3A_5 {offsets = [0, 3], sizes = [5120, 1], strides = [1, 1]} : vector<5120x4xf32> to vector<5120x1xf32>
    %mul3A_48 = vector.broadcast %slice3A_47 : vector<5120x1xf32> to vector<5120x128xf32>
    %mul3A_49 = arith.mulf %dot_general3A_46, %mul3A_48 : vector<5120x128xf32>
    %add3A_50 = arith.addf %add3A_39, %mul3A_49 : vector<5120x128xf32>
    %swap3A = arith.constant 0 : index
    %swap3A_51 = arith.constant 0 : index
    %swap3A_52 = vector.load %arg5[%swap3A, %swap3A_51] : memref<5120x128xf32, #tpu.memory_space<vmem>>, vector<5120x128xf32>
    tpu.vector_store %arg5[%swap3A, %swap3A_51], %add3A_50 {strides = array<i32>} : memref<5120x128xf32, #tpu.memory_space<vmem>>, vector<5120x128xf32>,
    return
  }
  func.func @transform_0(%arg0: i32) -> (i32, i32) {
    %c0_i32 = arith.constant 0 : i32
    %c0_i32_0 = arith.constant 0 : i32
    return %arg0, %c0_i32 : i32, i32
  }
  func.func @transform_1(%arg0: i32) -> (i32, i32) {
    %c0_i32 = arith.constant 0 : i32
    %c0_i32_0 = arith.constant 0 : i32
    return %arg0, %c0_i32 : i32, i32
  }
  func.func @transform_2(%arg0: i32) -> (i32, i32) {
    %c0_i32 = arith.constant 0 : i32
    %c0_i32_0 = arith.constant 0 : i32
    %c0_i32_1 = arith.constant 0 : i32
    return %c0_i32, %c0_i32_0 : i32, i32
  }
  func.func @transform_3(%arg0: i32) -> (i32, i32, i32) {
    %c0_i32 = arith.constant 0 : i32
    %c0_i32_0 = arith.constant 0 : i32
    %c0_i32_1 = arith.constant 0 : i32
    %c0_i32_2 = arith.constant 0 : i32
    return %c0_i32, %c0_i32_0, %c0_i32_1 : i32, i32, i32
  }
  func.func @transform_4(%arg0: i32) -> (i32, i32) {
    %c0_i32 = arith.constant 0 : i32
    %c0_i32_0 = arith.constant 0 : i32
    return %arg0, %c0_i32 : i32, i32
  }
}

module attributes {stable_mosaic.version = 14 : i64} {
  func.func @_final_body(%arg0: i32, %arg1: memref<3200x128xf32, #tpu.memory_space<vmem>>, %arg2: memref<3200x128xf32, #tpu.memory_space<vmem>>, %arg3: memref<128x128xf32, #tpu.memory_space<vmem>>, %arg4: memref<1x128xf32, #tpu.memory_space<vmem>>, %arg5: memref<3200x128xf32, #tpu.memory_space<vmem>>) attributes {dimension_semantics = [#tpu.dimension_semantics<arbitrary>], iteration_bounds = array<i64: 50>, scalar_prefetch = 0 : i64, scratch_operands = 0 : i64, tpu.core_type = #tpu.core_type<tc>, window_params = [{transform_indices = @transform_0, window_bounds = array<i64: 3200, 128>}, {transform_indices = @transform_1, window_bounds = array<i64: 3200, 128>}, {pipeline_mode = #tpu.pipeline_mode<synchronous>, transform_indices = @transform_2, window_bounds = array<i64: 128, 128>}, {pipeline_mode = #tpu.pipeline_mode<synchronous>, transform_indices = @transform_3, window_bounds = array<i64: 1, 128>}, {transform_indices = @transform_4, window_bounds = array<i64: 3200, 128>}]} {
    %get3A = arith.constant 0 : index
    %get3A_0 = arith.constant 0 : index
    %get3A_1 = vector.load %arg1[%get3A, %get3A_0] : memref<3200x128xf32, #tpu.memory_space<vmem>>, vector<3200x128xf32>
    %get3A_2 = arith.constant 0 : index
    %get3A_3 = arith.constant 0 : index
    %get3A_4 = vector.load %arg2[%get3A_2, %get3A_3] : memref<3200x128xf32, #tpu.memory_space<vmem>>, vector<3200x128xf32>
    %add3A = arith.addf %get3A_1, %get3A_4 : vector<3200x128xf32>
    %convert_element_type3A = arith.truncf %add3A : vector<3200x128xf32> to vector<3200x128xbf16>
    %get3A_5 = arith.constant 0 : index
    %get3A_6 = arith.constant 0 : index
    %get3A_7 = vector.load %arg3[%get3A_5, %get3A_6] : memref<128x128xf32, #tpu.memory_space<vmem>>, vector<128x128xf32>
    %convert_element_type3A_8 = arith.truncf %get3A_7 : vector<128x128xf32> to vector<128x128xbf16>
    %dot_general3A = arith.constant dense<0.000000e+00> : vector<3200x128xf32>
    %dot_general3A_9 = tpu.matmul %convert_element_type3A, %convert_element_type3A_8, %dot_general3A {dimension_numbers = #tpu.dot_dimension_numbers<[1], [0], [0], [1], [0, 0, 1, 1], [], []>, transpose_lhs_hint = false} : vector<3200x128xbf16>, vector<128x128xbf16>, vector<3200x128xf32> -> vector<3200x128xf32>
    %get3A_10 = arith.constant 0 : index
    %get3A_11 = arith.constant 0 : index
    %get3A_12 = vector.load %arg4[%get3A_10, %get3A_11] : memref<1x128xf32, #tpu.memory_space<vmem>>, vector<1x128xf32>
    %add3A_13 = vector.broadcast %get3A_12 : vector<1x128xf32> to vector<3200x128xf32>
    %add3A_14 = arith.addf %dot_general3A_9, %add3A_13 : vector<3200x128xf32>
    %neg3A = arith.constant 0.000000e+00 : f32
    %neg3A_15 = vector.broadcast %neg3A : f32 to vector<3200x128xf32>
    %neg3A_16 = arith.subf %neg3A_15, %add3A_14 : vector<3200x128xf32>
    %exp3A = math.exp %neg3A_16 : vector<3200x128xf32>
    %add3A_17 = arith.constant 1.000000e+00 : f32
    %add3A_18 = vector.broadcast %add3A_17 : f32 to vector<3200x128xf32>
    %add3A_19 = arith.addf %add3A_18, %exp3A : vector<3200x128xf32>
    %div3A = arith.constant 1.000000e+00 : f32
    %div3A_20 = vector.broadcast %div3A : f32 to vector<3200x128xf32>
    %div3A_21 = arith.divf %div3A_20, %add3A_19 : vector<3200x128xf32>
    %mul3A = arith.mulf %add3A_14, %div3A_21 : vector<3200x128xf32>
    %swap3A = arith.constant 0 : index
    %swap3A_22 = arith.constant 0 : index
    %swap3A_23 = vector.load %arg5[%swap3A, %swap3A_22] : memref<3200x128xf32, #tpu.memory_space<vmem>>, vector<3200x128xf32>
    tpu.vector_store %arg5[%swap3A, %swap3A_22], %mul3A {strides = array<i32>} : memref<3200x128xf32, #tpu.memory_space<vmem>>, vector<3200x128xf32>,
    return
  }
  func.func @transform_0(%arg0: i32) -> (i32, i32) {
    %c0_i32 = arith.constant 0 : i32
    %c0_i32_0 = arith.constant 0 : i32
    return %arg0, %c0_i32 : i32, i32
  }
  func.func @transform_1(%arg0: i32) -> (i32, i32) {
    %c0_i32 = arith.constant 0 : i32
    %c0_i32_0 = arith.constant 0 : i32
    return %arg0, %c0_i32 : i32, i32
  }
  func.func @transform_2(%arg0: i32) -> (i32, i32) {
    %c0_i32 = arith.constant 0 : i32
    %c0_i32_0 = arith.constant 0 : i32
    %c0_i32_1 = arith.constant 0 : i32
    return %c0_i32, %c0_i32_0 : i32, i32
  }
  func.func @transform_3(%arg0: i32) -> (i32, i32) {
    %c0_i32 = arith.constant 0 : i32
    %c0_i32_0 = arith.constant 0 : i32
    %c0_i32_1 = arith.constant 0 : i32
    return %c0_i32, %c0_i32_0 : i32, i32
  }
  func.func @transform_4(%arg0: i32) -> (i32, i32) {
    %c0_i32 = arith.constant 0 : i32
    %c0_i32_0 = arith.constant 0 : i32
    return %arg0, %c0_i32 : i32, i32
  }
}

</mosaic_0001>

<sc_bundles>
// kernel: gather_offload_async_start.1
scs
__scs_entry_jumppad:
0x0: {  	(pc) =	sbr.rel $0x88, $3  }
0x1: {  	(tag) =	ssettag $0x0;
	lr =	simm.s32 $0x1  }
0x2: {  	[smem:$0x3F93] =	sst lr;
	_ =	strace $0xD0000000  }
0x3: {  	_ = 	snop  }
0x4: {  	_ = 	snop  }
0x5: {  	_ = 	snop  }
0x6: {  	_ = 	snop  }
0x7: {  	_ = 	snop  }
__scs_overlays_trampoline_lowered:
0x8: {  	[smem:$0x3FA2] =	sst s0  }
0x9: {  	[smem:$0x3FA3] =	sst s1  }
0xa: {  	[smem:$0x3FA4] =	sst s2  }
0xb: {  	[smem:$0x3FA5] =	sst s3  }
0xc: {  	[smem:$0x3FA6] =	sst s4  }
0xd: {  	[smem:$0x3FA7] =	sst s5  }
0xe: {  	[smem:$0x3FA8] =	sst s6  }
0xf: {  	[smem:$0x3FA9] =	sst s7  }
0x10: {  	[smem:$0x3FAA] =	sst s8  }
0x11: {  	[smem:$0x3FAB] =	sst s9;
	s0 =	simm.s32 @!p0 $0x0  }
0x12: {  	s1 =	sld [smem:$0x3F91];
	s0 =	simm.s32 @p0 $0x1  }
0x13: {  	[smem:$0x3FAC] =	sst s0;
	s0 =	simm.s32 @!p1 $0x0  }
0x14: {  	s2 =	sld [smem:$0x3F90];
	s0 =	simm.s32 @p1 $0x1  }
0x15: {  	[smem:$0x3FAD] =	sst s0;
	s0 =	simm.s32 @!p2 $0x0  }
0x16: {  	s3 =	sld [smem:$0x3FDB];
	s0 =	simm.s32 @p2 $0x1  }
0x17: {  	s4 =	simm.s32 $0x1BF5;
	[smem:$0x3FAF] =	sst s0  }
0x18: {  	s0 =	sld [smem:$0x3F92];
	_ =	swait.ge [sflag:s4], $0x0  }
0x19: {  	s7 =	sld [smem:$0x3F93]  }
0x1a: {  	s8 =	sadd.s32 $0xFFFFE003, lr  }
0x1b: {  	s9 =	sadd.s32 $0xFFFFFEF7, lr;
	s5 =	simm.s32 $0xFFFFFFFF;
	p2 =	slt.u32 s8, $0xFFFFF086  }
0x1c: {  	p1 =	slt.u32 s9, $0xF7A;
	s5 =	simm.s32 @!p2 $0x0  }
0x1d: {  	s5 =	simm.s32 @p1 $0x1;
	p0 =	seq.s32 s7, s2  }
0x1e: {  	s7 =	smul.u32 @!p0 $0xF7A, s2;
	p2 =	seq.s32 @!p0 s5, $0x0  }
0x1f: {  	s9 =	smul.u32 $0xF7A, s1;
	s8 =	simm.s32 @!p0 $0x1BF5;
	p2 =	por !p2, p0  }
0x20: {  	[sflag:s8] =	ssyncset.s32 @!p0 $0xFFFFF086;
	s6 =	sadd.s32 @!p0 s3, s7;
	s7 =	simm.s32 @!p0 $0x108  }
0x21: {  	s3 =	sadd.s32 s3, s9;
	s6 =	sadd.s32 @!p0 $0x88, s6;
	s7 =	simm.s32 @p2 $0x1082  }
0x22: {  	[simem:s7], [sflag:s8] =	dma.local @!p0 [hbm:s6], $0xF7A  }
0x23: {  	s9 =	sor.u32 $0xD0000000, s2;
	s6 =	simm.s32 $0x108;
	_ =	swait.ge @!p0 [sflag:s8], $0x0  }
0x24: {  	s3 =	sadd.s32 $0x88, s3;
	s6 =	simm.s32 @!p1 $0x1082;
	[sflag:s4] =	ssyncset.s32 $0xFFFFF086  }
0x25: {  	[simem:s6], [sflag:s4] =	dma.local [hbm:s3], $0xF7A  }
0x26: {  	[smem:$0x3F93] =	sst s1;
	(tag) =	ssettag s2;
	_ =	strace s9  }
0x27: {  	s1 =	sld [smem:$0x3FA3]  }
0x28: {  	s2 =	sld [smem:$0x3FA4]  }
0x29: {  	s4 =	sld [smem:$0x3FA6]  }
0x2a: {  	p0 =	seq.s32 s5, $0x0;
	s5 =	sld [smem:$0x3FA7]  }
0x2b: {  	s6 =	sld [smem:$0x3FA8]  }
0x2c: {  	s7 =	sld [smem:$0x3FA9]  }
0x2d: {  	s3 =	simm.s32 $0x108;
	s8 =	sld [smem:$0x3FAA]  }
0x2e: {  	s3 =	simm.s32 @!p0 $0x1082;
	s9 =	sld [smem:$0x3FAB]  }
0x2f: {  	lr =	sadd.s32 s0, s3;
	s0 =	sld [smem:$0x3FA2]  }
0x30: {  	s3 =	sld [smem:$0x3FA5]  }
0x31: {  	[smem:$0x3FAE] =	sst s10  }
0x32: {  	s10 =	sld [smem:$0x3FAC];
	_ =	sdelay $0x3  }
0x33: {  	p0 =	seq.s32 s10, $0x1;
	s10 =	sld [smem:$0x3FAE];
	_ =	sdelay $0x3  }
0x34: {  	[smem:$0x3FAE] =	sst s10  }
0x35: {  	s10 =	sld [smem:$0x3FAD];
	_ =	sdelay $0x3  }
0x36: {  	p1 =	seq.s32 s10, $0x1;
	s10 =	sld [smem:$0x3FAE];
	_ =	sdelay $0x3  }
0x37: {  	[smem:$0x3FAE] =	sst s10  }
0x38: {  	s10 =	sld [smem:$0x3FAF]  }
0x39: {  	_ = 	snop;
	(pc) =	sbr.ind lr, $3  }
0x3a: {  	_ = 	snop  }
0x3b: {  	_ = 	snop  }
0x3c: {  	p2 =	seq.s32 s10, $0x1;
	s10 =	sld [smem:$0x3FAE]  }
0x3d: {  	_ =	shalt  }
0x3e: {  	_ =	shalt  }
0x3f: {  	_ =	shalt  }
0x40: {  	_ =	shalt  }
0x41: {  	_ =	shalt  }
0x42: {  	_ =	shalt  }
0x43: {  	_ =	shalt  }
0x44: {  	_ =	shalt  }
0x45: {  	_ =	shalt  }
0x46: {  	_ =	shalt  }
0x47: {  	_ =	shalt  }
0x48: {  	_ =	shalt  }
0x49: {  	_ =	shalt  }
0x4a: {  	_ =	shalt  }
0x4b: {  	_ =	shalt  }
0x4c: {  	_ =	shalt  }
0x4d: {  	_ =	shalt  }
0x4e: {  	_ =	shalt  }
0x4f: {  	_ =	shalt  }
0x50: {  	_ =	shalt  }
0x51: {  	_ =	shalt  }
0x52: {  	_ =	shalt  }
0x53: {  	_ =	shalt  }
0x54: {  	_ =	shalt  }
0x55: {  	_ =	shalt  }
0x56: {  	_ =	shalt  }
0x57: {  	_ =	shalt  }
0x58: {  	_ =	shalt  }
0x59: {  	_ =	shalt  }
0x5a: {  	_ =	shalt  }
0x5b: {  	_ =	shalt  }
0x5c: {  	_ =	shalt  }
0x5d: {  	_ =	shalt  }
0x5e: {  	_ =	shalt  }
0x5f: {  	_ =	shalt  }
0x60: {  	_ =	shalt  }
0x61: {  	_ =	shalt  }
0x62: {  	_ =	shalt  }
0x63: {  	_ =	shalt  }
0x64: {  	_ =	shalt  }
0x65: {  	_ =	shalt  }
0x66: {  	_ =	shalt  }
0x67: {  	_ =	shalt  }
0x68: {  	_ =	shalt  }
0x69: {  	_ =	shalt  }
0x6a: {  	_ =	shalt  }
0x6b: {  	_ =	shalt  }
0x6c: {  	_ =	shalt  }
0x6d: {  	_ =	shalt  }
0x6e: {  	_ =	shalt  }
0x6f: {  	_ =	shalt  }
0x70: {  	_ =	shalt  }
0x71: {  	_ =	shalt  }
0x72: {  	_ =	shalt  }
0x73: {  	_ =	shalt  }
0x74: {  	_ =	shalt  }
0x75: {  	_ =	shalt  }
0x76: {  	_ =	shalt  }
0x77: {  	_ =	shalt  }
0x78: {  	_ =	shalt  }
0x79: {  	_ =	shalt  }
0x7a: {  	_ =	shalt  }
0x7b: {  	_ =	shalt  }
0x7c: {  	_ =	shalt  }
0x7d: {  	_ =	shalt  }
0x7e: {  	_ =	shalt  }
0x7f: {  	_ =	shalt  }
0x80: {  	_ =	shalt  }
0x81: {  	_ =	shalt  }
0x82: {  	_ =	shalt  }
0x83: {  	_ =	shalt  }
0x84: {  	_ =	shalt  }
0x85: {  	_ =	shalt  }
0x86: {  	_ =	shalt  }
0x87: {  	_ =	shalt  }
.Lfunc_end0:
.L_simem_size_0:
called_computation.1_lowered:
.L_overlay_start_0:
0x88: {  	s2 =	sld [smem:$0x3FD9]  }
0x89: {  	s3 =	sld [smem:$0x3FFE];
	_ =	sdelay $0x1  }
0x8a: {  	s1 =	srdreg.scid  }
0x8b: {  	s0 =	sand.u32 $0x1, s1  }
0x8c: {  	s16 =	sshll.u32 s0, $0xA;
	s2 =	sadd.s32 s3, s2  }
0x8d: {  	s2 =	sadd.s32 s2, s16  }
0x8e: {  	[smem:$0x3FBA] =	sst s2  }
0x8f: {  	_ = 	snop  }
0x90: {  	(tm) =	ssettm $0x1  }
0x91: {  	s17 =	sld [smem:$0x3FFB];
	_ =	sdelay $0x3  }
0x92: {  	_ =	strace s17  }
0x93: {  	s2 =	sld [smem:$0x3FFC];
	_ =	sdelay $0x3  }
0x94: {  	_ =	strace s2  }
0x95: {  	s2 =	sld [smem:$0x3FFD];
	_ =	sdelay $0x3  }
0x96: {  	_ =	strace s2  }
0x97: {  	_ =	strace $0x8FFFFFFF  }
0x98: {  	s18 =	sld [smem:$0x3FDB];
	_ =	sdelay $0x1  }
0x99: {  	s19 =	simm.s32 $_scs_section_size  }
0x9a: {  	s4 =	simm.s32 $_size__tile_overlayer_lowered;
	s5 =	simm.s32 $_tile_overlayer_lowered  }
0x9b: {  	s22 =	simm.s32 $0x1BFF;
	s21 =	sshll.u32 s5, $0x1;
	s2 =	sadd.s32 s19, s18  }
0x9c: {  	s6 =	simm.s32 $0x0;
	s20 =	sshll.u32 s4, $0x1;
	s4 =	sadd.s32 s21, s2  }
0x9d: {  	[timem:s6], [sflag:s22] =	dma.local [hbm:s4], s20  }
0x9e: {  	_ =	swait.ge [sflag:s22], s20  }
0x9f: {  	s3 =	ssub.s32 $0x0, s20;
	[sflag:s22] =	ssyncset.done $0x0  }
0xa0: {  	[sflag:s22] =	ssyncadd.s32 s3;
	_ =	sdelay $0x1  }
0xa1: {  	s23 =	simm.s32 $0x1B8B  }
0xa2: {  	_ =	swait.ge [sflag:s23], $0x1  }
0xa3: {  	[sflag:s23] =	ssyncset.done $0x0  }
0xa4: {  	s25 =	simm.s32 $0x1B8E;
	s24 =	sld [smem:$0x3FFE];
	[sflag:s23] =	ssyncadd.s32 $0xFFFFFFFF  }
0xa5: {  	s26 =	simm.s32 $execute0_lowered;
	[smem:$0x3FD2] =	sst s25  }
0xa6: {  	s4 =	sshll.u32 s26, $0x1;
	_ =	strace $0x80000046;
	[dreg:$0x1] =	wrdreg $0xFFFFFFFF  }
0xa7: {  	s28 =	simm.s32 $_size_execute0_lowered;
	s2 =	sadd.s32 s2, s4;
	[dreg:$0x0] =	wrdreg $0x0  }
0xa8: {  	s4 =	sshll.u32 s28, $0x1;
	[dreg:$0x2] =	wrdreg s2  }
0xa9: {  	[dreg:$0x3] =	wrdreg s4  }
0xaa: {  	[dreg:$0x4] =	wrdreg $0xC0  }
0xab: {  	_ =	task [dreg:s6], $0x5FFFF  }
0xac: {  	[dreg:$0x1] =	wrdreg $0xFFFFFFFF  }
0xad: {  	[dreg:$0x0] =	wrdreg $0x60  }
0xae: {  	[dreg:$0x2] =	wrdreg s24  }
0xaf: {  	[dreg:$0x3] =	wrdreg $0xA  }
0xb0: {  	_ =	task.clear_ibuf [dreg:s6], $0x4FFFF;
	_ =	strace $0x90000046  }
0xb1: {  	s29 =	simm.s32 $0xA;
	_ =	strace $0x80000048  }
0xb2: {  	_ =	swait.ge [sflag:s29], $0x1  }
0xb3: {  	[sflag:s29] =	ssyncadd.s32 $0xFFFFFFFF  }
0xb4: {  	_ =	strace $0x90000048  }
0xb5: {  	_ =	sfence  }
0xb6: {  	s30 =	sld [smem:$0x0];
	_ =	sdelay $0x2  }
0xb7: {  	s31 =	sshll.u32 s1, $0xD;
	s1 =	sshrl.u32 s1, $0x2  }
0xb8: {  	s3 =	sand.u32 $0x4000, s31;
	s1 =	sadd.s32 s1, s30  }
0xb9: {  	s0 =	sor.u32 s3, s0;
	s1 =	sshll.u32 s1, $0x11  }
0xba: {  	s0 =	sor.u32 s1, s0  }
0xbb: {  	s0 =	sadd.s32 $0x8F2B, s0  }
0xbc: {  	[sflag:s0] =	ssyncadd.remote.s32 $0x1  }
0xbd: {  	_ =	sfence.sel $0xFFFF  }
0xbe: {  	[dreg:$0x0] =	wrdreg $0xFFFFFFFF;
	(pc) =	sbr.abs _section_cstart, $3  }
0xbf: {  	[dreg:$0x1] =	wrdreg $0xFFFFFFFF  }
0xc0: {  	_ =	task.clear_ibuf [dreg:s6], $0x2FFFF;
	_ =	strace $0x9FFFFFFF  }
0xc1: {  	(tm) =	ssettm $0x7FFFFFFF  }
tec
execute0_lowered:
.L_overlay_start_1:
0x0: {  	(tag) =	ssettag $0x1  }
0x1: {  	s8 =	rddreg [dreg:$0x0]  }
0x2: {  	s0 =	rddreg [dreg:$0x1];
	_ =	strace $0x80000047;
	s1 =	stileid.u32  }
0x3: {  	s3 =	srdreg.scid;
	s4 =	simm.s32 $0x1;
	s7 =	simm.s32 $0x1  }
0x4: {  	s9 =	simm.s32 $0x1;
	s10 =	simm.s32 $0x3;
	s13 =	simm.s32 $0x0  }
0x5: {  	s12 =	simm.s32 $0x0;
	s5 =	sand.u32 $0x1, s3;
	s6 =	sshll.u32 s1, $0x1  }
0x6: {  	s2 =	sadd.s32 $0x2400, s8;
	s3 =	sadd.s32 $0x29800, s8;
	s5 =	sor.u32 s6, s5  }
.Ltmp0:
0x7: {  	[sflag:s4] =	ssyncpa.u1 $0x0;
	p0 =	slt.u32 s5, $0x9;
	(pc) =	sbr.rel .LBB2_1-.Ltmp0, $4  }
0x8: {  	s6 =	simm.s32 $0x2;
	s7 =	simm.s32 @!p0 $0x0;
	p0 =	sne.s32 s5, $0x8  }
0x9: {  	[sflag:s6] =	ssyncpa.u1 $0x0;
	s5 =	smul.u32 $0x3E80, s5;
	s9 =	simm.s32 @!p0 $0x0  }
0xa: {  	s8 =	sadd.s32 $0x3D200, s8;
	[sflag:s10] =	ssyncpa.u1 $0x0;
	s7 =	sadd.s32 s9, s7  }
0xb: {  	vm0 =	vmmov $0xffff;
	s10 =	simm.s32 $0x0;
	s11 =	smov.u32 s5;
	s9 =	sadd.s32 $0x1, s7  }
.LBB2_4:
0xc: {  	v2 =	vnsel vm1, $0x0, v2  }
0xd: {  	vm1 =	vgt.s32 v0, $0x0;
	v2 =	vmin.u32 v2, $0x9C3FF  }
0xe: {  	v0 =	vnsel vm1, $0x0, v0  }
0xf: {  	v0 =	vmin.u32 v0, $0x9C3FF  }
0x10: {  	[tilespmem:s18], [sflag:$0x1] =	stream.indirect_vreg.gather [hbm4b:s2+s10], $0x1, v1, vm0, $0x4038;
	[tilespmem:$0xFA00] =	vst v63  }
0x11: {  	(ifvalue) =	ssetifvalue $0x7FFFFFFF  }
0x12: {  	[tilespmem:s15], [sflag:$0x1] =	stream.indirect_vreg.gather [hbm4b:s2+s10], $0x1, v2, vm0, $0x4038;
	[tilespmem:$0xFA00] =	vst v63  }
0x13: {  	s29 =	sadd.s32 $0x10, s15;
	(ifvalue) =	ssetifvalue $0x7FFFFFFF  }
0x14: {  	[tilespmem:s29], [sflag:$0x1] =	stream.indirect_vreg.gather [hbm4b:s2+s10], $0x1, v0, vm0, $0x4038;
	[tilespmem:$0xFA00] =	vst v63  }
0x15: {  	_ =	swait.ge [sflag:s4], $0x3E80  }
0x16: {  	s30 =	sshrl.u32 s13, $0x3;
	[sflag:s4] =	ssyncset.done $0x0  }
0x17: {  	s31 =	sand.u32 $0x7, s13;
	s15 =	sadd.s32 s8, s30;
	[sflag:s4] =	ssyncadd.s32 $0xFFFFC180  }
0x18: {  	[hbm4b:s15+s31] =	stream.linear.scatter [tilespmem:s14], [sflag:$0x3], $0x3E80, $0x38;
	[tilespmem:$0xFA00] =	vst v63  }
.LBB2_5:
0x19: {  	s15 =	sadd.s32 $0x7D000, s11  }
0x1a: {  	p1 =	sgt.s32 s15, $0x9C3FF  }
0x1b: {  	s15 =	smov.u32 @p1 s5;
	p1 =	sne.s32 s12, s9  }
.Ltmp1:
0x1c: {  	p0 =	slt.u32 s12, $0x2;
	(pc) =	sbr.rel @!p1 .LBB2_6-.Ltmp1, $4  }
0x1d: {  	s14 =	simm.s32 @!p0 $0x3  }
0x1e: {  	_ =	swait.ge @!p0 [sflag:s14], $0x3E80  }
0x1f: {  	s16 =	sadd.s32 $0x1, s12;
	s13 =	smov.u32 s11;
	[sflag:s14] =	ssyncset.done @!p0 $0x0  }
0x20: {  	s12 =	smov.u32 s16;
	s11 =	smov.u32 s15;
	[sflag:s14] =	ssyncadd.s32 @!p0 $0xFFFFC180  }
.LBB2_1:
0x21: {  	p0 =	sge.u32 s12, s7  }
0x22: {  	s14 =	sxor.u32 @!p0 $0x1, s12  }
0x23: {  	s14 =	smul.u32 @!p0 $0xFA00, s14  }
0x24: {  	s31 =	sadd.s32 $0xFFFFFFFF, s12;
	s15 =	sshrl.u32 @!p0 s11, $0x3  }
0x25: {  	s16 =	sand.u32 @!p0 $0x7, s11;
	s15 =	sadd.s32 @!p0 s3, s15;
	s14 =	sshra.s32 @!p0 s14, $0x2  }
0x26: {  	[tilespmem:s14], [sflag:$0x2] =	stream.linear.gather @!p0 [hbm4b:s15+s16], $0x3E80, $0x38;
	[tilespmem:$0xFA00] =	vst v63  }
0x27: {  	p0 =	sge.u32 s31, s7  }
.Ltmp2:
0x28: {  	_ = 	snop;
	(pc) =	sbr.rel @p0 .LBB2_5-.Ltmp2, $1  }
0x29: {  	_ =	sdelay $0x3  }
0x2a: {  	s14 =	sand.u32 $0x1, s12  }
0x2b: {  	_ =	swait.ge [sflag:s6], $0x3E80;
	p0 =	seq.s32 s14, $0x1;
	s14 =	simm.s32 $0x3E80  }
0x2c: {  	[sflag:s6] =	ssyncset.done $0x0;
	s14 =	simm.s32 @!p0 $0x0  }
0x2d: {  	[sflag:s6] =	ssyncadd.s32 $0xFFFFC180;
	(ifvalue) =	ssetifvalue $0x7FFFFFFF;
	v0 =	vld.msk [tilespmem:s14+$0x0 ss:$0x1], $0xffff;
	_ =	sdelay $0x4  }
0x2e: {  	s15 =	sadd.s32 $0x10, s14;
	vm1 =	vgt.s32 v0, $0x0  }
0x2f: {  	v2 =	vld.msk [tilespmem:s15+$0x0 ss:$0x1], $0xffff;
	v1 =	vnsel vm1, $0x0, v0  }
0x30: {  	v1 =	vmin.u32 v1, $0x9C3FF;
	_ =	sdelay $0x2  }
0x31: {  	s17 =	simm.s32 $0x20;
	s14 =	sadd.s32 $0x7D00, s14;
	s16 =	sadd.s32 $0x10, s15  }
0x32: {  	s15 =	sadd.s32 $0x10, s14;
	s18 =	smov.u32 s14;
	v0 =	vld.msk [tilespmem:s16+$0x0 ss:$0x1], $0xffff;
	vm1 =	vgt.s32 v2, $0x0;
	(ifvalue) =	ssetifvalue $0x7FFFFFFF  }
.LBB2_3:
0x33: {  	[tilespmem:s18], [sflag:$0x1] =	stream.indirect_vreg.gather [hbm4b:s2+s10], $0x1, v1, vm0, $0x4038;
	[tilespmem:$0xFA00] =	vst v63  }
0x34: {  	s17 =	sadd.s32 $0x10, s17  }
0x35: {  	v2 =	vnsel vm1, $0x0, v2;
	p0 =	slt.u32 s17, $0x3E70  }
.Ltmp3:
0x36: {  	s18 =	smov.u32 s15;
	v1 =	vmin.u32 v2, $0x9C3FF;
	(pc) =	sbr.rel @p0 .LBB2_3-.Ltmp3, $3  }
0x37: {  	_ =	sdelay $0x1  }
0x38: {  	s16 =	sadd.s32 $0x10, s16  }
0x39: {  	vm1 =	vgt.s32 v0, $0x0;
	s15 =	sadd.s32 $0x10, s15;
	v2 =	vmov v0;
	(ifvalue) =	ssetifvalue $0x7FFFFFFF;
	v0 =	vld.msk [tilespmem:s16+$0x0 ss:$0x1], $0xffff  }
.Ltmp4:
0x3a: {  	_ = 	snop;
	(pc) =	sbr.rel .LBB2_4-.Ltmp4, $1  }
0x3b: {  	_ =	sdelay $0x3  }
.LBB2_6:
0x3c: {  	_ =	sfence.sel $0x180000  }
0x3d: {  	s2 =	simm.s32 $0x2;
	[bflag:$0x0] =	sbarrier.arrive $0xFFFF  }
0x3e: {  	s30 =	simm.s32 $0x3;
	[sflag:s2] =	ssyncpa.u1 $0x1  }
0x3f: {  	s31 =	simm.s32 $0x1;
	[sflag:s30] =	ssyncpa.u1 $0x1  }
0x40: {  	[sflag:s31] =	ssyncpa.u1 $0x1  }
0x41: {  	p0 =	sne.s32 s1, $0x0;
	_ =	strace $0x90000047  }
0x42: {  	s0 =	sadd.s32 @!p0 $0x100000, s0;
	[bflag:$0x2] =	sbarrier.arrive $0xFFFF  }
0x43: {  	[sflag:s0] =	ssyncadd.tile.s32 @!p0 $0x1;
	_ =	shalt  }
.Lfunc_end2:
_tile_overlayer_lowered:
.L_overlay_start_2:
0x44: {  	(tag) =	ssettag $0x2  }
0x45: {  	s0 =	rddreg [dreg:$0x0];
	s2 =	stileid.u32  }
0x46: {  	s1 =	rddreg [dreg:$0x1];
	p0 =	sne.s32 s2, $0x0  }
0x47: {  	s3 =	rddreg [dreg:$0x2];
	[bflag:$0x3] =	sbarrier.arrive $0xFFFF;
	s2 =	simm.s32 @!p0 $0x1C01  }
0x48: {  	[timem:s3], [sflag:s2] =	dma.local @!p0 [hbm:s0], s1  }
0x49: {  	s0 =	simm.s32 @!p0 $0x1  }
0x4a: {  	_ =	swait.ge @!p0 [sflag:s0], s1  }
0x4b: {  	s1 =	ssub.s32 @!p0 $0x0, s1;
	[sflag:s0] =	ssyncset.done @!p0 $0x0  }
0x4c: {  	[sflag:s0] =	ssyncadd.s32 @!p0 s1  }
0x4d: {  	[bflag:$0x3] =	sbarrier.arrive $0xFFFF  }
0x4e: {  	_ =	shalt  }

// kernel: gather_offload_async_start
scs
__scs_entry_jumppad:
0x0: {  	(pc) =	sbr.rel $0x88, $3  }
0x1: {  	(tag) =	ssettag $0x0;
	lr =	simm.s32 $0x1  }
0x2: {  	[smem:$0x3F93] =	sst lr;
	_ =	strace $0xD0000000  }
0x3: {  	_ = 	snop  }
0x4: {  	_ = 	snop  }
0x5: {  	_ = 	snop  }
0x6: {  	_ = 	snop  }
0x7: {  	_ = 	snop  }
__scs_overlays_trampoline_lowered:
0x8: {  	[smem:$0x3FA2] =	sst s0  }
0x9: {  	[smem:$0x3FA3] =	sst s1  }
0xa: {  	[smem:$0x3FA4] =	sst s2  }
0xb: {  	[smem:$0x3FA5] =	sst s3  }
0xc: {  	[smem:$0x3FA6] =	sst s4  }
0xd: {  	[smem:$0x3FA7] =	sst s5  }
0xe: {  	[smem:$0x3FA8] =	sst s6  }
0xf: {  	[smem:$0x3FA9] =	sst s7  }
0x10: {  	[smem:$0x3FAA] =	sst s8  }
0x11: {  	[smem:$0x3FAB] =	sst s9;
	s0 =	simm.s32 @!p0 $0x0  }
0x12: {  	s1 =	sld [smem:$0x3F91];
	s0 =	simm.s32 @p0 $0x1  }
0x13: {  	[smem:$0x3FAC] =	sst s0;
	s0 =	simm.s32 @!p1 $0x0  }
0x14: {  	s2 =	sld [smem:$0x3F90];
	s0 =	simm.s32 @p1 $0x1  }
0x15: {  	[smem:$0x3FAD] =	sst s0;
	s0 =	simm.s32 @!p2 $0x0  }
0x16: {  	s3 =	sld [smem:$0x3FDB];
	s0 =	simm.s32 @p2 $0x1  }
0x17: {  	s4 =	simm.s32 $0x1BF5;
	[smem:$0x3FAF] =	sst s0  }
0x18: {  	s0 =	sld [smem:$0x3F92];
	_ =	swait.ge [sflag:s4], $0x0  }
0x19: {  	s7 =	sld [smem:$0x3F93]  }
0x1a: {  	s8 =	sadd.s32 $0xFFFFE003, lr  }
0x1b: {  	s9 =	sadd.s32 $0xFFFFFEF7, lr;
	s5 =	simm.s32 $0xFFFFFFFF;
	p2 =	slt.u32 s8, $0xFFFFF086  }
0x1c: {  	p1 =	slt.u32 s9, $0xF7A;
	s5 =	simm.s32 @!p2 $0x0  }
0x1d: {  	s5 =	simm.s32 @p1 $0x1;
	p0 =	seq.s32 s7, s2  }
0x1e: {  	s7 =	smul.u32 @!p0 $0xF7A, s2;
	p2 =	seq.s32 @!p0 s5, $0x0  }
0x1f: {  	s9 =	smul.u32 $0xF7A, s1;
	s8 =	simm.s32 @!p0 $0x1BF5;
	p2 =	por !p2, p0  }
0x20: {  	[sflag:s8] =	ssyncset.s32 @!p0 $0xFFFFF086;
	s6 =	sadd.s32 @!p0 s3, s7;
	s7 =	simm.s32 @!p0 $0x108  }
0x21: {  	s3 =	sadd.s32 s3, s9;
	s6 =	sadd.s32 @!p0 $0x88, s6;
	s7 =	simm.s32 @p2 $0x1082  }
0x22: {  	[simem:s7], [sflag:s8] =	dma.local @!p0 [hbm:s6], $0xF7A  }
0x23: {  	s9 =	sor.u32 $0xD0000000, s2;
	s6 =	simm.s32 $0x108;
	_ =	swait.ge @!p0 [sflag:s8], $0x0  }
0x24: {  	s3 =	sadd.s32 $0x88, s3;
	s6 =	simm.s32 @!p1 $0x1082;
	[sflag:s4] =	ssyncset.s32 $0xFFFFF086  }
0x25: {  	[simem:s6], [sflag:s4] =	dma.local [hbm:s3], $0xF7A  }
0x26: {  	[smem:$0x3F93] =	sst s1;
	(tag) =	ssettag s2;
	_ =	strace s9  }
0x27: {  	s1 =	sld [smem:$0x3FA3]  }
0x28: {  	s2 =	sld [smem:$0x3FA4]  }
0x29: {  	s4 =	sld [smem:$0x3FA6]  }
0x2a: {  	p0 =	seq.s32 s5, $0x0;
	s5 =	sld [smem:$0x3FA7]  }
0x2b: {  	s6 =	sld [smem:$0x3FA8]  }
0x2c: {  	s7 =	sld [smem:$0x3FA9]  }
0x2d: {  	s3 =	simm.s32 $0x108;
	s8 =	sld [smem:$0x3FAA]  }
0x2e: {  	s3 =	simm.s32 @!p0 $0x1082;
	s9 =	sld [smem:$0x3FAB]  }
0x2f: {  	lr =	sadd.s32 s0, s3;
	s0 =	sld [smem:$0x3FA2]  }
0x30: {  	s3 =	sld [smem:$0x3FA5]  }
0x31: {  	[smem:$0x3FAE] =	sst s10  }
0x32: {  	s10 =	sld [smem:$0x3FAC];
	_ =	sdelay $0x3  }
0x33: {  	p0 =	seq.s32 s10, $0x1;
	s10 =	sld [smem:$0x3FAE];
	_ =	sdelay $0x3  }
0x34: {  	[smem:$0x3FAE] =	sst s10  }
0x35: {  	s10 =	sld [smem:$0x3FAD];
	_ =	sdelay $0x3  }
0x36: {  	p1 =	seq.s32 s10, $0x1;
	s10 =	sld [smem:$0x3FAE];
	_ =	sdelay $0x3  }
0x37: {  	[smem:$0x3FAE] =	sst s10  }
0x38: {  	s10 =	sld [smem:$0x3FAF]  }
0x39: {  	_ = 	snop;
	(pc) =	sbr.ind lr, $3  }
0x3a: {  	_ = 	snop  }
0x3b: {  	_ = 	snop  }
0x3c: {  	p2 =	seq.s32 s10, $0x1;
	s10 =	sld [smem:$0x3FAE]  }
0x3d: {  	_ =	shalt  }
0x3e: {  	_ =	shalt  }
0x3f: {  	_ =	shalt  }
0x40: {  	_ =	shalt  }
0x41: {  	_ =	shalt  }
0x42: {  	_ =	shalt  }
0x43: {  	_ =	shalt  }
0x44: {  	_ =	shalt  }
0x45: {  	_ =	shalt  }
0x46: {  	_ =	shalt  }
0x47: {  	_ =	shalt  }
0x48: {  	_ =	shalt  }
0x49: {  	_ =	shalt  }
0x4a: {  	_ =	shalt  }
0x4b: {  	_ =	shalt  }
0x4c: {  	_ =	shalt  }
0x4d: {  	_ =	shalt  }
0x4e: {  	_ =	shalt  }
0x4f: {  	_ =	shalt  }
0x50: {  	_ =	shalt  }
0x51: {  	_ =	shalt  }
0x52: {  	_ =	shalt  }
0x53: {  	_ =	shalt  }
0x54: {  	_ =	shalt  }
0x55: {  	_ =	shalt  }
0x56: {  	_ =	shalt  }
0x57: {  	_ =	shalt  }
0x58: {  	_ =	shalt  }
0x59: {  	_ =	shalt  }
0x5a: {  	_ =	shalt  }
0x5b: {  	_ =	shalt  }
0x5c: {  	_ =	shalt  }
0x5d: {  	_ =	shalt  }
0x5e: {  	_ =	shalt  }
0x5f: {  	_ =	shalt  }
0x60: {  	_ =	shalt  }
0x61: {  	_ =	shalt  }
0x62: {  	_ =	shalt  }
0x63: {  	_ =	shalt  }
0x64: {  	_ =	shalt  }
0x65: {  	_ =	shalt  }
0x66: {  	_ =	shalt  }
0x67: {  	_ =	shalt  }
0x68: {  	_ =	shalt  }
0x69: {  	_ =	shalt  }
0x6a: {  	_ =	shalt  }
0x6b: {  	_ =	shalt  }
0x6c: {  	_ =	shalt  }
0x6d: {  	_ =	shalt  }
0x6e: {  	_ =	shalt  }
0x6f: {  	_ =	shalt  }
0x70: {  	_ =	shalt  }
0x71: {  	_ =	shalt  }
0x72: {  	_ =	shalt  }
0x73: {  	_ =	shalt  }
0x74: {  	_ =	shalt  }
0x75: {  	_ =	shalt  }
0x76: {  	_ =	shalt  }
0x77: {  	_ =	shalt  }
0x78: {  	_ =	shalt  }
0x79: {  	_ =	shalt  }
0x7a: {  	_ =	shalt  }
0x7b: {  	_ =	shalt  }
0x7c: {  	_ =	shalt  }
0x7d: {  	_ =	shalt  }
0x7e: {  	_ =	shalt  }
0x7f: {  	_ =	shalt  }
0x80: {  	_ =	shalt  }
0x81: {  	_ =	shalt  }
0x82: {  	_ =	shalt  }
0x83: {  	_ =	shalt  }
0x84: {  	_ =	shalt  }
0x85: {  	_ =	shalt  }
0x86: {  	_ =	shalt  }
0x87: {  	_ =	shalt  }
.Lfunc_end0:
.L_simem_size_0:
called_computation_lowered:
.L_overlay_start_0:
0x88: {  	s2 =	sld [smem:$0x3FD9]  }
0x89: {  	s3 =	sld [smem:$0x3FFE];
	_ =	sdelay $0x1  }
0x8a: {  	s1 =	srdreg.scid  }
0x8b: {  	s0 =	sand.u32 $0x1, s1  }
0x8c: {  	s17 =	sshll.u32 s0, $0xA;
	s2 =	sadd.s32 s3, s2  }
0x8d: {  	s2 =	sadd.s32 s2, s17  }
0x8e: {  	[smem:$0x3FBA] =	sst s2  }
0x8f: {  	_ = 	snop  }
0x90: {  	s18 =	sld [smem:$0x3FC5];
	(tm) =	ssettm $0x1  }
0x91: {  	s19 =	sld [smem:$0x3FFB];
	_ =	sdelay $0x3  }
0x92: {  	_ =	strace s19  }
0x93: {  	s2 =	sld [smem:$0x3FFC];
	_ =	sdelay $0x3  }
0x94: {  	_ =	strace s2  }
0x95: {  	s2 =	sld [smem:$0x3FFD];
	_ =	sdelay $0x3  }
0x96: {  	_ =	strace s2  }
0x97: {  	_ =	strace $0x8FFFFFFF  }
0x98: {  	s20 =	sld [smem:$0x3FDB];
	_ =	sdelay $0x1  }
0x99: {  	s4 =	simm.s32 $_scs_section_size  }
0x9a: {  	s5 =	simm.s32 $_size__tile_overlayer_lowered;
	s6 =	simm.s32 $_tile_overlayer_lowered  }
0x9b: {  	s7 =	simm.s32 $0x1BFF;
	s21 =	sshll.u32 s6, $0x1;
	s4 =	sadd.s32 s4, s20  }
0x9c: {  	s22 =	simm.s32 $0x0;
	s5 =	sshll.u32 s5, $0x1;
	s6 =	sadd.s32 s21, s4  }
0x9d: {  	[timem:s22], [sflag:s7] =	dma.local [hbm:s6], s5  }
0x9e: {  	_ =	swait.ge [sflag:s7], s5  }
0x9f: {  	s5 =	ssub.s32 $0x0, s5;
	[sflag:s7] =	ssyncset.done $0x0  }
0xa0: {  	[sflag:s7] =	ssyncadd.s32 s5;
	_ =	sdelay $0x1  }
0xa1: {  	s23 =	simm.s32 $0x1B8B  }
0xa2: {  	_ =	swait.ge [sflag:s23], $0x1  }
0xa3: {  	[sflag:s23] =	ssyncset.done $0x0  }
0xa4: {  	[sflag:s23] =	ssyncadd.s32 $0xFFFFFFFF  }
0xa5: {  	s5 =	sld [smem:$0x0]  }
0xa6: {  	s6 =	sand.u32 $0xFFFFFFFE, s1  }
0xa7: {  	p0 =	sne.s32 s1, s6  }
0xa8: {  	s6 =	sshll.u32 @p0 s6, $0xE  }
0xa9: {  	s6 =	sadd.s32 @p0 $0x11B8D, s6;
	s7 =	sshll.u32 @p0 s5, $0x11  }
0xaa: {  	s6 =	sor.u32 @p0 s7, s6  }
0xab: {  	[sflag:s6] =	ssyncadd.remote.s32 @p0 $0x1;
	_ =	sdelay $0x1  }
0xac: {  	s6 =	simm.s32 @p0 $0x1B8D  }
0xad: {  	_ =	swait.eq @p0 [sflag:s6], $0x1  }
0xae: {  	[sflag:s6] =	ssyncadd.s32 @p0 $0xFFFFFFFF  }
0xaf: {  	s7 =	sshll.u32 @!p0 s1, $0xE  }
0xb0: {  	s7 =	sor.u32 @!p0 $0x4000, s7;
	s6 =	simm.s32 @!p0 $0x1B8D  }
0xb1: {  	s5 =	sshll.u32 @!p0 s5, $0x11;
	s7 =	sadd.s32 @!p0 $0x11B8D, s7;
	_ =	swait.eq @!p0 [sflag:s6], $0x1  }
0xb2: {  	s5 =	sor.u32 @!p0 s5, s7;
	[sflag:s6] =	ssyncadd.s32 @!p0 $0xFFFFFFFF  }
0xb3: {  	s25 =	simm.s32 $0x1B8E;
	s24 =	sld [smem:$0x3FFE];
	[sflag:s5] =	ssyncadd.remote.s32 @!p0 $0x1  }
0xb4: {  	s26 =	simm.s32 $execute0_lowered;
	[smem:$0x3FD2] =	sst s25  }
0xb5: {  	s6 =	sshll.u32 s26, $0x1;
	_ =	strace $0x80000049;
	[dreg:$0x1] =	wrdreg $0xFFFFFFFF  }
0xb6: {  	s28 =	simm.s32 $_size_execute0_lowered;
	s4 =	sadd.s32 s4, s6;
	[dreg:$0x0] =	wrdreg $0x0  }
0xb7: {  	s6 =	sshll.u32 s28, $0x1;
	[dreg:$0x2] =	wrdreg s4  }
0xb8: {  	[dreg:$0x3] =	wrdreg s6  }
0xb9: {  	[dreg:$0x4] =	wrdreg $0xC0  }
0xba: {  	_ =	task [dreg:s22], $0x5FFFF  }
0xbb: {  	[dreg:$0x1] =	wrdreg $0xFFFFFFFF  }
0xbc: {  	[dreg:$0x0] =	wrdreg $0x60  }
0xbd: {  	[dreg:$0x2] =	wrdreg s18  }
0xbe: {  	[dreg:$0x3] =	wrdreg s24  }
0xbf: {  	[dreg:$0x4] =	wrdreg $0x9  }
0xc0: {  	_ =	task.clear_ibuf [dreg:s22], $0x5FFFF;
	_ =	strace $0x90000049  }
0xc1: {  	s29 =	simm.s32 $0x9;
	_ =	strace $0x8000004B  }
0xc2: {  	_ =	swait.ge [sflag:s29], $0x1  }
0xc3: {  	[sflag:s29] =	ssyncadd.s32 $0xFFFFFFFF  }
0xc4: {  	_ =	strace $0x9000004B  }
0xc5: {  	_ =	sfence  }
0xc6: {  	s30 =	sld [smem:$0x0];
	_ =	sdelay $0x2  }
0xc7: {  	s31 =	sshll.u32 s1, $0xD;
	s1 =	sshrl.u32 s1, $0x2  }
0xc8: {  	s4 =	sand.u32 $0x4000, s31;
	s1 =	sadd.s32 s1, s30  }
0xc9: {  	s0 =	sor.u32 s4, s0;
	s1 =	sshll.u32 s1, $0x11  }
0xca: {  	s0 =	sor.u32 s1, s0  }
0xcb: {  	s0 =	sadd.s32 $0x8F2B, s0  }
0xcc: {  	[sflag:s0] =	ssyncadd.remote.s32 $0x1  }
0xcd: {  	_ =	sfence.sel $0xFFFF  }
0xce: {  	[dreg:$0x0] =	wrdreg $0xFFFFFFFF;
	(pc) =	sbr.abs _section_cstart, $3  }
0xcf: {  	[dreg:$0x1] =	wrdreg $0xFFFFFFFF  }
0xd0: {  	_ =	task.clear_ibuf [dreg:s22], $0x2FFFF;
	_ =	strace $0x9FFFFFFF  }
0xd1: {  	(tm) =	ssettm $0x7FFFFFFF  }
tec
execute0_lowered:
.L_overlay_start_1:
0x0: {  	(tag) =	ssettag $0x1  }
0x1: {  	s2 =	rddreg [dreg:$0x0]  }
0x2: {  	s8 =	rddreg [dreg:$0x1]  }
0x3: {  	s0 =	rddreg [dreg:$0x2];
	s1 =	stileid.u32  }
0x4: {  	s3 =	srdreg.scid;
	_ =	strace $0x8000004A;
	s4 =	simm.s32 $0x1  }
0x5: {  	s7 =	simm.s32 $0x1;
	s9 =	simm.s32 $0x1;
	s10 =	simm.s32 $0x3  }
0x6: {  	s13 =	simm.s32 $0x0;
	s5 =	sand.u32 $0x1, s3;
	s6 =	sshll.u32 s1, $0x1  }
0x7: {  	s12 =	simm.s32 $0x0;
	s3 =	sadd.s32 $0x29800, s8;
	s5 =	sor.u32 s6, s5  }
.Ltmp0:
0x8: {  	[sflag:s4] =	ssyncpa.u1 $0x0;
	p0 =	slt.u32 s5, $0x9;
	(pc) =	sbr.rel .LBB2_1-.Ltmp0, $4  }
0x9: {  	s6 =	simm.s32 $0x2;
	s7 =	simm.s32 @!p0 $0x0;
	p0 =	sne.s32 s5, $0x8  }
0xa: {  	[sflag:s6] =	ssyncpa.u1 $0x0;
	s5 =	smul.u32 $0x3E80, s5;
	s9 =	simm.s32 @!p0 $0x0  }
0xb: {  	s8 =	sadd.s32 $0x532C00, s8;
	[sflag:s10] =	ssyncpa.u1 $0x0;
	s7 =	sadd.s32 s9, s7  }
0xc: {  	vm0 =	vmmov $0xffff;
	s10 =	simm.s32 $0x0;
	s11 =	smov.u32 s5;
	s9 =	sadd.s32 $0x1, s7  }
.LBB2_4:
0xd: {  	v2 =	vnsel vm1, $0x0, v2  }
0xe: {  	vm1 =	vgt.s32 v0, $0x0;
	v2 =	vmin.u32 v2, $0x9C3FF  }
0xf: {  	v0 =	vnsel vm1, $0x0, v0  }
0x10: {  	v0 =	vmin.u32 v0, $0x9C3FF  }
0x11: {  	[tilespmem:s18], [sflag:$0x1] =	stream.indirect_vreg.gather [hbm4b:s2+s10], $0x1, v1, vm0, $0x4038;
	[tilespmem:$0xFA00] =	vst v63  }
0x12: {  	(ifvalue) =	ssetifvalue $0x7FFFFFFF  }
0x13: {  	[tilespmem:s15], [sflag:$0x1] =	stream.indirect_vreg.gather [hbm4b:s2+s10], $0x1, v2, vm0, $0x4038;
	[tilespmem:$0xFA00] =	vst v63  }
0x14: {  	s29 =	sadd.s32 $0x10, s15;
	(ifvalue) =	ssetifvalue $0x7FFFFFFF  }
0x15: {  	[tilespmem:s29], [sflag:$0x1] =	stream.indirect_vreg.gather [hbm4b:s2+s10], $0x1, v0, vm0, $0x4038;
	[tilespmem:$0xFA00] =	vst v63  }
0x16: {  	_ =	swait.ge [sflag:s4], $0x3E80  }
0x17: {  	s30 =	sshrl.u32 s13, $0x3;
	[sflag:s4] =	ssyncset.done $0x0  }
0x18: {  	s31 =	sand.u32 $0x7, s13;
	s15 =	sadd.s32 s8, s30;
	[sflag:s4] =	ssyncadd.s32 $0xFFFFC180  }
0x19: {  	[hbm4b:s15+s31] =	stream.linear.scatter [tilespmem:s14], [sflag:$0x3], $0x3E80, $0x38;
	[tilespmem:$0xFA00] =	vst v63  }
.LBB2_5:
0x1a: {  	s15 =	sadd.s32 $0x7D000, s11  }
0x1b: {  	p1 =	sgt.s32 s15, $0x9C3FF  }
0x1c: {  	s15 =	smov.u32 @p1 s5;
	p1 =	sne.s32 s12, s9  }
.Ltmp1:
0x1d: {  	p0 =	slt.u32 s12, $0x2;
	(pc) =	sbr.rel @!p1 .LBB2_6-.Ltmp1, $4  }
0x1e: {  	s14 =	simm.s32 @!p0 $0x3  }
0x1f: {  	_ =	swait.ge @!p0 [sflag:s14], $0x3E80  }
0x20: {  	s16 =	sadd.s32 $0x1, s12;
	s13 =	smov.u32 s11;
	[sflag:s14] =	ssyncset.done @!p0 $0x0  }
0x21: {  	s12 =	smov.u32 s16;
	s11 =	smov.u32 s15;
	[sflag:s14] =	ssyncadd.s32 @!p0 $0xFFFFC180  }
.LBB2_1:
0x22: {  	p0 =	sge.u32 s12, s7  }
0x23: {  	s14 =	sxor.u32 @!p0 $0x1, s12  }
0x24: {  	s14 =	smul.u32 @!p0 $0xFA00, s14  }
0x25: {  	s31 =	sadd.s32 $0xFFFFFFFF, s12;
	s15 =	sshrl.u32 @!p0 s11, $0x3  }
0x26: {  	s16 =	sand.u32 @!p0 $0x7, s11;
	s15 =	sadd.s32 @!p0 s3, s15;
	s14 =	sshra.s32 @!p0 s14, $0x2  }
0x27: {  	[tilespmem:s14], [sflag:$0x2] =	stream.linear.gather @!p0 [hbm4b:s15+s16], $0x3E80, $0x38;
	[tilespmem:$0xFA00] =	vst v63  }
0x28: {  	p0 =	sge.u32 s31, s7  }
.Ltmp2:
0x29: {  	_ = 	snop;
	(pc) =	sbr.rel @p0 .LBB2_5-.Ltmp2, $1  }
0x2a: {  	_ =	sdelay $0x3  }
0x2b: {  	s14 =	sand.u32 $0x1, s12  }
0x2c: {  	_ =	swait.ge [sflag:s6], $0x3E80;
	p0 =	seq.s32 s14, $0x1;
	s14 =	simm.s32 $0x3E80  }
0x2d: {  	[sflag:s6] =	ssyncset.done $0x0;
	s14 =	simm.s32 @!p0 $0x0  }
0x2e: {  	[sflag:s6] =	ssyncadd.s32 $0xFFFFC180;
	(ifvalue) =	ssetifvalue $0x7FFFFFFF;
	v0 =	vld.msk [tilespmem:s14+$0x0 ss:$0x1], $0xffff;
	_ =	sdelay $0x4  }
0x2f: {  	s15 =	sadd.s32 $0x10, s14;
	vm1 =	vgt.s32 v0, $0x0  }
0x30: {  	v2 =	vld.msk [tilespmem:s15+$0x0 ss:$0x1], $0xffff;
	v1 =	vnsel vm1, $0x0, v0  }
0x31: {  	v1 =	vmin.u32 v1, $0x9C3FF;
	_ =	sdelay $0x2  }
0x32: {  	s17 =	simm.s32 $0x20;
	s14 =	sadd.s32 $0x7D00, s14;
	s16 =	sadd.s32 $0x10, s15  }
0x33: {  	s15 =	sadd.s32 $0x10, s14;
	s18 =	smov.u32 s14;
	v0 =	vld.msk [tilespmem:s16+$0x0 ss:$0x1], $0xffff;
	vm1 =	vgt.s32 v2, $0x0;
	(ifvalue) =	ssetifvalue $0x7FFFFFFF  }
.LBB2_3:
0x34: {  	[tilespmem:s18], [sflag:$0x1] =	stream.indirect_vreg.gather [hbm4b:s2+s10], $0x1, v1, vm0, $0x4038;
	[tilespmem:$0xFA00] =	vst v63  }
0x35: {  	s17 =	sadd.s32 $0x10, s17  }
0x36: {  	v2 =	vnsel vm1, $0x0, v2;
	p0 =	slt.u32 s17, $0x3E70  }
.Ltmp3:
0x37: {  	s18 =	smov.u32 s15;
	v1 =	vmin.u32 v2, $0x9C3FF;
	(pc) =	sbr.rel @p0 .LBB2_3-.Ltmp3, $3  }
0x38: {  	_ =	sdelay $0x1  }
0x39: {  	s16 =	sadd.s32 $0x10, s16  }
0x3a: {  	vm1 =	vgt.s32 v0, $0x0;
	s15 =	sadd.s32 $0x10, s15;
	v2 =	vmov v0;
	(ifvalue) =	ssetifvalue $0x7FFFFFFF;
	v0 =	vld.msk [tilespmem:s16+$0x0 ss:$0x1], $0xffff  }
.Ltmp4:
0x3b: {  	_ = 	snop;
	(pc) =	sbr.rel .LBB2_4-.Ltmp4, $1  }
0x3c: {  	_ =	sdelay $0x3  }
.LBB2_6:
0x3d: {  	_ =	sfence.sel $0x180000  }
0x3e: {  	s2 =	simm.s32 $0x2;
	[bflag:$0x0] =	sbarrier.arrive $0xFFFF  }
0x3f: {  	s30 =	simm.s32 $0x3;
	[sflag:s2] =	ssyncpa.u1 $0x1  }
0x40: {  	s31 =	simm.s32 $0x1;
	[sflag:s30] =	ssyncpa.u1 $0x1  }
0x41: {  	[sflag:s31] =	ssyncpa.u1 $0x1  }
0x42: {  	p0 =	sne.s32 s1, $0x0;
	_ =	strace $0x9000004A  }
0x43: {  	s0 =	sadd.s32 @!p0 $0x100000, s0;
	[bflag:$0x2] =	sbarrier.arrive $0xFFFF  }
0x44: {  	[sflag:s0] =	ssyncadd.tile.s32 @!p0 $0x1;
	_ =	shalt  }
.Lfunc_end2:
_tile_overlayer_lowered:
.L_overlay_start_2:
0x45: {  	(tag) =	ssettag $0x2  }
0x46: {  	s0 =	rddreg [dreg:$0x0];
	s2 =	stileid.u32  }
0x47: {  	s1 =	rddreg [dreg:$0x1];
	p0 =	sne.s32 s2, $0x0  }
0x48: {  	s3 =	rddreg [dreg:$0x2];
	[bflag:$0x3] =	sbarrier.arrive $0xFFFF;
	s2 =	simm.s32 @!p0 $0x1C01  }
0x49: {  	[timem:s3], [sflag:s2] =	dma.local @!p0 [hbm:s0], s1  }
0x4a: {  	s0 =	simm.s32 @!p0 $0x1  }
0x4b: {  	_ =	swait.ge @!p0 [sflag:s0], s1  }
0x4c: {  	s1 =	ssub.s32 @!p0 $0x0, s1;
	[sflag:s0] =	ssyncset.done @!p0 $0x0  }
0x4d: {  	[sflag:s0] =	ssyncadd.s32 @!p0 s1  }
0x4e: {  	[bflag:$0x3] =	sbarrier.arrive $0xFFFF  }
0x4f: {  	_ =	shalt  }

// kernel: kernel.10.cloned.1.call-start
scs
__scs_entry_jumppad:
0x0: {  	(pc) =	sbr.rel $0x88, $3  }
0x1: {  	(tag) =	ssettag $0x0;
	lr =	simm.s32 $0x1  }
0x2: {  	[smem:$0x3F93] =	sst lr;
	_ =	strace $0xD0000000  }
0x3: {  	_ = 	snop  }
0x4: {  	_ = 	snop  }
0x5: {  	_ = 	snop  }
0x6: {  	_ = 	snop  }
0x7: {  	_ = 	snop  }
__scs_overlays_trampoline_lowered:
0x8: {  	[smem:$0x3FA2] =	sst s0  }
0x9: {  	[smem:$0x3FA3] =	sst s1  }
0xa: {  	[smem:$0x3FA4] =	sst s2  }
0xb: {  	[smem:$0x3FA5] =	sst s3  }
0xc: {  	[smem:$0x3FA6] =	sst s4  }
0xd: {  	[smem:$0x3FA7] =	sst s5  }
0xe: {  	[smem:$0x3FA8] =	sst s6  }
0xf: {  	[smem:$0x3FA9] =	sst s7  }
0x10: {  	[smem:$0x3FAA] =	sst s8  }
0x11: {  	[smem:$0x3FAB] =	sst s9;
	s0 =	simm.s32 @!p0 $0x0  }
0x12: {  	s1 =	sld [smem:$0x3F91];
	s0 =	simm.s32 @p0 $0x1  }
0x13: {  	[smem:$0x3FAC] =	sst s0;
	s0 =	simm.s32 @!p1 $0x0  }
0x14: {  	s2 =	sld [smem:$0x3F90];
	s0 =	simm.s32 @p1 $0x1  }
0x15: {  	[smem:$0x3FAD] =	sst s0;
	s0 =	simm.s32 @!p2 $0x0  }
0x16: {  	s3 =	sld [smem:$0x3FDB];
	s0 =	simm.s32 @p2 $0x1  }
0x17: {  	s4 =	simm.s32 $0x1BF5;
	[smem:$0x3FAF] =	sst s0  }
0x18: {  	s0 =	sld [smem:$0x3F92];
	_ =	swait.ge [sflag:s4], $0x0  }
0x19: {  	s7 =	sld [smem:$0x3F93]  }
0x1a: {  	s8 =	sadd.s32 $0xFFFFE003, lr  }
0x1b: {  	s9 =	sadd.s32 $0xFFFFFEF7, lr;
	s5 =	simm.s32 $0xFFFFFFFF;
	p2 =	slt.u32 s8, $0xFFFFF086  }
0x1c: {  	p1 =	slt.u32 s9, $0xF7A;
	s5 =	simm.s32 @!p2 $0x0  }
0x1d: {  	s5 =	simm.s32 @p1 $0x1;
	p0 =	seq.s32 s7, s2  }
0x1e: {  	s7 =	smul.u32 @!p0 $0xF7A, s2;
	p2 =	seq.s32 @!p0 s5, $0x0  }
0x1f: {  	s9 =	smul.u32 $0xF7A, s1;
	s8 =	simm.s32 @!p0 $0x1BF5;
	p2 =	por !p2, p0  }
0x20: {  	[sflag:s8] =	ssyncset.s32 @!p0 $0xFFFFF086;
	s6 =	sadd.s32 @!p0 s3, s7;
	s7 =	simm.s32 @!p0 $0x108  }
0x21: {  	s3 =	sadd.s32 s3, s9;
	s6 =	sadd.s32 @!p0 $0x88, s6;
	s7 =	simm.s32 @p2 $0x1082  }
0x22: {  	[simem:s7], [sflag:s8] =	dma.local @!p0 [hbm:s6], $0xF7A  }
0x23: {  	s9 =	sor.u32 $0xD0000000, s2;
	s6 =	simm.s32 $0x108;
	_ =	swait.ge @!p0 [sflag:s8], $0x0  }
0x24: {  	s3 =	sadd.s32 $0x88, s3;
	s6 =	simm.s32 @!p1 $0x1082;
	[sflag:s4] =	ssyncset.s32 $0xFFFFF086  }
0x25: {  	[simem:s6], [sflag:s4] =	dma.local [hbm:s3], $0xF7A  }
0x26: {  	[smem:$0x3F93] =	sst s1;
	(tag) =	ssettag s2;
	_ =	strace s9  }
0x27: {  	s1 =	sld [smem:$0x3FA3]  }
0x28: {  	s2 =	sld [smem:$0x3FA4]  }
0x29: {  	s4 =	sld [smem:$0x3FA6]  }
0x2a: {  	p0 =	seq.s32 s5, $0x0;
	s5 =	sld [smem:$0x3FA7]  }
0x2b: {  	s6 =	sld [smem:$0x3FA8]  }
0x2c: {  	s7 =	sld [smem:$0x3FA9]  }
0x2d: {  	s3 =	simm.s32 $0x108;
	s8 =	sld [smem:$0x3FAA]  }
0x2e: {  	s3 =	simm.s32 @!p0 $0x1082;
	s9 =	sld [smem:$0x3FAB]  }
0x2f: {  	lr =	sadd.s32 s0, s3;
	s0 =	sld [smem:$0x3FA2]  }
0x30: {  	s3 =	sld [smem:$0x3FA5]  }
0x31: {  	[smem:$0x3FAE] =	sst s10  }
0x32: {  	s10 =	sld [smem:$0x3FAC];
	_ =	sdelay $0x3  }
0x33: {  	p0 =	seq.s32 s10, $0x1;
	s10 =	sld [smem:$0x3FAE];
	_ =	sdelay $0x3  }
0x34: {  	[smem:$0x3FAE] =	sst s10  }
0x35: {  	s10 =	sld [smem:$0x3FAD];
	_ =	sdelay $0x3  }
0x36: {  	p1 =	seq.s32 s10, $0x1;
	s10 =	sld [smem:$0x3FAE];
	_ =	sdelay $0x3  }
0x37: {  	[smem:$0x3FAE] =	sst s10  }
0x38: {  	s10 =	sld [smem:$0x3FAF]  }
0x39: {  	_ = 	snop;
	(pc) =	sbr.ind lr, $3  }
0x3a: {  	_ = 	snop  }
0x3b: {  	_ = 	snop  }
0x3c: {  	p2 =	seq.s32 s10, $0x1;
	s10 =	sld [smem:$0x3FAE]  }
0x3d: {  	_ =	shalt  }
0x3e: {  	_ =	shalt  }
0x3f: {  	_ =	shalt  }
0x40: {  	_ =	shalt  }
0x41: {  	_ =	shalt  }
0x42: {  	_ =	shalt  }
0x43: {  	_ =	shalt  }
0x44: {  	_ =	shalt  }
0x45: {  	_ =	shalt  }
0x46: {  	_ =	shalt  }
0x47: {  	_ =	shalt  }
0x48: {  	_ =	shalt  }
0x49: {  	_ =	shalt  }
0x4a: {  	_ =	shalt  }
0x4b: {  	_ =	shalt  }
0x4c: {  	_ =	shalt  }
0x4d: {  	_ =	shalt  }
0x4e: {  	_ =	shalt  }
0x4f: {  	_ =	shalt  }
0x50: {  	_ =	shalt  }
0x51: {  	_ =	shalt  }
0x52: {  	_ =	shalt  }
0x53: {  	_ =	shalt  }
0x54: {  	_ =	shalt  }
0x55: {  	_ =	shalt  }
0x56: {  	_ =	shalt  }
0x57: {  	_ =	shalt  }
0x58: {  	_ =	shalt  }
0x59: {  	_ =	shalt  }
0x5a: {  	_ =	shalt  }
0x5b: {  	_ =	shalt  }
0x5c: {  	_ =	shalt  }
0x5d: {  	_ =	shalt  }
0x5e: {  	_ =	shalt  }
0x5f: {  	_ =	shalt  }
0x60: {  	_ =	shalt  }
0x61: {  	_ =	shalt  }
0x62: {  	_ =	shalt  }
0x63: {  	_ =	shalt  }
0x64: {  	_ =	shalt  }
0x65: {  	_ =	shalt  }
0x66: {  	_ =	shalt  }
0x67: {  	_ =	shalt  }
0x68: {  	_ =	shalt  }
0x69: {  	_ =	shalt  }
0x6a: {  	_ =	shalt  }
0x6b: {  	_ =	shalt  }
0x6c: {  	_ =	shalt  }
0x6d: {  	_ =	shalt  }
0x6e: {  	_ =	shalt  }
0x6f: {  	_ =	shalt  }
0x70: {  	_ =	shalt  }
0x71: {  	_ =	shalt  }
0x72: {  	_ =	shalt  }
0x73: {  	_ =	shalt  }
0x74: {  	_ =	shalt  }
0x75: {  	_ =	shalt  }
0x76: {  	_ =	shalt  }
0x77: {  	_ =	shalt  }
0x78: {  	_ =	shalt  }
0x79: {  	_ =	shalt  }
0x7a: {  	_ =	shalt  }
0x7b: {  	_ =	shalt  }
0x7c: {  	_ =	shalt  }
0x7d: {  	_ =	shalt  }
0x7e: {  	_ =	shalt  }
0x7f: {  	_ =	shalt  }
0x80: {  	_ =	shalt  }
0x81: {  	_ =	shalt  }
0x82: {  	_ =	shalt  }
0x83: {  	_ =	shalt  }
0x84: {  	_ =	shalt  }
0x85: {  	_ =	shalt  }
0x86: {  	_ =	shalt  }
0x87: {  	_ =	shalt  }
.Lfunc_end0:
.L_simem_size_0:
called_computation.3_lowered:
.L_overlay_start_0:
0x88: {  	s2 =	sld [smem:$0x3FD9]  }
0x89: {  	s3 =	sld [smem:$0x3FFE];
	_ =	sdelay $0x1  }
0x8a: {  	s1 =	srdreg.scid  }
0x8b: {  	s0 =	sand.u32 $0x1, s1  }
0x8c: {  	s17 =	sshll.u32 s0, $0xA;
	s2 =	sadd.s32 s3, s2  }
0x8d: {  	s2 =	sadd.s32 s2, s17  }
0x8e: {  	[smem:$0x3FBA] =	sst s2  }
0x8f: {  	_ = 	snop  }
0x90: {  	s2 =	sld [smem:$0x3FD0];
	(tm) =	ssettm $0x1  }
0x91: {  	s18 =	sld [smem:$0x3FFB];
	_ =	sdelay $0x3  }
0x92: {  	_ =	strace s18  }
0x93: {  	s3 =	sld [smem:$0x3FFC];
	_ =	sdelay $0x3  }
0x94: {  	_ =	strace s3  }
0x95: {  	s3 =	sld [smem:$0x3FFD];
	_ =	sdelay $0x3  }
0x96: {  	_ =	strace s3  }
0x97: {  	_ =	strace $0x8FFFFFFF  }
0x98: {  	s19 =	sld [smem:$0x3FDB];
	_ =	sdelay $0x1  }
0x99: {  	s4 =	simm.s32 $_scs_section_size  }
0x9a: {  	s5 =	simm.s32 $_size__tile_overlayer_lowered;
	s6 =	simm.s32 $_tile_overlayer_lowered  }
0x9b: {  	s22 =	simm.s32 $0x1BFF;
	s21 =	sshll.u32 s6, $0x1;
	s3 =	sadd.s32 s4, s19  }
0x9c: {  	s7 =	simm.s32 $0x0;
	s20 =	sshll.u32 s5, $0x1;
	s5 =	sadd.s32 s21, s3  }
0x9d: {  	[timem:s7], [sflag:s22] =	dma.local [hbm:s5], s20  }
0x9e: {  	_ =	swait.ge [sflag:s22], s20  }
0x9f: {  	s4 =	ssub.s32 $0x0, s20;
	[sflag:s22] =	ssyncset.done $0x0  }
0xa0: {  	[sflag:s22] =	ssyncadd.s32 s4;
	_ =	sdelay $0x1  }
0xa1: {  	s23 =	simm.s32 $0x1B8B  }
0xa2: {  	_ =	swait.ge [sflag:s23], $0x1  }
0xa3: {  	[sflag:s23] =	ssyncset.done $0x0  }
0xa4: {  	s25 =	simm.s32 $0x1B8E;
	s24 =	sld [smem:$0x3FFE];
	[sflag:s23] =	ssyncadd.s32 $0xFFFFFFFF  }
0xa5: {  	s26 =	simm.s32 $execute0_lowered;
	[smem:$0x3FD2] =	sst s25  }
0xa6: {  	s5 =	sshll.u32 s26, $0x1;
	_ =	strace $0x8000004F;
	[dreg:$0x1] =	wrdreg $0xFFFFFFFF  }
0xa7: {  	s28 =	simm.s32 $_size_execute0_lowered;
	s3 =	sadd.s32 s3, s5;
	[dreg:$0x0] =	wrdreg $0x0  }
0xa8: {  	s5 =	sshll.u32 s28, $0x1;
	[dreg:$0x2] =	wrdreg s3  }
0xa9: {  	[dreg:$0x3] =	wrdreg s5  }
0xaa: {  	[dreg:$0x4] =	wrdreg $0xC0  }
0xab: {  	_ =	task [dreg:s7], $0x5FFFF  }
0xac: {  	[dreg:$0x1] =	wrdreg $0xFFFFFFFF  }
0xad: {  	[dreg:$0x0] =	wrdreg $0x60  }
0xae: {  	[dreg:$0x2] =	wrdreg s24  }
0xaf: {  	[dreg:$0x3] =	wrdreg s2  }
0xb0: {  	[dreg:$0x4] =	wrdreg $0x83800  }
0xb1: {  	[dreg:$0x5] =	wrdreg $0x9  }
0xb2: {  	_ =	task.clear_ibuf [dreg:s7], $0x6FFFF;
	_ =	strace $0x9000004F  }
0xb3: {  	s29 =	simm.s32 $0x9;
	_ =	strace $0x80000051  }
0xb4: {  	_ =	swait.ge [sflag:s29], $0x1  }
0xb5: {  	[sflag:s29] =	ssyncadd.s32 $0xFFFFFFFF  }
0xb6: {  	_ =	strace $0x90000051  }
0xb7: {  	_ =	sfence  }
0xb8: {  	s30 =	sld [smem:$0x0];
	_ =	sdelay $0x2  }
0xb9: {  	s31 =	sshll.u32 s1, $0xD;
	s1 =	sshrl.u32 s1, $0x2  }
0xba: {  	s3 =	sand.u32 $0x4000, s31;
	s1 =	sadd.s32 s1, s30  }
0xbb: {  	s0 =	sor.u32 s3, s0;
	s1 =	sshll.u32 s1, $0x11  }
0xbc: {  	s0 =	sor.u32 s1, s0  }
0xbd: {  	s0 =	sadd.s32 $0x8F2B, s0  }
0xbe: {  	[sflag:s0] =	ssyncadd.remote.s32 $0x1  }
0xbf: {  	_ =	sfence.sel $0xFFFF  }
0xc0: {  	[dreg:$0x0] =	wrdreg $0xFFFFFFFF;
	(pc) =	sbr.abs _section_cstart, $3  }
0xc1: {  	[dreg:$0x1] =	wrdreg $0xFFFFFFFF  }
0xc2: {  	_ =	task.clear_ibuf [dreg:s7], $0x2FFFF;
	_ =	strace $0x9FFFFFFF  }
0xc3: {  	(tm) =	ssettm $0x7FFFFFFF  }
tec
execute0_lowered:
.L_overlay_start_1:
0x0: {  	(tag) =	ssettag $0x1  }
0x1: {  	s0 =	rddreg [dreg:$0x0]  }
0x2: {  	s1 =	rddreg [dreg:$0x1]  }
0x3: {  	s2 =	rddreg [dreg:$0x2];
	s3 =	simm.s32 $0x0  }
0x4: {  	s4 =	srdreg.scid;
	s10 =	stileid.u32;
	s28 =	simm.s32 $0x200  }
0x5: {  	s29 =	simm.s32 $0x4200;
	s30 =	simm.s32 $0x5;
	s31 =	simm.s32 $0x4280  }
0x6: {  	[smem:$0x7FF] =	sst s3;
	s4 =	sand.u32 $0x1, s4;
	s5 =	sadd.s32 $0x18CE600, s0  }
0x7: {  	s6 =	sadd.s32 $0x16000, s0;
	s8 =	sadd.s32 $0x532C00, s0;
	s0 =	sadd.s32 $0x29A00, s0  }
0x8: {  	s17 =	sshll.u32 s10, $0xE;
	s12 =	sor.u32 $0x10, s10;
	s21 =	sshll.u32 s10, $0xB  }
0x9: {  	s22 =	sadd.s32 $0x1, s10;
	_ =	strace $0x80000050;
	s7 =	ssub.s32 $0x2, s4  }
0xa: {  	[dreg:$0x4] =	wrdreg s8;
	s11 =	smul.u32 $0xA, s4;
	s9 =	sadd.s32 s17, s2  }
0xb: {  	s18 =	sshll.u32 s12, $0xE;
	s17 =	sor.u32 $0x30, s10;
	[dreg:$0x6] =	wrdreg s22  }
0xc: {  	s4 =	sadd.s32 s0, s21;
	[dreg:$0x5] =	wrdreg s12;
	s23 =	sshll.u32 s12, $0xB  }
0xd: {  	s8 =	simm.s32 $0x0;
	s16 =	sshrl.u32 s7, $0x1;
	s13 =	sadd.s32 s18, s2  }
0xe: {  	s20 =	sshll.u32 s17, $0xE;
	[dreg:$0x7] =	wrdreg s4;
	s4 =	sadd.s32 s0, s23  }
0xf: {  	s25 =	sshll.u32 s17, $0xB;
	s23 =	simm.s32 $0x1;
	s7 =	ssub.s32 s7, s16  }
0x10: {  	s16 =	sor.u32 $0x20, s10;
	s15 =	sadd.s32 s20, s2;
	[dreg:$0x8] =	wrdreg s4  }
0x11: {  	s20 =	smov.u32 s17;
	s18 =	smov.u32 s11;
	s19 =	sshll.u32 s16, $0xE  }
.Ltmp0:
0x12: {  	s24 =	sshll.u32 s16, $0xB;
	s26 =	smax.u32 s7, $0x1;
	(pc) =	sbr.rel .LBB2_1-.Ltmp0, $4  }
0x13: {  	s7 =	simm.s32 $0x180;
	s14 =	sadd.s32 s19, s2;
	s19 =	smov.u32 s16  }
0x14: {  	v0 =	vlaneseq.u32;
	s4 =	sadd.s32 s0, s24;
	s0 =	sadd.s32 s0, s25;
	[dreg:$0xb] =	wrdreg s26  }
0x15: {  	v2 =	vand.u32 $0x7, v0;
	s24 =	simm.s32 $0x80;
	s25 =	simm.s32 $0x4;
	[dreg:$0x9] =	wrdreg s4  }
0x16: {  	v1 =	vimm.f32 $0.0e+00;
	v2 =	vor.u32 $0x2000, v2;
	v3 =	vmov s11;
	s26 =	simm.s32 $0x100;
	[dreg:$0xa] =	wrdreg s0;
	s0 =	simm.s32 $0x4380  }
.LBB2_14:
0x17: {  	s8 =	rddreg [dreg:$0xc]  }
0x18: {  	s4 =	rddreg [dreg:$0xb];
	s8 =	sadd.s32 $0x1, s8  }
0x19: {  	p0 =	sne.s32 s8, s4  }
.Ltmp1:
0x1a: {  	_ = 	snop;
	(pc) =	sbr.rel @!p0 .LBB2_15-.Ltmp1, $1  }
0x1b: {  	_ =	sdelay $0x3  }
.LBB2_1:
0x1c: {  	[dreg:$0xc] =	wrdreg s8  }
.Ltmp2:
0x1d: {  	s4 =	rddreg [dreg:$0x4];
	s22 =	simm.s32 $0x3;
	(pc) =	sbr.rel .LBB2_2-.Ltmp2, $4  }
0x1e: {  	[tilespmem:s3], [sflag:$0x3] =	stream.linear.gather [hbm4b:s4+s3], $0x80, $0x38;
	[tilespmem:$0x183C0] =	vst v63  }
0x1f: {  	_ =	swait.ge [sflag:s22], $0x80  }
0x20: {  	[sflag:s22] =	ssyncset.done $0x0  }
0x21: {  	[sflag:s22] =	ssyncadd.s32 $0xFFFFFF80;
	s22 =	simm.s32 $0x0  }
.LBB2_13:
0x22: {  	[bflag:$0x0] =	sbarrier.arrive $0xFFFF;
	s4 =	simm.s32 @!p3 $0x200;
	s8 =	simm.s32 @!p3 $0x4  }
0x23: {  	[tilespmem:s4], [sflag:$0x4] =	stream.linear.gather @!p3 [spmem:s9], $0x4000, $0x38;
	[tilespmem:$0x183C0] =	vst v63  }
0x24: {  	_ =	swait.ge @!p3 [sflag:s8], $0x4000  }
0x25: {  	s10 =	sshll.u32 @!p3 s21, $0x11;
	[sflag:s8] =	ssyncset.done @!p3 $0x0;
	s11 =	rddreg [dreg:$0x7]  }
0x26: {  	[sflag:s8] =	ssyncadd.s32 @!p3 $0xFFFFC000;
	s10 =	sadd.s32 @!p3 s10, s11;
	s11 =	simm.s32 @!p3 $0x0  }
0x27: {  	[hbm4b:s10+s11] =	stream.linear.scatter @!p3 [tilespmem:s4], [sflag:$0x4], $0x4000, $0x38;
	[tilespmem:$0x183C0] =	vst v63  }
0x28: {  	_ =	swait.ge @!p3 [sflag:s8], $0x4000  }
0x29: {  	[sflag:s8] =	ssyncset.done @!p3 $0x0  }
0x2a: {  	s4 =	simm.s32 @!p2 $0x200;
	[sflag:s8] =	ssyncadd.s32 @!p3 $0xFFFFC000;
	s8 =	simm.s32 @!p2 $0x4  }
0x2b: {  	[tilespmem:s4], [sflag:$0x4] =	stream.linear.gather @!p2 [spmem:s13], $0x4000, $0x38;
	[tilespmem:$0x183C0] =	vst v63  }
0x2c: {  	_ =	swait.ge @!p2 [sflag:s8], $0x4000  }
0x2d: {  	s10 =	sshll.u32 @!p2 s21, $0x11;
	[sflag:s8] =	ssyncset.done @!p2 $0x0;
	s11 =	rddreg [dreg:$0x8]  }
0x2e: {  	[sflag:s8] =	ssyncadd.s32 @!p2 $0xFFFFC000;
	s10 =	sadd.s32 @!p2 s10, s11;
	s11 =	simm.s32 @!p2 $0x0  }
0x2f: {  	[hbm4b:s10+s11] =	stream.linear.scatter @!p2 [tilespmem:s4], [sflag:$0x4], $0x4000, $0x38;
	[tilespmem:$0x183C0] =	vst v63  }
0x30: {  	_ =	swait.ge @!p2 [sflag:s8], $0x4000  }
0x31: {  	[sflag:s8] =	ssyncset.done @!p2 $0x0  }
0x32: {  	s4 =	simm.s32 @!p1 $0x200;
	[sflag:s8] =	ssyncadd.s32 @!p2 $0xFFFFC000;
	s8 =	simm.s32 @!p1 $0x4  }
0x33: {  	[tilespmem:s4], [sflag:$0x4] =	stream.linear.gather @!p1 [spmem:s14], $0x4000, $0x38;
	[tilespmem:$0x183C0] =	vst v63  }
0x34: {  	_ =	swait.ge @!p1 [sflag:s8], $0x4000  }
0x35: {  	s10 =	sshll.u32 @!p1 s21, $0x11;
	[sflag:s8] =	ssyncset.done @!p1 $0x0;
	s11 =	rddreg [dreg:$0x9]  }
0x36: {  	[sflag:s8] =	ssyncadd.s32 @!p1 $0xFFFFC000;
	s10 =	sadd.s32 @!p1 s10, s11;
	s11 =	simm.s32 @!p1 $0x0  }
0x37: {  	[hbm4b:s10+s11] =	stream.linear.scatter @!p1 [tilespmem:s4], [sflag:$0x4], $0x4000, $0x38;
	[tilespmem:$0x183C0] =	vst v63  }
0x38: {  	_ =	swait.ge @!p1 [sflag:s8], $0x4000  }
0x39: {  	[sflag:s8] =	ssyncset.done @!p1 $0x0  }
0x3a: {  	s4 =	simm.s32 @!p0 $0x200;
	[sflag:s8] =	ssyncadd.s32 @!p1 $0xFFFFC000;
	s8 =	simm.s32 @!p0 $0x4  }
0x3b: {  	[tilespmem:s4], [sflag:$0x4] =	stream.linear.gather @!p0 [spmem:s15], $0x4000, $0x38;
	[tilespmem:$0x183C0] =	vst v63  }
0x3c: {  	_ =	swait.ge @!p0 [sflag:s8], $0x4000  }
0x3d: {  	s22 =	sadd.s32 $0x1, s22;
	[sflag:s8] =	ssyncset.done @!p0 $0x0  }
0x3e: {  	s10 =	sshll.u32 @!p0 s21, $0x11;
	[sflag:s8] =	ssyncadd.s32 @!p0 $0xFFFFC000;
	s8 =	rddreg [dreg:$0xa]  }
0x3f: {  	p1 =	sne.s32 s22, $0xA;
	s8 =	sadd.s32 @!p0 s10, s8;
	s10 =	simm.s32 @!p0 $0x0  }
0x40: {  	[hbm4b:s8+s10] =	stream.linear.scatter @!p0 [tilespmem:s4], [sflag:$0x3], $0x4000, $0x38;
	[tilespmem:$0x183C0] =	vst v63  }
.Ltmp3:
0x41: {  	_ = 	snop;
	(pc) =	sbr.rel @!p1 .LBB2_14-.Ltmp3, $4  }
0x42: {  	s4 =	simm.s32 @!p0 $0x3  }
0x43: {  	_ =	swait.ge @!p0 [sflag:s4], $0x4000  }
0x44: {  	[sflag:s4] =	ssyncset.done @!p0 $0x0  }
0x45: {  	[sflag:s4] =	ssyncadd.s32 @!p0 $0xFFFFC000  }
.LBB2_2:
0x46: {  	s4 =	simm.s32 $0x0  }
0x47: {  	s8 =	sand.u32 $0xFE00, s4  }
0x48: {  	s10 =	sand.u32 $0x70, s4;
	s11 =	sshrl.u32 s8, $0x2  }
0x49: {  	s8 =	simm.s32 $0x40;
	s11 =	sor.u32 s10, s11  }
.LBB2_3:
0x4a: {  	p0 =	sne.s32 s8, $0xFFC0  }
0x4b: {  	[tilespmem:s11+$0x200] =	vst v1;
	s4 =	sadd.s32 $0x10, s4;
	s10 =	smov.u32 s8;
	s8 =	sadd.s32 $0x40, s8  }
.Ltmp4:
0x4c: {  	(pc) =	sbr.rel @p0 .LBB2_3-.Ltmp4, $4  }
0x4d: {  	_ = 	snop  }
0x4e: {  	s10 =	sand.u32 $0xFE00, s10  }
0x4f: {  	s11 =	sand.u32 $0x70, s4;
	s10 =	sshrl.u32 s10, $0x2  }
0x50: {  	s11 =	sor.u32 s11, s10  }
0x51: {  	s21 =	sadd.s32 s18, s22  }
0x52: {  	s10 =	sshll.u32 s21, $0xD  }
0x53: {  	s4 =	ssub.s32 $0x27100, s10  }
0x54: {  	p0 =	slt.s32 s4, $0x2000  }
0x55: {  	s4 =	simm.s32 @!p0 $0x2000  }
0x56: {  	s12 =	stileid.u32;
	s4 =	sshra.s32 s4, $0x7  }
0x57: {  	p3 =	sge.s32 s12, s4  }
0x58: {  	[tilespmem:s11+$0x200] =	vst v1;
	s8 =	simm.s32 @!p3 $0x200  }
0x59: {  	[spmem:s9] =	stream.linear.scatter @!p3 [tilespmem:s8], [sflag:$0x4], $0x4000, $0x38;
	[tilespmem:$0x183C0] =	vst v63  }
0x5a: {  	s8 =	simm.s32 @!p3 $0x4  }
0x5b: {  	_ =	swait.ge @!p3 [sflag:s8], $0x4000  }
0x5c: {  	s17 =	rddreg [dreg:$0x5]  }
0x5d: {  	[sflag:s8] =	ssyncset.done @!p3 $0x0;
	p2 =	sge.s32 s17, s4  }
0x5e: {  	[sflag:s8] =	ssyncadd.s32 @!p3 $0xFFFFC000;
	s8 =	simm.s32 @!p2 $0x200  }
0x5f: {  	[spmem:s13] =	stream.linear.scatter @!p2 [tilespmem:s8], [sflag:$0x4], $0x4000, $0x38;
	[tilespmem:$0x183C0] =	vst v63  }
0x60: {  	s8 =	simm.s32 @!p2 $0x4  }
0x61: {  	_ =	swait.ge @!p2 [sflag:s8], $0x4000  }
0x62: {  	p1 =	sge.s32 s19, s4;
	[sflag:s8] =	ssyncset.done @!p2 $0x0  }
0x63: {  	[sflag:s8] =	ssyncadd.s32 @!p2 $0xFFFFC000;
	s8 =	simm.s32 @!p1 $0x200  }
0x64: {  	[spmem:s14] =	stream.linear.scatter @!p1 [tilespmem:s8], [sflag:$0x4], $0x4000, $0x38;
	[tilespmem:$0x183C0] =	vst v63  }
0x65: {  	s8 =	simm.s32 @!p1 $0x4  }
0x66: {  	_ =	swait.ge @!p1 [sflag:s8], $0x4000  }
0x67: {  	p0 =	sge.s32 s20, s4;
	[sflag:s8] =	ssyncset.done @!p1 $0x0  }
0x68: {  	s4 =	simm.s32 @!p0 $0x200;
	[sflag:s8] =	ssyncadd.s32 @!p1 $0xFFFFC000  }
0x69: {  	[spmem:s15] =	stream.linear.scatter @!p0 [tilespmem:s4], [sflag:$0x4], $0x4000, $0x38;
	[tilespmem:$0x183C0] =	vst v63  }
0x6a: {  	s4 =	simm.s32 @!p0 $0x4  }
0x6b: {  	_ =	swait.ge @!p0 [sflag:s4], $0x4000  }
0x6c: {  	[sflag:s4] =	ssyncset.done @!p0 $0x0  }
0x6d: {  	[sflag:s4] =	ssyncadd.s32 @!p0 $0xFFFFC000  }
0x6e: {  	[bflag:$0x0] =	sbarrier.arrive $0xFFFF  }
0x6f: {  	v4 =	vld.idx.msk [tilespmem:v3+s22+$0x0 ss:$0x1], $0xffff;
	_ =	sdelay $0x4  }
0x70: {  	(v2sf) =	vpush v4, $0x0  }
0x71: {  	(v2sf) =	vpush v4, $0x1;
	_ =	sdelay $0xd  }
0x72: {  	s4 =	spop (v2sf)  }
0x73: {  	s16 =	spop (v2sf)  }
0x74: {  	s8 =	ssub.s32 s16, s4  }
0x75: {  	s17 =	rddreg [dreg:$0x6];
	s11 =	smul.u32 s12, s8  }
0x76: {  	s8 =	smul.u32 s17, s8  }
0x77: {  	s12 =	sshra.s32 s11, $0x1F  }
0x78: {  	s16 =	sand.u32 $0xF, s11;
	p4 =	slt.s32 s11, $0x1;
	s17 =	sand.u32 $0xF, s8  }
0x79: {  	p6 =	slt.s32 s8, $0x1;
	s12 =	sshrl.u32 s12, $0x1C;
	p5 =	sne.s32 s16, $0x0  }
0x7a: {  	s16 =	simm.s32 $0x1;
	s11 =	sadd.s32 s12, s11;
	p4 =	por !p4, !p5  }
0x7b: {  	p5 =	sne.s32 s17, $0x0;
	s17 =	sshra.s32 s8, $0x1F;
	p4 =	por !p4, !p4  }
0x7c: {  	s11 =	sshra.s32 s11, $0x4;
	s12 =	sshrl.u32 s17, $0x1C;
	s16 =	simm.s32 @!p4 $0x0  }
0x7d: {  	s11 =	sadd.s32 s4, s11;
	s8 =	sadd.s32 s12, s8;
	p4 =	por !p6, !p5  }
0x7e: {  	s12 =	simm.s32 $0x1;
	s8 =	sshra.s32 s8, $0x4;
	p4 =	por !p4, !p4  }
0x7f: {  	s11 =	ssub.s32 s11, s16;
	s4 =	sadd.s32 s4, s8;
	s12 =	simm.s32 @!p4 $0x0  }
0x80: {  	s16 =	ssub.s32 s4, s12;
	s12 =	sand.u32 $0xFFFFFFF8, s11  }
0x81: {  	s4 =	ssub.s32 s16, s12  }
0x82: {  	s4 =	sadd.s32 $0x7F, s4  }
0x83: {  	s17 =	sand.u32 $0x7F, s4  }
0x84: {  	p6 =	slt.s32 s4, $0x1;
	p5 =	sne.s32 s17, $0x0;
	s17 =	sshra.s32 s4, $0x1F  }
0x85: {  	s8 =	sshrl.u32 s17, $0x19;
	p4 =	por !p6, !p5  }
0x86: {  	s4 =	sadd.s32 s8, s4;
	p4 =	por !p4, !p4;
	s8 =	simm.s32 $0x1  }
0x87: {  	s4 =	sshra.s32 s4, $0x7;
	s8 =	simm.s32 @!p4 $0x0  }
0x88: {  	s4 =	ssub.s32 s4, s8  }
0x89: {  	p4 =	slt.s32 s4, $0x1  }
.Ltmp5:
0x8a: {  	_ = 	snop;
	(pc) =	sbr.rel @p4 .LBB2_6-.Ltmp5, $1  }
0x8b: {  	_ =	sdelay $0x3  }
0x8c: {  	s8 =	sshrl.u32 s11, $0x3  }
0x8d: {  	s17 =	sadd.s32 s1, s8  }
0x8e: {  	[tilespmem:s24], [sflag:$0x4] =	stream.linear.gather [hbm4b:s17+s3], $0x80, $0x38;
	[tilespmem:$0x183C0] =	vst v63  }
0x8f: {  	_ =	swait.ge [sflag:s25], $0x80  }
0x90: {  	[sflag:s25] =	ssyncset.done $0x0  }
0x91: {  	s8 =	sadd.s32 s6, s8;
	[sflag:s25] =	ssyncadd.s32 $0xFFFFFF80  }
0x92: {  	v5 =	vadd.s32 s12, v0;
	[tilespmem:s26], [sflag:$0x4] =	stream.linear.gather [hbm4b:s8+s3], $0x80, $0x38;
	[tilespmem:$0x183C0] =	vst v63  }
0x93: {  	vm0 =	vge.s32 v5, s11;
	vm1 =	vlt.s32 v5, s16;
	s17 =	sadd.s32 $0x10, s12;
	_ =	swait.ge [sflag:s25], $0x80  }
0x94: {  	v5 =	vmov s10;
	vm0 =	vmand vm0, vm1;
	v7 =	vadd.s32 s17, v0;
	s17 =	sadd.s32 $0x20, s12;
	[sflag:s25] =	ssyncset.done $0x0  }
0x95: {  	vm8 =	vge.s32 v7, s11;
	vm2 =	vlt.s32 v7, s16;
	v54 =	vadd.s32 s17, v0;
	s17 =	sadd.s32 $0x30, s12;
	[sflag:s25] =	ssyncadd.s32 $0xFFFFFF80  }
0x96: {  	vm9 =	vmand vm8, vm2;
	vm10 =	vge.s32 v54, s11;
	v55 =	vadd.s32 s17, v0;
	v4 =	vld [tilespmem:$0x100]  }
0x97: {  	vm11 =	vlt.s32 v54, s16;
	s17 =	sadd.s32 $0x40, s12;
	vm13 =	vge.s32 v55, s11;
	vm14 =	vlt.s32 v55, s16;
	v6 =	vld [tilespmem:$0x110]  }
0x98: {  	vm12 =	vmand vm10, vm11;
	v57 =	vadd.s32 s17, v0;
	s17 =	sadd.s32 $0x50, s12;
	vm15 =	vmand vm13, vm14;
	v8 =	vld [tilespmem:$0x120]  }
0x99: {  	vm4 =	vge.s32 v57, s11;
	vm5 =	vlt.s32 v57, s16;
	v59 =	vadd.s32 s17, v0;
	s17 =	sadd.s32 $0x60, s12;
	v9 =	vld [tilespmem:$0x130]  }
0x9a: {  	vm6 =	vmand vm4, vm5;
	vm7 =	vge.s32 v59, s11;
	v61 =	vadd.s32 s17, v0;
	v10 =	vld [tilespmem:$0x140]  }
0x9b: {  	vm8 =	vlt.s32 v59, s16;
	vm10 =	vge.s32 v61, s11;
	v11 =	vld [tilespmem:$0x150];
	v4 =	vsub.s32 v4, v5  }
0x9c: {  	s17 =	sadd.s32 $0x70, s12;
	vm11 =	vlt.s32 v61, s16;
	v12 =	vld [tilespmem:$0x160];
	v6 =	vsub.s32 v6, v5;
	v4 =	vsel vm0, v4, v2  }
0x9d: {  	v63 =	vadd.s32 s17, v0;
	v60 =	vld [tilespmem:$0x170];
	v8 =	vsub.s32 v8, v5;
	v6 =	vsel vm9, v6, v2;
	[tilespmem:$0x180] =	vst v4  }
0x9e: {  	vm13 =	vge.s32 v63, s11;
	v9 =	vsub.s32 v9, v5;
	v56 =	vsel vm12, v8, v2;
	[tilespmem:$0x190] =	vst v6  }
0x9f: {  	vm14 =	vlt.s32 v63, s16;
	v58 =	vsel vm15, v9, v2;
	v4 =	vsub.s32 v10, v5;
	[tilespmem:$0x1A0] =	vst v56  }
0xa0: {  	v62 =	vsub.s32 v11, v5;
	vm9 =	vmand vm7, vm8;
	[tilespmem:$0x1B0] =	vst v58;
	v4 =	vsel vm6, v4, v2  }
0xa1: {  	vm12 =	vmand vm10, vm11;
	v6 =	vsel vm9, v62, v2;
	[tilespmem:$0x1C0] =	vst v4;
	v4 =	vsub.s32 v12, v5  }
0xa2: {  	vm15 =	vmand vm13, vm14;
	[tilespmem:$0x1D0] =	vst v6;
	v5 =	vsub.s32 v60, v5;
	v4 =	vsel vm12, v4, v2  }
0xa3: {  	[tilespmem:$0x1E0] =	vst v4;
	v4 =	vsel vm15, v5, v2  }
0xa4: {  	[tilespmem:$0x1F0] =	vst v4  }
0xa5: {  	[tilespmem:s28], [sflag:$0x1] =	stream.indirect.gather [hbm4b:s5+s24], $0x80, s24, s24, $0xb8;
	[tilespmem:$0x183C0] =	vst v63  }
.LBB2_6:
0xa6: {  	s8 =	sadd.s32 $0x1, s4  }
0xa7: {  	s17 =	sand.u32 $0x1, s8  }
0xa8: {  	p4 =	slt.s32 s4, $0x0;
	p5 =	seq.s32 s17, $0x1  }
0xa9: {  	s17 =	sshrl.u32 s8, $0x1F;
	p4 =	por !p4, !p5  }
0xaa: {  	s8 =	sadd.s32 s17, s8;
	s17 =	simm.s32 $0x1;
	p4 =	por !p4, !p4  }
0xab: {  	s8 =	sshra.s32 s8, $0x1;
	s17 =	simm.s32 @!p4 $0x0  }
0xac: {  	s8 =	ssub.s32 s8, s17  }
0xad: {  	p4 =	slt.s32 s8, $0x1  }
.Ltmp6:
0xae: {  	_ = 	snop;
	(pc) =	sbr.rel @p4 .LBB2_13-.Ltmp6, $1  }
0xaf: {  	_ =	sdelay $0x3  }
.Ltmp7:
0xb0: {  	(pc) =	sbr.rel .LBB2_8-.Ltmp7, $2  }
0xb1: {  	_ =	sdelay $0x2  }
0xb2: {  	v4 =	vmov s11;
	v5 =	vmov s16;
	v6 =	vmov s10;
	s10 =	sadd.s32 $0xC0, s12;
	s11 =	simm.s32 $0x1  }
.LBB2_12:
0xb3: {  	s12 =	simm.s32 @!p4 $0x2  }
0xb4: {  	s16 =	simm.s32 @!p4 $0x4300;
	_ =	swait.ge @!p4 [sflag:s12], $0x4000  }
0xb5: {  	s17 =	simm.s32 @!p4 $0x4380;
	s8 =	sadd.s32 $0xFFFFFFFF, s8;
	[sflag:s12] =	ssyncset.done @!p4 $0x0  }
0xb6: {  	p5 =	sne.s32 s8, $0x0;
	[sflag:s12] =	ssyncadd.s32 @!p4 $0xFFFFC000;
	s12 =	simm.s32 @!p4 $0x80  }
0xb7: {  	[spmem:s2] =	stream.indirect.scatter.add.f32 @!p4 [tilespmem:s17], [sflag:$0x4], $0x80, s16, s12, $0xb8;
	[tilespmem:$0x183C0] =	vst v63  }
.Ltmp8:
0xb8: {  	_ = 	snop;
	(pc) =	sbr.rel @!p5 .LBB2_13-.Ltmp8, $4  }
0xb9: {  	s12 =	simm.s32 @!p4 $0x4  }
0xba: {  	_ =	swait.ge @!p4 [sflag:s12], $0x4000  }
0xbb: {  	[sflag:s12] =	ssyncset.done @!p4 $0x0  }
0xbc: {  	s10 =	sadd.s32 $0x100, s10;
	s11 =	sadd.s32 $0x2, s11;
	[sflag:s12] =	ssyncadd.s32 @!p4 $0xFFFFC000  }
.LBB2_8:
0xbd: {  	p4 =	sge.s32 s11, s4  }
.Ltmp9:
0xbe: {  	_ = 	snop;
	(pc) =	sbr.rel @p4 .LBB2_10-.Ltmp9, $1  }
0xbf: {  	_ =	sdelay $0x3  }
0xc0: {  	s12 =	sadd.s32 $0xFFFFFFC0, s10  }
0xc1: {  	s16 =	sshrl.u32 s12, $0x3  }
0xc2: {  	s17 =	sadd.s32 s1, s16  }
0xc3: {  	[tilespmem:s29], [sflag:$0x5] =	stream.linear.gather [hbm4b:s17+s3], $0x80, $0x38;
	[tilespmem:$0x183C0] =	vst v63  }
0xc4: {  	_ =	swait.ge [sflag:s30], $0x80  }
0xc5: {  	[sflag:s30] =	ssyncset.done $0x0  }
0xc6: {  	s16 =	sadd.s32 s6, s16;
	[sflag:s30] =	ssyncadd.s32 $0xFFFFFF80  }
0xc7: {  	[tilespmem:s31], [sflag:$0x5] =	stream.linear.gather [hbm4b:s16+s3], $0x80, $0x38;
	[tilespmem:$0x183C0] =	vst v63  }
0xc8: {  	_ =	swait.ge [sflag:s30], $0x80  }
0xc9: {  	v59 =	vadd.s32 s10, v0;
	v8 =	vadd.s32 s12, v0;
	[sflag:s30] =	ssyncset.done $0x0  }
0xca: {  	vm4 =	vge.s32 v59, v4;
	vm5 =	vlt.s32 v59, v5;
	vm0 =	vge.s32 v8, v4;
	s16 =	sadd.s32 $0xFFFFFFD0, s10;
	[sflag:s30] =	ssyncadd.s32 $0xFFFFFF80  }
0xcb: {  	vm1 =	vlt.s32 v8, v5;
	vm6 =	vmand vm4, vm5;
	v8 =	vadd.s32 s16, v0;
	v7 =	vld [tilespmem:$0x4280]  }
0xcc: {  	vm0 =	vmand vm0, vm1;
	s17 =	sadd.s32 $0xFFFFFFE0, s10;
	s16 =	sadd.s32 $0xFFFFFFF0, s10;
	vm8 =	vge.s32 v8, v4;
	vm2 =	vlt.s32 v8, v5;
	v9 =	vld [tilespmem:$0x4290]  }
0xcd: {  	v8 =	vadd.s32 s17, v0;
	v57 =	vadd.s32 s16, v0;
	vm9 =	vmand vm8, vm2;
	v10 =	vld [tilespmem:$0x42A0]  }
0xce: {  	s17 =	sadd.s32 $0x10, s10;
	vm10 =	vge.s32 v8, v4;
	vm11 =	vlt.s32 v8, v5;
	vm13 =	vge.s32 v57, v4;
	v11 =	vld [tilespmem:$0x42B0]  }
0xcf: {  	vm14 =	vlt.s32 v57, v5;
	v61 =	vadd.s32 s17, v0;
	s17 =	sadd.s32 $0x30, s10;
	vm12 =	vmand vm10, vm11;
	v12 =	vld [tilespmem:$0x42C0]  }
0xd0: {  	vm15 =	vmand vm13, vm14;
	vm7 =	vge.s32 v61, v4;
	v63 =	vadd.s32 s17, v0  }
0xd1: {  	v13 =	vld [tilespmem:$0x42D0];
	vm8 =	vlt.s32 v61, v5;
	vm13 =	vge.s32 v63, v4;
	v7 =	vsub.s32 v7, v6  }
0xd2: {  	v14 =	vld [tilespmem:$0x42E0];
	vm14 =	vlt.s32 v63, v5;
	v9 =	vsub.s32 v9, v6;
	v7 =	vsel vm0, v7, v2  }
0xd3: {  	v62 =	vld [tilespmem:$0x42F0];
	v10 =	vsub.s32 v10, v6;
	v11 =	vsub.s32 v11, v6;
	v8 =	vsel vm9, v9, v2;
	[tilespmem:$0x4300] =	vst v7  }
0xd4: {  	s16 =	sadd.s32 $0x20, s10;
	v58 =	vsel vm12, v10, v2;
	v60 =	vsel vm15, v11, v2;
	v7 =	vsub.s32 v12, v6;
	[tilespmem:$0x4310] =	vst v8  }
0xd5: {  	vm9 =	vmand vm7, vm8;
	v8 =	vadd.s32 s16, v0;
	[tilespmem:$0x4320] =	vst v58;
	v7 =	vsel vm6, v7, v2  }
0xd6: {  	[tilespmem:$0x4330] =	vst v60;
	vm10 =	vge.s32 v8, v4;
	vm11 =	vlt.s32 v8, v5;
	v8 =	vsub.s32 v13, v6  }
0xd7: {  	v8 =	vsel vm9, v8, v2;
	vm12 =	vmand vm10, vm11;
	[tilespmem:$0x4340] =	vst v7;
	v7 =	vsub.s32 v14, v6  }
0xd8: {  	vm15 =	vmand vm13, vm14;
	v7 =	vsel vm12, v7, v2;
	[tilespmem:$0x4350] =	vst v8;
	v8 =	vsub.s32 v62, v6  }
0xd9: {  	[tilespmem:$0x4360] =	vst v7;
	v7 =	vsel vm15, v8, v2  }
0xda: {  	[tilespmem:$0x4370] =	vst v7  }
0xdb: {  	[tilespmem:s0], [sflag:$0x2] =	stream.indirect.gather [hbm4b:s5+s24], $0x80, s29, s24, $0xb8;
	[tilespmem:$0x183C0] =	vst v63  }
.LBB2_10:
0xdc: {  	_ =	swait.ge [sflag:s23], $0x4000;
	s12 =	sadd.s32 $0x1, s11  }
0xdd: {  	[sflag:s23] =	ssyncset.done $0x0;
	p5 =	sge.s32 s12, s4  }
.Ltmp10:
0xde: {  	[sflag:s23] =	ssyncadd.s32 $0xFFFFC000;
	(pc) =	sbr.rel @p5 .LBB2_12-.Ltmp10, $4  }
0xdf: {  	[spmem:s2] =	stream.indirect.scatter.add.f32 [tilespmem:s28], [sflag:$0x5], $0x80, s7, s24, $0xb8;
	[tilespmem:$0x183C0] =	vst v63  }
0xe0: {  	_ =	swait.ge [sflag:s30], $0x4000  }
0xe1: {  	[sflag:s30] =	ssyncset.done $0x0  }
0xe2: {  	[sflag:s30] =	ssyncadd.s32 $0xFFFFC000  }
0xe3: {  	s12 =	sadd.s32 $0x40, s10  }
0xe4: {  	s16 =	sshrl.u32 s12, $0x3  }
0xe5: {  	s17 =	sadd.s32 s1, s16  }
0xe6: {  	[tilespmem:s24], [sflag:$0x5] =	stream.linear.gather [hbm4b:s17+s3], $0x80, $0x38;
	[tilespmem:$0x183C0] =	vst v63  }
0xe7: {  	_ =	swait.ge [sflag:s30], $0x80  }
0xe8: {  	[sflag:s30] =	ssyncset.done $0x0  }
0xe9: {  	s16 =	sadd.s32 s6, s16;
	[sflag:s30] =	ssyncadd.s32 $0xFFFFFF80  }
0xea: {  	[tilespmem:s26], [sflag:$0x5] =	stream.linear.gather [hbm4b:s16+s3], $0x80, $0x38;
	[tilespmem:$0x183C0] =	vst v63  }
0xeb: {  	v8 =	vadd.s32 s12, v0;
	_ =	swait.ge [sflag:s30], $0x80  }
0xec: {  	vm0 =	vge.s32 v8, v4;
	vm1 =	vlt.s32 v8, v5;
	s17 =	sadd.s32 $0x50, s10;
	[sflag:s30] =	ssyncset.done $0x0  }
0xed: {  	vm0 =	vmand vm0, vm1;
	v8 =	vadd.s32 s17, v0;
	s17 =	sadd.s32 $0x70, s10;
	[sflag:s30] =	ssyncadd.s32 $0xFFFFFF80  }
0xee: {  	vm8 =	vge.s32 v8, v4;
	vm2 =	vlt.s32 v8, v5;
	v57 =	vadd.s32 s17, v0;
	s17 =	sadd.s32 $0x90, s10;
	v7 =	vld [tilespmem:$0x100]  }
0xef: {  	vm13 =	vge.s32 v57, v4;
	vm14 =	vlt.s32 v57, v5;
	v61 =	vadd.s32 s17, v0;
	v9 =	vld [tilespmem:$0x110]  }
0xf0: {  	vm9 =	vmand vm8, vm2;
	s17 =	sadd.s32 $0xB0, s10;
	s16 =	sadd.s32 $0x60, s10;
	vm15 =	vmand vm13, vm14;
	vm7 =	vge.s32 v61, v4;
	v10 =	vld [tilespmem:$0x120]  }
0xf1: {  	vm8 =	vlt.s32 v61, v5;
	v63 =	vadd.s32 s17, v0;
	v8 =	vadd.s32 s16, v0;
	v11 =	vld [tilespmem:$0x130]  }
0xf2: {  	s16 =	sadd.s32 $0x80, s10;
	vm13 =	vge.s32 v63, v4;
	vm10 =	vge.s32 v8, v4;
	vm11 =	vlt.s32 v8, v5;
	v12 =	vld [tilespmem:$0x140]  }
0xf3: {  	vm14 =	vlt.s32 v63, v5;
	v59 =	vadd.s32 s16, v0;
	vm12 =	vmand vm10, vm11  }
0xf4: {  	vm4 =	vge.s32 v59, v4;
	vm5 =	vlt.s32 v59, v5;
	v13 =	vld [tilespmem:$0x150];
	v7 =	vsub.s32 v7, v6  }
0xf5: {  	vm6 =	vmand vm4, vm5;
	v14 =	vld [tilespmem:$0x160];
	v9 =	vsub.s32 v9, v6;
	v7 =	vsel vm0, v7, v2  }
0xf6: {  	v62 =	vld [tilespmem:$0x170];
	v10 =	vsub.s32 v10, v6;
	v11 =	vsub.s32 v11, v6;
	v8 =	vsel vm9, v9, v2;
	[tilespmem:$0x180] =	vst v7  }
0xf7: {  	s16 =	sadd.s32 $0xA0, s10;
	v58 =	vsel vm12, v10, v2;
	v60 =	vsel vm15, v11, v2;
	v7 =	vsub.s32 v12, v6;
	[tilespmem:$0x190] =	vst v8  }
0xf8: {  	vm9 =	vmand vm7, vm8;
	v8 =	vadd.s32 s16, v0;
	[tilespmem:$0x1A0] =	vst v58;
	v7 =	vsel vm6, v7, v2  }
0xf9: {  	[tilespmem:$0x1B0] =	vst v60;
	vm10 =	vge.s32 v8, v4;
	vm11 =	vlt.s32 v8, v5;
	v8 =	vsub.s32 v13, v6  }
.Ltmp11:
0xfa: {  	v8 =	vsel vm9, v8, v2;
	vm12 =	vmand vm10, vm11;
	[tilespmem:$0x1C0] =	vst v7;
	v7 =	vsub.s32 v14, v6;
	(pc) =	sbr.rel .LBB2_12-.Ltmp11, $4  }
0xfb: {  	vm15 =	vmand vm13, vm14;
	v7 =	vsel vm12, v7, v2;
	[tilespmem:$0x1D0] =	vst v8;
	v8 =	vsub.s32 v62, v6  }
0xfc: {  	[tilespmem:$0x1E0] =	vst v7;
	v7 =	vsel vm15, v8, v2  }
0xfd: {  	[tilespmem:$0x1F0] =	vst v7  }
0xfe: {  	[tilespmem:s28], [sflag:$0x1] =	stream.indirect.gather [hbm4b:s5+s24], $0x80, s24, s24, $0xb8;
	[tilespmem:$0x183C0] =	vst v63  }
.LBB2_15:
0xff: {  	_ =	sfence.sel $0x180000  }
0x100: {  	[bflag:$0x0] =	sbarrier.arrive $0xFFFF  }
0x101: {  	_ =	strace $0x90000050  }
0x102: {  	s0 =	stileid.u32;
	[bflag:$0x2] =	sbarrier.arrive $0xFFFF  }
0x103: {  	p0 =	sne.s32 s0, $0x0;
	s0 =	rddreg [dreg:$0x3]  }
0x104: {  	s0 =	sadd.s32 @!p0 $0x100000, s0  }
0x105: {  	[sflag:s0] =	ssyncadd.tile.s32 @!p0 $0x1;
	_ =	shalt  }
.Lfunc_end2:
_tile_overlayer_lowered:
.L_overlay_start_2:
0x106: {  	(tag) =	ssettag $0x2  }
0x107: {  	s0 =	rddreg [dreg:$0x0];
	s2 =	stileid.u32  }
0x108: {  	s1 =	rddreg [dreg:$0x1];
	p0 =	sne.s32 s2, $0x0  }
0x109: {  	s3 =	rddreg [dreg:$0x2];
	[bflag:$0x3] =	sbarrier.arrive $0xFFFF;
	s2 =	simm.s32 @!p0 $0x1C03  }
0x10a: {  	[timem:s3], [sflag:s2] =	dma.local @!p0 [hbm:s0], s1  }
0x10b: {  	s0 =	simm.s32 @!p0 $0x3  }
0x10c: {  	_ =	swait.ge @!p0 [sflag:s0], s1  }
0x10d: {  	s1 =	ssub.s32 @!p0 $0x0, s1;
	[sflag:s0] =	ssyncset.done @!p0 $0x0  }
0x10e: {  	[sflag:s0] =	ssyncadd.s32 @!p0 s1  }
0x10f: {  	[bflag:$0x3] =	sbarrier.arrive $0xFFFF  }
0x110: {  	_ =	shalt  }

// kernel: kernel.7.cloned.1.call-start
scs
__scs_entry_jumppad:
0x0: {  	(pc) =	sbr.rel $0x88, $3  }
0x1: {  	(tag) =	ssettag $0x0;
	lr =	simm.s32 $0x1  }
0x2: {  	[smem:$0x3F93] =	sst lr;
	_ =	strace $0xD0000000  }
0x3: {  	_ = 	snop  }
0x4: {  	_ = 	snop  }
0x5: {  	_ = 	snop  }
0x6: {  	_ = 	snop  }
0x7: {  	_ = 	snop  }
__scs_overlays_trampoline_lowered:
0x8: {  	[smem:$0x3FA2] =	sst s0  }
0x9: {  	[smem:$0x3FA3] =	sst s1  }
0xa: {  	[smem:$0x3FA4] =	sst s2  }
0xb: {  	[smem:$0x3FA5] =	sst s3  }
0xc: {  	[smem:$0x3FA6] =	sst s4  }
0xd: {  	[smem:$0x3FA7] =	sst s5  }
0xe: {  	[smem:$0x3FA8] =	sst s6  }
0xf: {  	[smem:$0x3FA9] =	sst s7  }
0x10: {  	[smem:$0x3FAA] =	sst s8  }
0x11: {  	[smem:$0x3FAB] =	sst s9;
	s0 =	simm.s32 @!p0 $0x0  }
0x12: {  	s1 =	sld [smem:$0x3F91];
	s0 =	simm.s32 @p0 $0x1  }
0x13: {  	[smem:$0x3FAC] =	sst s0;
	s0 =	simm.s32 @!p1 $0x0  }
0x14: {  	s2 =	sld [smem:$0x3F90];
	s0 =	simm.s32 @p1 $0x1  }
0x15: {  	[smem:$0x3FAD] =	sst s0;
	s0 =	simm.s32 @!p2 $0x0  }
0x16: {  	s3 =	sld [smem:$0x3FDB];
	s0 =	simm.s32 @p2 $0x1  }
0x17: {  	s4 =	simm.s32 $0x1BF5;
	[smem:$0x3FAF] =	sst s0  }
0x18: {  	s0 =	sld [smem:$0x3F92];
	_ =	swait.ge [sflag:s4], $0x0  }
0x19: {  	s7 =	sld [smem:$0x3F93]  }
0x1a: {  	s8 =	sadd.s32 $0xFFFFE003, lr  }
0x1b: {  	s9 =	sadd.s32 $0xFFFFFEF7, lr;
	s5 =	simm.s32 $0xFFFFFFFF;
	p2 =	slt.u32 s8, $0xFFFFF086  }
0x1c: {  	p1 =	slt.u32 s9, $0xF7A;
	s5 =	simm.s32 @!p2 $0x0  }
0x1d: {  	s5 =	simm.s32 @p1 $0x1;
	p0 =	seq.s32 s7, s2  }
0x1e: {  	s7 =	smul.u32 @!p0 $0xF7A, s2;
	p2 =	seq.s32 @!p0 s5, $0x0  }
0x1f: {  	s9 =	smul.u32 $0xF7A, s1;
	s8 =	simm.s32 @!p0 $0x1BF5;
	p2 =	por !p2, p0  }
0x20: {  	[sflag:s8] =	ssyncset.s32 @!p0 $0xFFFFF086;
	s6 =	sadd.s32 @!p0 s3, s7;
	s7 =	simm.s32 @!p0 $0x108  }
0x21: {  	s3 =	sadd.s32 s3, s9;
	s6 =	sadd.s32 @!p0 $0x88, s6;
	s7 =	simm.s32 @p2 $0x1082  }
0x22: {  	[simem:s7], [sflag:s8] =	dma.local @!p0 [hbm:s6], $0xF7A  }
0x23: {  	s9 =	sor.u32 $0xD0000000, s2;
	s6 =	simm.s32 $0x108;
	_ =	swait.ge @!p0 [sflag:s8], $0x0  }
0x24: {  	s3 =	sadd.s32 $0x88, s3;
	s6 =	simm.s32 @!p1 $0x1082;
	[sflag:s4] =	ssyncset.s32 $0xFFFFF086  }
0x25: {  	[simem:s6], [sflag:s4] =	dma.local [hbm:s3], $0xF7A  }
0x26: {  	[smem:$0x3F93] =	sst s1;
	(tag) =	ssettag s2;
	_ =	strace s9  }
0x27: {  	s1 =	sld [smem:$0x3FA3]  }
0x28: {  	s2 =	sld [smem:$0x3FA4]  }
0x29: {  	s4 =	sld [smem:$0x3FA6]  }
0x2a: {  	p0 =	seq.s32 s5, $0x0;
	s5 =	sld [smem:$0x3FA7]  }
0x2b: {  	s6 =	sld [smem:$0x3FA8]  }
0x2c: {  	s7 =	sld [smem:$0x3FA9]  }
0x2d: {  	s3 =	simm.s32 $0x108;
	s8 =	sld [smem:$0x3FAA]  }
0x2e: {  	s3 =	simm.s32 @!p0 $0x1082;
	s9 =	sld [smem:$0x3FAB]  }
0x2f: {  	lr =	sadd.s32 s0, s3;
	s0 =	sld [smem:$0x3FA2]  }
0x30: {  	s3 =	sld [smem:$0x3FA5]  }
0x31: {  	[smem:$0x3FAE] =	sst s10  }
0x32: {  	s10 =	sld [smem:$0x3FAC];
	_ =	sdelay $0x3  }
0x33: {  	p0 =	seq.s32 s10, $0x1;
	s10 =	sld [smem:$0x3FAE];
	_ =	sdelay $0x3  }
0x34: {  	[smem:$0x3FAE] =	sst s10  }
0x35: {  	s10 =	sld [smem:$0x3FAD];
	_ =	sdelay $0x3  }
0x36: {  	p1 =	seq.s32 s10, $0x1;
	s10 =	sld [smem:$0x3FAE];
	_ =	sdelay $0x3  }
0x37: {  	[smem:$0x3FAE] =	sst s10  }
0x38: {  	s10 =	sld [smem:$0x3FAF]  }
0x39: {  	_ = 	snop;
	(pc) =	sbr.ind lr, $3  }
0x3a: {  	_ = 	snop  }
0x3b: {  	_ = 	snop  }
0x3c: {  	p2 =	seq.s32 s10, $0x1;
	s10 =	sld [smem:$0x3FAE]  }
0x3d: {  	_ =	shalt  }
0x3e: {  	_ =	shalt  }
0x3f: {  	_ =	shalt  }
0x40: {  	_ =	shalt  }
0x41: {  	_ =	shalt  }
0x42: {  	_ =	shalt  }
0x43: {  	_ =	shalt  }
0x44: {  	_ =	shalt  }
0x45: {  	_ =	shalt  }
0x46: {  	_ =	shalt  }
0x47: {  	_ =	shalt  }
0x48: {  	_ =	shalt  }
0x49: {  	_ =	shalt  }
0x4a: {  	_ =	shalt  }
0x4b: {  	_ =	shalt  }
0x4c: {  	_ =	shalt  }
0x4d: {  	_ =	shalt  }
0x4e: {  	_ =	shalt  }
0x4f: {  	_ =	shalt  }
0x50: {  	_ =	shalt  }
0x51: {  	_ =	shalt  }
0x52: {  	_ =	shalt  }
0x53: {  	_ =	shalt  }
0x54: {  	_ =	shalt  }
0x55: {  	_ =	shalt  }
0x56: {  	_ =	shalt  }
0x57: {  	_ =	shalt  }
0x58: {  	_ =	shalt  }
0x59: {  	_ =	shalt  }
0x5a: {  	_ =	shalt  }
0x5b: {  	_ =	shalt  }
0x5c: {  	_ =	shalt  }
0x5d: {  	_ =	shalt  }
0x5e: {  	_ =	shalt  }
0x5f: {  	_ =	shalt  }
0x60: {  	_ =	shalt  }
0x61: {  	_ =	shalt  }
0x62: {  	_ =	shalt  }
0x63: {  	_ =	shalt  }
0x64: {  	_ =	shalt  }
0x65: {  	_ =	shalt  }
0x66: {  	_ =	shalt  }
0x67: {  	_ =	shalt  }
0x68: {  	_ =	shalt  }
0x69: {  	_ =	shalt  }
0x6a: {  	_ =	shalt  }
0x6b: {  	_ =	shalt  }
0x6c: {  	_ =	shalt  }
0x6d: {  	_ =	shalt  }
0x6e: {  	_ =	shalt  }
0x6f: {  	_ =	shalt  }
0x70: {  	_ =	shalt  }
0x71: {  	_ =	shalt  }
0x72: {  	_ =	shalt  }
0x73: {  	_ =	shalt  }
0x74: {  	_ =	shalt  }
0x75: {  	_ =	shalt  }
0x76: {  	_ =	shalt  }
0x77: {  	_ =	shalt  }
0x78: {  	_ =	shalt  }
0x79: {  	_ =	shalt  }
0x7a: {  	_ =	shalt  }
0x7b: {  	_ =	shalt  }
0x7c: {  	_ =	shalt  }
0x7d: {  	_ =	shalt  }
0x7e: {  	_ =	shalt  }
0x7f: {  	_ =	shalt  }
0x80: {  	_ =	shalt  }
0x81: {  	_ =	shalt  }
0x82: {  	_ =	shalt  }
0x83: {  	_ =	shalt  }
0x84: {  	_ =	shalt  }
0x85: {  	_ =	shalt  }
0x86: {  	_ =	shalt  }
0x87: {  	_ =	shalt  }
.Lfunc_end0:
.L_simem_size_0:
called_computation.2_lowered:
.L_overlay_start_0:
0x88: {  	s2 =	sld [smem:$0x3FD9]  }
0x89: {  	s3 =	sld [smem:$0x3FFE];
	_ =	sdelay $0x1  }
0x8a: {  	s1 =	srdreg.scid  }
0x8b: {  	s0 =	sand.u32 $0x1, s1  }
0x8c: {  	s17 =	sshll.u32 s0, $0xA;
	s2 =	sadd.s32 s3, s2  }
0x8d: {  	s2 =	sadd.s32 s2, s17  }
0x8e: {  	[smem:$0x3FBA] =	sst s2  }
0x8f: {  	_ = 	snop  }
0x90: {  	s18 =	sld [smem:$0x3FC6];
	(tm) =	ssettm $0x1  }
0x91: {  	s19 =	sld [smem:$0x3FFB];
	_ =	sdelay $0x3  }
0x92: {  	_ =	strace s19  }
0x93: {  	s2 =	sld [smem:$0x3FFC];
	_ =	sdelay $0x3  }
0x94: {  	_ =	strace s2  }
0x95: {  	s2 =	sld [smem:$0x3FFD];
	_ =	sdelay $0x3  }
0x96: {  	_ =	strace s2  }
0x97: {  	_ =	strace $0x8FFFFFFF  }
0x98: {  	s20 =	sld [smem:$0x3FDB];
	_ =	sdelay $0x1  }
0x99: {  	s4 =	simm.s32 $_scs_section_size  }
0x9a: {  	s5 =	simm.s32 $_size__tile_overlayer_lowered;
	s6 =	simm.s32 $_tile_overlayer_lowered  }
0x9b: {  	s7 =	simm.s32 $0x1BFF;
	s21 =	sshll.u32 s6, $0x1;
	s4 =	sadd.s32 s4, s20  }
0x9c: {  	s22 =	simm.s32 $0x0;
	s5 =	sshll.u32 s5, $0x1;
	s6 =	sadd.s32 s21, s4  }
0x9d: {  	[timem:s22], [sflag:s7] =	dma.local [hbm:s6], s5  }
0x9e: {  	_ =	swait.ge [sflag:s7], s5  }
0x9f: {  	s5 =	ssub.s32 $0x0, s5;
	[sflag:s7] =	ssyncset.done $0x0  }
0xa0: {  	[sflag:s7] =	ssyncadd.s32 s5;
	_ =	sdelay $0x1  }
0xa1: {  	s23 =	simm.s32 $0x1B8B  }
0xa2: {  	_ =	swait.ge [sflag:s23], $0x1  }
0xa3: {  	[sflag:s23] =	ssyncset.done $0x0  }
0xa4: {  	[sflag:s23] =	ssyncadd.s32 $0xFFFFFFFF  }
0xa5: {  	s5 =	sld [smem:$0x0]  }
0xa6: {  	s6 =	sand.u32 $0xFFFFFFFE, s1  }
0xa7: {  	p0 =	sne.s32 s1, s6  }
0xa8: {  	s6 =	sshll.u32 @p0 s6, $0xE  }
0xa9: {  	s6 =	sadd.s32 @p0 $0x11B8D, s6;
	s7 =	sshll.u32 @p0 s5, $0x11  }
0xaa: {  	s6 =	sor.u32 @p0 s7, s6  }
0xab: {  	[sflag:s6] =	ssyncadd.remote.s32 @p0 $0x1;
	_ =	sdelay $0x1  }
0xac: {  	s6 =	simm.s32 @p0 $0x1B8D  }
0xad: {  	_ =	swait.eq @p0 [sflag:s6], $0x1  }
0xae: {  	[sflag:s6] =	ssyncadd.s32 @p0 $0xFFFFFFFF  }
0xaf: {  	s7 =	sshll.u32 @!p0 s1, $0xE  }
0xb0: {  	s7 =	sor.u32 @!p0 $0x4000, s7;
	s6 =	simm.s32 @!p0 $0x1B8D  }
0xb1: {  	s5 =	sshll.u32 @!p0 s5, $0x11;
	s7 =	sadd.s32 @!p0 $0x11B8D, s7;
	_ =	swait.eq @!p0 [sflag:s6], $0x1  }
0xb2: {  	s5 =	sor.u32 @!p0 s5, s7;
	[sflag:s6] =	ssyncadd.s32 @!p0 $0xFFFFFFFF  }
0xb3: {  	s25 =	simm.s32 $0x1B8E;
	s24 =	sld [smem:$0x3FFE];
	[sflag:s5] =	ssyncadd.remote.s32 @!p0 $0x1  }
0xb4: {  	s26 =	simm.s32 $execute0_lowered;
	[smem:$0x3FD2] =	sst s25  }
0xb5: {  	s6 =	sshll.u32 s26, $0x1;
	_ =	strace $0x8000004C;
	[dreg:$0x1] =	wrdreg $0xFFFFFFFF  }
0xb6: {  	s28 =	simm.s32 $_size_execute0_lowered;
	s4 =	sadd.s32 s4, s6;
	[dreg:$0x0] =	wrdreg $0x0  }
0xb7: {  	s6 =	sshll.u32 s28, $0x1;
	[dreg:$0x2] =	wrdreg s4  }
0xb8: {  	[dreg:$0x3] =	wrdreg s6  }
0xb9: {  	[dreg:$0x4] =	wrdreg $0xC0  }
0xba: {  	_ =	task [dreg:s22], $0x5FFFF  }
0xbb: {  	[dreg:$0x1] =	wrdreg $0xFFFFFFFF  }
0xbc: {  	[dreg:$0x0] =	wrdreg $0x60  }
0xbd: {  	[dreg:$0x2] =	wrdreg s24  }
0xbe: {  	[dreg:$0x3] =	wrdreg s18  }
0xbf: {  	[dreg:$0x4] =	wrdreg $0xB  }
0xc0: {  	_ =	task.clear_ibuf [dreg:s22], $0x5FFFF;
	_ =	strace $0x9000004C  }
0xc1: {  	s29 =	simm.s32 $0xB;
	_ =	strace $0x8000004E  }
0xc2: {  	_ =	swait.ge [sflag:s29], $0x1  }
0xc3: {  	[sflag:s29] =	ssyncadd.s32 $0xFFFFFFFF  }
0xc4: {  	_ =	strace $0x9000004E  }
0xc5: {  	_ =	sfence  }
0xc6: {  	s30 =	sld [smem:$0x0];
	_ =	sdelay $0x2  }
0xc7: {  	s31 =	sshll.u32 s1, $0xD;
	s1 =	sshrl.u32 s1, $0x2  }
0xc8: {  	s4 =	sand.u32 $0x4000, s31;
	s1 =	sadd.s32 s1, s30  }
0xc9: {  	s0 =	sor.u32 s4, s0;
	s1 =	sshll.u32 s1, $0x11  }
0xca: {  	s0 =	sor.u32 s1, s0  }
0xcb: {  	s0 =	sadd.s32 $0x8F2B, s0  }
0xcc: {  	[sflag:s0] =	ssyncadd.remote.s32 $0x1  }
0xcd: {  	_ =	sfence.sel $0xFFFF  }
0xce: {  	[dreg:$0x0] =	wrdreg $0xFFFFFFFF;
	(pc) =	sbr.abs _section_cstart, $3  }
0xcf: {  	[dreg:$0x1] =	wrdreg $0xFFFFFFFF  }
0xd0: {  	_ =	task.clear_ibuf [dreg:s22], $0x2FFFF;
	_ =	strace $0x9FFFFFFF  }
0xd1: {  	(tm) =	ssettm $0x7FFFFFFF  }
tec
execute0_lowered:
.L_overlay_start_1:
0x0: {  	(tag) =	ssettag $0x1  }
0x1: {  	s5 =	rddreg [dreg:$0x0]  }
0x2: {  	s2 =	rddreg [dreg:$0x1]  }
0x3: {  	s0 =	rddreg [dreg:$0x2];
	s4 =	srdreg.scid  }
0x4: {  	s1 =	stileid.u32;
	s3 =	simm.s32 $0x0;
	s18 =	simm.s32 $0x4080  }
0x5: {  	s19 =	simm.s32 $0x4;
	s20 =	simm.s32 $0x4100;
	s21 =	simm.s32 $0x1  }
0x6: {  	s22 =	simm.s32 $0x2;
	s23 =	simm.s32 $0x20;
	s12 =	smul.u32 $0x9C40, s1  }
0x7: {  	s8 =	sand.u32 $0x1, s4;
	s24 =	sshll.u32 s1, $0x1;
	s15 =	smul.u32 $0x4E2000, s1  }
0x8: {  	[smem:$0x7FF] =	sst s3;
	s4 =	sadd.s32 $0x50C00, s5;
	s13 =	smul.u32 $0x4E20, s8  }
0x9: {  	s14 =	sadd.s32 $0x546600, s5;
	s6 =	sor.u32 s8, s24;
	s16 =	smul.u32 $0x271000, s8  }
0xa: {  	_ =	strace $0x8000004D;
	s7 =	ssub.s32 $0x2, s8;
	s9 =	smul.u32 $0x4E20, s6  }
0xb: {  	s24 =	simm.s32 $0x0;
	s25 =	sshrl.u32 s7, $0x1;
	s26 =	smul.u32 $0x271000, s6  }
0xc: {  	s10 =	ssub.s32 s7, s25;
	s13 =	sadd.s32 s13, s12;
	s15 =	sadd.s32 s16, s15  }
0xd: {  	s11 =	sadd.s32 $0x4E00, s9;
	s28 =	sshrl.u32 s9, $0x3;
	s31 =	sshrl.u32 s26, $0x3  }
0xe: {  	s8 =	smax.u32 s10, $0x1;
	s12 =	sadd.s32 $0x100, s13;
	s16 =	sadd.s32 $0x4000, s15  }
0xf: {  	s13 =	sadd.s32 $0x80, s13;
	s15 =	sshrl.u32 s15, $0x3;
	s29 =	sshrl.u32 s11, $0x3  }
0x10: {  	s5 =	sadd.s32 s2, s28;
	s30 =	sshll.u32 s11, $0x4;
	s11 =	sadd.s32 s14, s31  }
0x11: {  	s16 =	sshrl.u32 s16, $0x3;
	s17 =	sshrl.u32 s13, $0x3;
	s13 =	sadd.s32 s15, s14  }
0x12: {  	s6 =	sadd.s32 s2, s29;
	s7 =	sadd.s32 s14, s30;
	s9 =	sadd.s32 $0x9B0, s5  }
0x13: {  	s10 =	sadd.s32 $0x4D000, s11;
	s11 =	sadd.s32 $0x4D800, s11;
	s14 =	sadd.s32 s16, s14  }
0x14: {  	s15 =	sadd.s32 s17, s2;
	s16 =	simm.s32 $0x3;
	s17 =	simm.s32 $0x80  }
.LBB2_1:
0x15: {  	[tilespmem:s3], [sflag:$0x3] =	stream.linear.gather [hbm4b:s5+s3], $0x80, $0x38;
	[tilespmem:$0x8100] =	vst v63  }
0x16: {  	_ =	swait.ge [sflag:s16], $0x80  }
0x17: {  	[sflag:s16] =	ssyncset.done $0x0  }
0x18: {  	[sflag:s16] =	ssyncadd.s32 $0xFFFFFF80  }
0x19: {  	[tilespmem:s17], [sflag:$0x1] =	stream.indirect.gather [hbm4b:s4+s17], $0x80, s3, s17, $0xb8;
	[tilespmem:$0x8100] =	vst v63  }
0x1a: {  	_ = 	snop  }
0x1b: {  	[tilespmem:s18], [sflag:$0x4] =	stream.linear.gather [hbm4b:s15+s3], $0x80, $0x38;
	[tilespmem:$0x8100] =	vst v63  }
0x1c: {  	_ =	swait.ge [sflag:s19], $0x80  }
0x1d: {  	[sflag:s19] =	ssyncset.done $0x0  }
0x1e: {  	[sflag:s19] =	ssyncadd.s32 $0xFFFFFF80  }
0x1f: {  	[tilespmem:s20], [sflag:$0x2] =	stream.indirect.gather [hbm4b:s4+s17], $0x80, s18, s17, $0xb8;
	[tilespmem:$0x8100] =	vst v63  }
0x20: {  	_ =	swait.ge [sflag:s21], $0x4000  }
0x21: {  	[sflag:s21] =	ssyncset.done $0x0  }
0x22: {  	s25 =	sadd.s32 $0x0, s13;
	[sflag:s21] =	ssyncadd.s32 $0xFFFFC000  }
0x23: {  	[hbm4b:s25+s3] =	stream.linear.scatter [tilespmem:s17], [sflag:$0x4], $0x4000, $0x38;
	[tilespmem:$0x8100] =	vst v63  }
0x24: {  	_ =	swait.ge [sflag:s19], $0x4000  }
0x25: {  	s30 =	sshrl.u32 s12, $0x3;
	[sflag:s19] =	ssyncset.done $0x0  }
0x26: {  	s25 =	sadd.s32 s2, s30;
	[sflag:s19] =	ssyncadd.s32 $0xFFFFC000  }
0x27: {  	[tilespmem:s3], [sflag:$0x4] =	stream.linear.gather [hbm4b:s25+s3], $0x80, $0x38;
	[tilespmem:$0x8100] =	vst v63  }
0x28: {  	_ =	swait.ge [sflag:s19], $0x80  }
0x29: {  	[sflag:s19] =	ssyncset.done $0x0  }
0x2a: {  	[sflag:s19] =	ssyncadd.s32 $0xFFFFFF80  }
0x2b: {  	[tilespmem:s17], [sflag:$0x1] =	stream.indirect.gather [hbm4b:s4+s17], $0x80, s3, s17, $0xb8;
	[tilespmem:$0x8100] =	vst v63  }
0x2c: {  	_ =	swait.ge [sflag:s22], $0x4000  }
0x2d: {  	[sflag:s22] =	ssyncset.done $0x0  }
0x2e: {  	s31 =	sadd.s32 $0x0, s14;
	[sflag:s22] =	ssyncadd.s32 $0xFFFFC000  }
0x2f: {  	[hbm4b:s31+s3] =	stream.linear.scatter [tilespmem:s20], [sflag:$0x3], $0x4000, $0x38;
	[tilespmem:$0x8100] =	vst v63  }
0x30: {  	s26 =	smov.u32 s12;
	_ =	swait.ge [sflag:s16], $0x4000  }
0x31: {  	s28 =	smov.u32 s15;
	s25 =	simm.s32 $0x1000;
	[sflag:s16] =	ssyncset.done $0x0  }
.LBB2_2:
0x32: {  	[sflag:s16] =	ssyncadd.s32 $0xFFFFC000  }
0x33: {  	s26 =	sadd.s32 $0x100, s26;
	s28 =	sadd.s32 $0x20, s28;
	s29 =	smov.u32 s25  }
0x34: {  	[tilespmem:s18], [sflag:$0x4] =	stream.linear.gather [hbm4b:s28+s3], $0x80, $0x38;
	[tilespmem:$0x8100] =	vst v63  }
0x35: {  	p0 =	sne.s32 s25, $0x4C000;
	s25 =	sadd.s32 $0x1000, s25;
	_ =	swait.ge [sflag:s19], $0x80  }
0x36: {  	[sflag:s19] =	ssyncset.done $0x0  }
0x37: {  	[sflag:s19] =	ssyncadd.s32 $0xFFFFFF80  }
0x38: {  	[tilespmem:s20], [sflag:$0x2] =	stream.indirect.gather [hbm4b:s4+s17], $0x80, s18, s17, $0xb8;
	[tilespmem:$0x8100] =	vst v63  }
0x39: {  	_ =	swait.ge [sflag:s21], $0x4000  }
0x3a: {  	[sflag:s21] =	ssyncset.done $0x0  }
0x3b: {  	s30 =	sadd.s32 s29, s13;
	[sflag:s21] =	ssyncadd.s32 $0xFFFFC000  }
0x3c: {  	[hbm4b:s30+s3] =	stream.linear.scatter [tilespmem:s17], [sflag:$0x4], $0x4000, $0x38;
	[tilespmem:$0x8100] =	vst v63  }
0x3d: {  	_ =	swait.ge [sflag:s19], $0x4000  }
0x3e: {  	s30 =	sshrl.u32 s26, $0x3;
	[sflag:s19] =	ssyncset.done $0x0  }
0x3f: {  	s30 =	sadd.s32 s2, s30;
	[sflag:s19] =	ssyncadd.s32 $0xFFFFC000  }
0x40: {  	[tilespmem:s3], [sflag:$0x4] =	stream.linear.gather [hbm4b:s30+s3], $0x80, $0x38;
	[tilespmem:$0x8100] =	vst v63  }
0x41: {  	_ =	swait.ge [sflag:s19], $0x80  }
0x42: {  	[sflag:s19] =	ssyncset.done $0x0  }
0x43: {  	[sflag:s19] =	ssyncadd.s32 $0xFFFFFF80  }
0x44: {  	[tilespmem:s17], [sflag:$0x1] =	stream.indirect.gather [hbm4b:s4+s17], $0x80, s3, s17, $0xb8;
	[tilespmem:$0x8100] =	vst v63  }
0x45: {  	_ =	swait.ge [sflag:s22], $0x4000  }
.Ltmp0:
0x46: {  	[sflag:s22] =	ssyncset.done $0x0;
	(pc) =	sbr.rel @p0 .LBB2_2-.Ltmp0, $4  }
0x47: {  	s29 =	sadd.s32 s29, s14;
	[sflag:s22] =	ssyncadd.s32 $0xFFFFC000  }
0x48: {  	[hbm4b:s29+s3] =	stream.linear.scatter [tilespmem:s20], [sflag:$0x3], $0x4000, $0x38;
	[tilespmem:$0x8100] =	vst v63  }
0x49: {  	_ =	swait.ge [sflag:s16], $0x4000  }
0x4a: {  	[sflag:s16] =	ssyncset.done $0x0  }
0x4b: {  	[sflag:s16] =	ssyncadd.s32 $0xFFFFC000  }
0x4c: {  	[tilespmem:s18], [sflag:$0x4] =	stream.linear.gather [hbm4b:s9+s3], $0x80, $0x38;
	[tilespmem:$0x8100] =	vst v63  }
0x4d: {  	_ =	swait.ge [sflag:s19], $0x80  }
0x4e: {  	[sflag:s19] =	ssyncset.done $0x0  }
0x4f: {  	[sflag:s19] =	ssyncadd.s32 $0xFFFFFF80  }
0x50: {  	[tilespmem:s20], [sflag:$0x2] =	stream.indirect.gather [hbm4b:s4+s17], $0x80, s18, s17, $0xb8;
	[tilespmem:$0x8100] =	vst v63  }
0x51: {  	_ =	swait.ge [sflag:s21], $0x4000  }
0x52: {  	[sflag:s21] =	ssyncset.done $0x0  }
0x53: {  	[sflag:s21] =	ssyncadd.s32 $0xFFFFC000  }
0x54: {  	[hbm4b:s10+s3] =	stream.linear.scatter [tilespmem:s17], [sflag:$0x4], $0x4000, $0x38;
	[tilespmem:$0x8100] =	vst v63  }
0x55: {  	_ =	swait.ge [sflag:s19], $0x4000  }
0x56: {  	[sflag:s19] =	ssyncset.done $0x0  }
0x57: {  	[sflag:s19] =	ssyncadd.s32 $0xFFFFC000  }
0x58: {  	_ =	swait.ge [sflag:s22], $0x4000  }
0x59: {  	[sflag:s22] =	ssyncset.done $0x0  }
0x5a: {  	[sflag:s22] =	ssyncadd.s32 $0xFFFFC000  }
0x5b: {  	[hbm4b:s11+s3] =	stream.linear.scatter [tilespmem:s20], [sflag:$0x3], $0x4000, $0x38;
	[tilespmem:$0x8100] =	vst v63  }
0x5c: {  	_ =	swait.ge [sflag:s16], $0x4000  }
0x5d: {  	[sflag:s16] =	ssyncset.done $0x0  }
0x5e: {  	[sflag:s16] =	ssyncadd.s32 $0xFFFFC000  }
0x5f: {  	[tilespmem:s3], [sflag:$0x3] =	stream.linear.gather [hbm4b:s6+s3], $0x20, $0x38;
	[tilespmem:$0x8100] =	vst v63  }
0x60: {  	_ =	swait.ge [sflag:s16], $0x20  }
0x61: {  	[sflag:s16] =	ssyncset.done $0x0  }
0x62: {  	[sflag:s16] =	ssyncadd.s32 $0xFFFFFFE0  }
0x63: {  	[tilespmem:s17], [sflag:$0x3] =	stream.indirect.gather [hbm4b:s4+s23], $0x80, s3, s23, $0xb8;
	[tilespmem:$0x8100] =	vst v63  }
0x64: {  	s24 =	sadd.s32 $0x1, s24;
	_ =	swait.ge [sflag:s16], $0x1000  }
0x65: {  	p0 =	sne.s32 s24, s8;
	[sflag:s16] =	ssyncset.done $0x0  }
.Ltmp1:
0x66: {  	[sflag:s16] =	ssyncadd.s32 $0xFFFFF000;
	(pc) =	sbr.rel @p0 .LBB2_1-.Ltmp1, $4  }
0x67: {  	[hbm4b:s7+s3] =	stream.linear.scatter [tilespmem:s17], [sflag:$0x3], $0x1000, $0x38;
	[tilespmem:$0x8100] =	vst v63  }
0x68: {  	_ =	swait.ge [sflag:s16], $0x1000  }
0x69: {  	[sflag:s16] =	ssyncset.done $0x0  }
0x6a: {  	[sflag:s16] =	ssyncadd.s32 $0xFFFFF000  }
0x6b: {  	_ =	sfence.sel $0x180000  }
0x6c: {  	[bflag:$0x0] =	sbarrier.arrive $0xFFFF  }
0x6d: {  	p0 =	sne.s32 s1, $0x0;
	_ =	strace $0x9000004D  }
0x6e: {  	s0 =	sadd.s32 @!p0 $0x100000, s0;
	[bflag:$0x2] =	sbarrier.arrive $0xFFFF  }
0x6f: {  	[sflag:s0] =	ssyncadd.tile.s32 @!p0 $0x1;
	_ =	shalt  }
.Lfunc_end2:
_tile_overlayer_lowered:
.L_overlay_start_2:
0x70: {  	(tag) =	ssettag $0x2  }
0x71: {  	s0 =	rddreg [dreg:$0x0];
	s2 =	stileid.u32  }
0x72: {  	s1 =	rddreg [dreg:$0x1];
	p0 =	sne.s32 s2, $0x0  }
0x73: {  	s3 =	rddreg [dreg:$0x2];
	[bflag:$0x3] =	sbarrier.arrive $0xFFFF;
	s2 =	simm.s32 @!p0 $0x1C03  }
0x74: {  	[timem:s3], [sflag:s2] =	dma.local @!p0 [hbm:s0], s1  }
0x75: {  	s0 =	simm.s32 @!p0 $0x3  }
0x76: {  	_ =	swait.ge @!p0 [sflag:s0], s1  }
0x77: {  	s1 =	ssub.s32 @!p0 $0x0, s1;
	[sflag:s0] =	ssyncset.done @!p0 $0x0  }
0x78: {  	[sflag:s0] =	ssyncadd.s32 @!p0 s1  }
0x79: {  	[bflag:$0x3] =	sbarrier.arrive $0xFFFF  }
0x7a: {  	_ =	shalt  }

</sc_bundles>
